<compile_context>
chip_gen: v7x
topology: tpu7x:2x2x1
jax: 0.10.2.dev20260603
libtpu: 0.0.44.dev20260713+nightly
codegen_flags: <defaults>
</compile_context>

<pallas_src>
import functools

import jax
import jax.numpy as jnp
from jax import lax
from jax.experimental import pallas as pl
from jax.experimental.pallas import tpu as pltpu
from jax.experimental.pallas import tpu_sc as plsc

L = 16
SUB = 8
LANES = 128


@functools.lru_cache(maxsize=None)
def _make_gather(batch, nf, V, D):
    info = plsc.get_sparse_core_info()
    NC, NS = info.num_cores, info.num_subcores
    NW = NC * NS
    EH = D // SUB
    SH = batch // LANES
    assert SH % NW == 0
    spw = SH // NW
    r_per_w = (batch // NW) * nf
    blk = LANES * nf
    nr = spw * nf

    mesh = plsc.VectorSubcoreMesh(core_axis_name="c", subcore_axis_name="s")

    @functools.partial(
        pl.kernel,
        mesh=mesh,
        out_type=jax.ShapeDtypeStruct((nf, EH, SH, SUB, LANES), jnp.float32),
        scratch_types=[
            pltpu.VMEM((r_per_w,), jnp.int32),
            pltpu.VMEM((nr, LANES), jnp.int32),
            pltpu.VMEM((2, LANES, D), jnp.float32),
            pltpu.VMEM((2, EH * SUB, LANES), jnp.float32),
            pltpu.SemaphoreType.DMA,
            pltpu.SemaphoreType.DMA,
            pltpu.SemaphoreType.DMA,
            pltpu.SemaphoreType.DMA,
        ],
        compiler_params=pltpu.CompilerParams(
            use_tc_tiling_on_sc=False, needs_layout_passes=False
        ),
    )
    def gather_kernel(idx_hbm, table_hbm, out_hbm, idx_v, idx_fm, rows,
                      tiles, sem_g0, sem_g1, sem_o0, sem_o1):
        sem_g = [sem_g0, sem_g1]
        sem_o = [sem_o0, sem_o1]
        wid = lax.axis_index("s") * NC + lax.axis_index("c")
        pltpu.sync_copy(idx_hbm.at[pl.ds(wid * r_per_w, r_per_w)], idx_v)

        lane = lax.iota(jnp.int32, L)
        lane_nf = lane * nf
        zeros = lane * 0
        rowidx = [lane + sl0 * L for sl0 in range(SUB)]

        @plsc.parallel_loop(0, nr, 1, unroll=2)
        def rbody(r):
            shl = r // nf
            f = r % nf
            base = shl * blk + f
            for sl0 in range(SUB):
                vec = plsc.load_gather(
                    idx_v, [lane_nf + (base + sl0 * L * nf)]
                )
                idx_fm.at[r][pl.ds(sl0 * L, L)] = vec

        def fire(r, slot):
            pltpu.async_copy(
                table_hbm.at[idx_fm.at[r]], rows.at[slot], sem_g[slot]
            )

        fire(0, 0)
        fire(1, 1)

        def body(rr, carry):
            for slot in range(2):
                r = rr * 2 + slot
                shl = r // nf
                f = r % nf
                sh = wid * spw + shl

                @pl.when(rr >= 1)
                def _():
                    for _ in range(EH):
                        pltpu.make_async_copy(
                            tiles.at[slot].at[pl.ds(0, SUB)],
                            out_hbm.at[0].at[0].at[0],
                            sem_o[slot],
                        ).wait()

                pltpu.make_async_copy(
                    table_hbm.at[pl.ds(0, LANES)], rows.at[slot],
                    sem_g[slot],
                ).wait()

                @plsc.parallel_loop(0, D, 1, unroll=4)
                def tloop(c, slot=slot):
                    col = zeros + c
                    for sl0 in range(SUB):
                        vec = plsc.load_gather(
                            rows.at[slot], [rowidx[sl0], col]
                        )
                        tiles.at[slot].at[c][pl.ds(sl0 * L, L)] = vec

                for eh in range(EH):
                    pltpu.async_copy(
                        tiles.at[slot].at[pl.ds(eh * SUB, SUB)],
                        out_hbm.at[f].at[eh].at[sh],
                        sem_o[slot],
                    )

                @pl.when(r + 2 < nr)
                def _():
                    fire(r + 2, slot)
            return carry

        lax.fori_loop(0, nr // 2, body, 0)

        for slot in range(2):
            for _ in range(EH):
                pltpu.make_async_copy(
                    tiles.at[slot].at[pl.ds(0, SUB)],
                    out_hbm.at[0].at[0].at[0],
                    sem_o[slot],
                ).wait()

    return gather_kernel


def kernel(x, weight):
    batch, nf = x.shape
    V, D = weight.shape
    idx = x.reshape(batch * nf)
    out5d = _make_gather(batch, nf, V, D)(idx, weight)
    t = jnp.transpose(out5d, (2, 4, 0, 1, 3))
    return t.reshape(batch, nf, D)

# --- scband reference (transcript-rebuilt; emitter-appended) ---
"""Pipeline reference for scband-embedding-32452772889204 (READ-ONLY COPY).

The authoritative reference and input builder live on the scoring server;
editing this copy changes nothing except your own understanding.
"""

import jax, jax.numpy as jnp
import numpy as np

NUM_EMBEDDINGS = 1000000
EMBEDDING_DIM = 32
BATCH = 16384
N_FIELDS = 26


def setup_inputs(seed: int = 0) -> dict:
    key = jax.random.key(seed)
    k1, k2 = jax.random.split(key)
    x = jax.random.randint(k1, (BATCH, N_FIELDS), 0, NUM_EMBEDDINGS, dtype=jnp.int64 if jax.config.jax_enable_x64 else jnp.int32)
    weight = jax.random.normal(k2, (NUM_EMBEDDINGS, EMBEDDING_DIM), dtype=jnp.float32) * 0.02
    return {"x": x, "weight": weight}


def reference(x, weight):
    # F.embedding(x, weight) == gather rows of weight by x
    output = jnp.take(weight, x, axis=0)
    return output

if __name__ == "__main__":
    import jax
    _d = setup_inputs()
    print(jax.jit(kernel)(*tuple(_d.values())))

</pallas_src>

<mosaic_0001>
#map = affine_map<(d0, d1) -> (0)>
#map1 = affine_map<(d0, d1) -> (0, 0)>
#map2 = affine_map<(d0, d1) -> (0, 0, 0, 0, 0)>
module attributes {stable_mosaic.version = 14 : i64} {
  func.func @gather_kernel(%arg0: i32, %arg1: i32, %arg2: memref<425984xi32, #tpu.memory_space<hbm>>, %arg3: memref<1000000x32xf32, #tpu.memory_space<hbm>>, %arg4: memref<26x4x128x8x128xf32, #tpu.memory_space<hbm>>, %arg5: memref<13312xi32, #tpu.memory_space<vmem>>, %arg6: memref<104x128xi32, #tpu.memory_space<vmem>>, %arg7: memref<2x128x32xf32, #tpu.memory_space<vmem>>, %arg8: memref<2x32x128xf32, #tpu.memory_space<vmem>>, %arg9: memref<!tpu.dma_semaphore, #tpu.memory_space<semaphore_mem>>, %arg10: memref<!tpu.dma_semaphore, #tpu.memory_space<semaphore_mem>>, %arg11: memref<!tpu.dma_semaphore, #tpu.memory_space<semaphore_mem>>, %arg12: memref<!tpu.dma_semaphore, #tpu.memory_space<semaphore_mem>>) attributes {dimension_semantics = [#tpu.dimension_semantics<core_parallel>, #tpu.dimension_semantics<subcore_parallel>], iteration_bounds = array<i64: 2, 16>, scalar_prefetch = 0 : i64, scratch_operands = 8 : i64, tpu.core_type = #tpu.core_type<sc_vector_subcore>, window_params = [{transform_indices = #map}, {transform_indices = #map1}, {transform_indices = #map2}]} {
    %mul3A = arith.constant 2 : i32
    %mul3A_0 = arith.muli %arg1, %mul3A : i32
    %add3A = arith.addi %mul3A_0, %arg0 : i32
    %mul3A_1 = arith.constant 13312 : i32
    %mul3A_2 = arith.muli %add3A, %mul3A_1 : i32
    "tpu.region"() ({
      %run_scoped3A = tpu.sem_alloc : memref<!tpu.dma_semaphore, #tpu.memory_space<semaphore_mem>>
      %dma_start3A_446 = tpu.memref_slice %arg2[%mul3A_2] : memref<425984xi32, #tpu.memory_space<hbm>> -> memref<13312xi32, #tpu.memory_space<hbm>>
      %dma_start3A_447 = tpu.memref_slice %arg2[%mul3A_2] : memref<425984xi32, #tpu.memory_space<hbm>> -> memref<13312xi32, #tpu.memory_space<hbm>>
      tpu.enqueue_dma source(%dma_start3A_447 : memref<13312xi32, #tpu.memory_space<hbm>>) target(%arg5 : memref<13312xi32, #tpu.memory_space<vmem>>) target_semaphore(%run_scoped3A : memref<!tpu.dma_semaphore, #tpu.memory_space<semaphore_mem>>)
      %dma_wait3A_448 = tpu.memref_slice %arg2[%mul3A_2] : memref<425984xi32, #tpu.memory_space<hbm>> -> memref<13312xi32, #tpu.memory_space<hbm>>
      %dma_wait3A_449 = tpu.memref_slice %arg2[%mul3A_2] : memref<425984xi32, #tpu.memory_space<hbm>> -> memref<13312xi32, #tpu.memory_space<hbm>>
      tpu.wait_dma2 semaphore(%run_scoped3A : memref<!tpu.dma_semaphore, #tpu.memory_space<semaphore_mem>>) src(%dma_wait3A_449 : memref<13312xi32, #tpu.memory_space<hbm>>) dst(%arg5 : memref<13312xi32, #tpu.memory_space<vmem>>)
      tpu.yield
    }) : () -> ()
    %iota3A = tpu.iota {dimensions = array<i32: 0>} : vector<16xi32>
    %mul3A_3 = arith.constant 26 : i32
    %mul3A_4 = vector.broadcast %mul3A_3 : i32 to vector<16xi32>
    %mul3A_5 = arith.muli %iota3A, %mul3A_4 : vector<16xi32>
    %mul3A_6 = arith.constant 0 : i32
    %mul3A_7 = vector.broadcast %mul3A_6 : i32 to vector<16xi32>
    %mul3A_8 = arith.muli %iota3A, %mul3A_7 : vector<16xi32>
    %add3A_9 = arith.constant 0 : i32
    %add3A_10 = vector.broadcast %add3A_9 : i32 to vector<16xi32>
    %add3A_11 = arith.addi %iota3A, %add3A_10 : vector<16xi32>
    %add3A_12 = arith.constant 16 : i32
    %add3A_13 = vector.broadcast %add3A_12 : i32 to vector<16xi32>
    %add3A_14 = arith.addi %iota3A, %add3A_13 : vector<16xi32>
    %add3A_15 = arith.constant 32 : i32
    %add3A_16 = vector.broadcast %add3A_15 : i32 to vector<16xi32>
    %add3A_17 = arith.addi %iota3A, %add3A_16 : vector<16xi32>
    %add3A_18 = arith.constant 48 : i32
    %add3A_19 = vector.broadcast %add3A_18 : i32 to vector<16xi32>
    %add3A_20 = arith.addi %iota3A, %add3A_19 : vector<16xi32>
    %add3A_21 = arith.constant 64 : i32
    %add3A_22 = vector.broadcast %add3A_21 : i32 to vector<16xi32>
    %add3A_23 = arith.addi %iota3A, %add3A_22 : vector<16xi32>
    %add3A_24 = arith.constant 80 : i32
    %add3A_25 = vector.broadcast %add3A_24 : i32 to vector<16xi32>
    %add3A_26 = arith.addi %iota3A, %add3A_25 : vector<16xi32>
    %add3A_27 = arith.constant 96 : i32
    %add3A_28 = vector.broadcast %add3A_27 : i32 to vector<16xi32>
    %add3A_29 = arith.addi %iota3A, %add3A_28 : vector<16xi32>
    %add3A_30 = arith.constant 112 : i32
    %add3A_31 = vector.broadcast %add3A_30 : i32 to vector<16xi32>
    %add3A_32 = arith.addi %iota3A, %add3A_31 : vector<16xi32>
    %parallel_loop3A = arith.constant 0 : i32
    %parallel_loop3A_33 = arith.constant 104 : i32
    %parallel_loop3A_34 = arith.constant 1 : i32
    scf.for %parallel_loop3A_446 = %parallel_loop3A to %parallel_loop3A_33 step %parallel_loop3A_34  : i32 {
      %parallel_loop3A_447 = arith.constant 26 : i32
      %parallel_loop3A_448 = arith.divsi %parallel_loop3A_446, %parallel_loop3A_447 : i32
      %parallel_loop3A_449 = arith.constant 0 : i32
      %parallel_loop3A_450 = arith.cmpi sgt, %parallel_loop3A_446, %parallel_loop3A_449 : i32
      %parallel_loop3A_451 = arith.extui %parallel_loop3A_450 : i1 to i32
      %parallel_loop3A_452 = arith.constant 0 : i32
      %parallel_loop3A_453 = arith.cmpi slt, %parallel_loop3A_446, %parallel_loop3A_452 : i32
      %parallel_loop3A_454 = arith.extui %parallel_loop3A_453 : i1 to i32
      %parallel_loop3A_455 = arith.subi %parallel_loop3A_451, %parallel_loop3A_454 : i32
      %parallel_loop3A_456 = arith.constant 0 : i32
      %parallel_loop3A_457 = arith.cmpi sgt, %parallel_loop3A_447, %parallel_loop3A_456 : i32
      %parallel_loop3A_458 = arith.extui %parallel_loop3A_457 : i1 to i32
      %parallel_loop3A_459 = arith.constant 0 : i32
      %parallel_loop3A_460 = arith.cmpi slt, %parallel_loop3A_447, %parallel_loop3A_459 : i32
      %parallel_loop3A_461 = arith.extui %parallel_loop3A_460 : i1 to i32
      %parallel_loop3A_462 = arith.subi %parallel_loop3A_458, %parallel_loop3A_461 : i32
      %parallel_loop3A_463 = arith.cmpi ne, %parallel_loop3A_455, %parallel_loop3A_462 : i32
      %parallel_loop3A_464 = arith.remsi %parallel_loop3A_446, %parallel_loop3A_447 : i32
      %parallel_loop3A_465 = arith.constant 0 : i32
      %parallel_loop3A_466 = arith.cmpi ne, %parallel_loop3A_464, %parallel_loop3A_465 : i32
      %parallel_loop3A_467 = arith.andi %parallel_loop3A_463, %parallel_loop3A_466 : i1
      %parallel_loop3A_468 = arith.constant 1 : i32
      %parallel_loop3A_469 = arith.subi %parallel_loop3A_448, %parallel_loop3A_468 : i32
      %parallel_loop3A_470 = arith.select %parallel_loop3A_467, %parallel_loop3A_469, %parallel_loop3A_448 : i32
      %parallel_loop3A_471 = arith.constant 26 : i32
      %parallel_loop3A_472 = arith.constant 0 : i32
      %parallel_loop3A_473 = arith.cmpi eq, %parallel_loop3A_471, %parallel_loop3A_472 : i32
      %parallel_loop3A_474 = arith.constant 1 : i32
      %parallel_loop3A_475 = arith.select %parallel_loop3A_473, %parallel_loop3A_474, %parallel_loop3A_471 : i32
      %parallel_loop3A_476 = arith.remsi %parallel_loop3A_446, %parallel_loop3A_475 : i32
      %parallel_loop3A_477 = arith.constant 0 : i32
      %parallel_loop3A_478 = arith.cmpi ne, %parallel_loop3A_476, %parallel_loop3A_477 : i32
      %parallel_loop3A_479 = arith.constant 0 : i32
      %parallel_loop3A_480 = arith.cmpi slt, %parallel_loop3A_476, %parallel_loop3A_479 : i32
      %parallel_loop3A_481 = arith.constant 0 : i32
      %parallel_loop3A_482 = arith.cmpi slt, %parallel_loop3A_475, %parallel_loop3A_481 : i32
      %parallel_loop3A_483 = arith.xori %parallel_loop3A_480, %parallel_loop3A_482 : i1
      %parallel_loop3A_484 = arith.andi %parallel_loop3A_483, %parallel_loop3A_478 : i1
      %parallel_loop3A_485 = arith.addi %parallel_loop3A_476, %parallel_loop3A_475 : i32
      %parallel_loop3A_486 = arith.select %parallel_loop3A_484, %parallel_loop3A_485, %parallel_loop3A_476 : i32
      %parallel_loop3A_487 = arith.constant 3328 : i32
      %parallel_loop3A_488 = arith.muli %parallel_loop3A_470, %parallel_loop3A_487 : i32
      %parallel_loop3A_489 = arith.addi %parallel_loop3A_488, %parallel_loop3A_486 : i32
      %parallel_loop3A_490 = arith.constant 0 : i32
      %parallel_loop3A_491 = arith.addi %parallel_loop3A_489, %parallel_loop3A_490 : i32
      %parallel_loop3A_492 = vector.broadcast %parallel_loop3A_491 : i32 to vector<16xi32>
      %parallel_loop3A_493 = arith.addi %mul3A_5, %parallel_loop3A_492 : vector<16xi32>
      %parallel_loop3A_494 = tpu.vector_load_idx %arg5[%parallel_loop3A_493] : memref<13312xi32, #tpu.memory_space<vmem>>[vector<16xi32>], vector<16xi32>,
      %parallel_loop3A_495 = arith.constant 0 : i32
      %parallel_loop3A_496 = tpu.memref_slice %arg6[%parallel_loop3A_446, %parallel_loop3A_495] : memref<104x128xi32, #tpu.memory_space<vmem>> -> memref<1x128xi32, #tpu.memory_space<vmem>>
      %parallel_loop3A_497 = tpu.memref_squeeze %parallel_loop3A_496 : memref<1x128xi32, #tpu.memory_space<vmem>> -> memref<128xi32, #tpu.memory_space<vmem>>
      %parallel_loop3A_498 = arith.constant 0 : index
      %parallel_loop3A_499 = tpu.vector_load %parallel_loop3A_497[%parallel_loop3A_498] {strides = array<i32>} : memref<128xi32, #tpu.memory_space<vmem>>, vector<16xi32>,
      tpu.vector_store %parallel_loop3A_497[%parallel_loop3A_498], %parallel_loop3A_494 {strides = array<i32>} : memref<128xi32, #tpu.memory_space<vmem>>, vector<16xi32>,
      %parallel_loop3A_500 = arith.constant 416 : i32
      %parallel_loop3A_501 = arith.addi %parallel_loop3A_489, %parallel_loop3A_500 : i32
      %parallel_loop3A_502 = vector.broadcast %parallel_loop3A_501 : i32 to vector<16xi32>
      %parallel_loop3A_503 = arith.addi %mul3A_5, %parallel_loop3A_502 : vector<16xi32>
      %parallel_loop3A_504 = tpu.vector_load_idx %arg5[%parallel_loop3A_503] : memref<13312xi32, #tpu.memory_space<vmem>>[vector<16xi32>], vector<16xi32>,
      %parallel_loop3A_505 = arith.constant 0 : i32
      %parallel_loop3A_506 = tpu.memref_slice %arg6[%parallel_loop3A_446, %parallel_loop3A_505] : memref<104x128xi32, #tpu.memory_space<vmem>> -> memref<1x128xi32, #tpu.memory_space<vmem>>
      %parallel_loop3A_507 = tpu.memref_squeeze %parallel_loop3A_506 : memref<1x128xi32, #tpu.memory_space<vmem>> -> memref<128xi32, #tpu.memory_space<vmem>>
      %parallel_loop3A_508 = arith.constant 16 : index
      %parallel_loop3A_509 = tpu.vector_load %parallel_loop3A_507[%parallel_loop3A_508] {strides = array<i32>} : memref<128xi32, #tpu.memory_space<vmem>>, vector<16xi32>,
      tpu.vector_store %parallel_loop3A_507[%parallel_loop3A_508], %parallel_loop3A_504 {strides = array<i32>} : memref<128xi32, #tpu.memory_space<vmem>>, vector<16xi32>,
      %parallel_loop3A_510 = arith.constant 832 : i32
      %parallel_loop3A_511 = arith.addi %parallel_loop3A_489, %parallel_loop3A_510 : i32
      %parallel_loop3A_512 = vector.broadcast %parallel_loop3A_511 : i32 to vector<16xi32>
      %parallel_loop3A_513 = arith.addi %mul3A_5, %parallel_loop3A_512 : vector<16xi32>
      %parallel_loop3A_514 = tpu.vector_load_idx %arg5[%parallel_loop3A_513] : memref<13312xi32, #tpu.memory_space<vmem>>[vector<16xi32>], vector<16xi32>,
      %parallel_loop3A_515 = arith.constant 0 : i32
      %parallel_loop3A_516 = tpu.memref_slice %arg6[%parallel_loop3A_446, %parallel_loop3A_515] : memref<104x128xi32, #tpu.memory_space<vmem>> -> memref<1x128xi32, #tpu.memory_space<vmem>>
      %parallel_loop3A_517 = tpu.memref_squeeze %parallel_loop3A_516 : memref<1x128xi32, #tpu.memory_space<vmem>> -> memref<128xi32, #tpu.memory_space<vmem>>
      %parallel_loop3A_518 = arith.constant 32 : index
      %parallel_loop3A_519 = tpu.vector_load %parallel_loop3A_517[%parallel_loop3A_518] {strides = array<i32>} : memref<128xi32, #tpu.memory_space<vmem>>, vector<16xi32>,
      tpu.vector_store %parallel_loop3A_517[%parallel_loop3A_518], %parallel_loop3A_514 {strides = array<i32>} : memref<128xi32, #tpu.memory_space<vmem>>, vector<16xi32>,
      %parallel_loop3A_520 = arith.constant 1248 : i32
      %parallel_loop3A_521 = arith.addi %parallel_loop3A_489, %parallel_loop3A_520 : i32
      %parallel_loop3A_522 = vector.broadcast %parallel_loop3A_521 : i32 to vector<16xi32>
      %parallel_loop3A_523 = arith.addi %mul3A_5, %parallel_loop3A_522 : vector<16xi32>
      %parallel_loop3A_524 = tpu.vector_load_idx %arg5[%parallel_loop3A_523] : memref<13312xi32, #tpu.memory_space<vmem>>[vector<16xi32>], vector<16xi32>,
      %parallel_loop3A_525 = arith.constant 0 : i32
      %parallel_loop3A_526 = tpu.memref_slice %arg6[%parallel_loop3A_446, %parallel_loop3A_525] : memref<104x128xi32, #tpu.memory_space<vmem>> -> memref<1x128xi32, #tpu.memory_space<vmem>>
      %parallel_loop3A_527 = tpu.memref_squeeze %parallel_loop3A_526 : memref<1x128xi32, #tpu.memory_space<vmem>> -> memref<128xi32, #tpu.memory_space<vmem>>
      %parallel_loop3A_528 = arith.constant 48 : index
      %parallel_loop3A_529 = tpu.vector_load %parallel_loop3A_527[%parallel_loop3A_528] {strides = array<i32>} : memref<128xi32, #tpu.memory_space<vmem>>, vector<16xi32>,
      tpu.vector_store %parallel_loop3A_527[%parallel_loop3A_528], %parallel_loop3A_524 {strides = array<i32>} : memref<128xi32, #tpu.memory_space<vmem>>, vector<16xi32>,
      %parallel_loop3A_530 = arith.constant 1664 : i32
      %parallel_loop3A_531 = arith.addi %parallel_loop3A_489, %parallel_loop3A_530 : i32
      %parallel_loop3A_532 = vector.broadcast %parallel_loop3A_531 : i32 to vector<16xi32>
      %parallel_loop3A_533 = arith.addi %mul3A_5, %parallel_loop3A_532 : vector<16xi32>
      %parallel_loop3A_534 = tpu.vector_load_idx %arg5[%parallel_loop3A_533] : memref<13312xi32, #tpu.memory_space<vmem>>[vector<16xi32>], vector<16xi32>,
      %parallel_loop3A_535 = arith.constant 0 : i32
      %parallel_loop3A_536 = tpu.memref_slice %arg6[%parallel_loop3A_446, %parallel_loop3A_535] : memref<104x128xi32, #tpu.memory_space<vmem>> -> memref<1x128xi32, #tpu.memory_space<vmem>>
      %parallel_loop3A_537 = tpu.memref_squeeze %parallel_loop3A_536 : memref<1x128xi32, #tpu.memory_space<vmem>> -> memref<128xi32, #tpu.memory_space<vmem>>
      %parallel_loop3A_538 = arith.constant 64 : index
      %parallel_loop3A_539 = tpu.vector_load %parallel_loop3A_537[%parallel_loop3A_538] {strides = array<i32>} : memref<128xi32, #tpu.memory_space<vmem>>, vector<16xi32>,
      tpu.vector_store %parallel_loop3A_537[%parallel_loop3A_538], %parallel_loop3A_534 {strides = array<i32>} : memref<128xi32, #tpu.memory_space<vmem>>, vector<16xi32>,
      %parallel_loop3A_540 = arith.constant 2080 : i32
      %parallel_loop3A_541 = arith.addi %parallel_loop3A_489, %parallel_loop3A_540 : i32
      %parallel_loop3A_542 = vector.broadcast %parallel_loop3A_541 : i32 to vector<16xi32>
      %parallel_loop3A_543 = arith.addi %mul3A_5, %parallel_loop3A_542 : vector<16xi32>
      %parallel_loop3A_544 = tpu.vector_load_idx %arg5[%parallel_loop3A_543] : memref<13312xi32, #tpu.memory_space<vmem>>[vector<16xi32>], vector<16xi32>,
      %parallel_loop3A_545 = arith.constant 0 : i32
      %parallel_loop3A_546 = tpu.memref_slice %arg6[%parallel_loop3A_446, %parallel_loop3A_545] : memref<104x128xi32, #tpu.memory_space<vmem>> -> memref<1x128xi32, #tpu.memory_space<vmem>>
      %parallel_loop3A_547 = tpu.memref_squeeze %parallel_loop3A_546 : memref<1x128xi32, #tpu.memory_space<vmem>> -> memref<128xi32, #tpu.memory_space<vmem>>
      %parallel_loop3A_548 = arith.constant 80 : index
      %parallel_loop3A_549 = tpu.vector_load %parallel_loop3A_547[%parallel_loop3A_548] {strides = array<i32>} : memref<128xi32, #tpu.memory_space<vmem>>, vector<16xi32>,
      tpu.vector_store %parallel_loop3A_547[%parallel_loop3A_548], %parallel_loop3A_544 {strides = array<i32>} : memref<128xi32, #tpu.memory_space<vmem>>, vector<16xi32>,
      %parallel_loop3A_550 = arith.constant 2496 : i32
      %parallel_loop3A_551 = arith.addi %parallel_loop3A_489, %parallel_loop3A_550 : i32
      %parallel_loop3A_552 = vector.broadcast %parallel_loop3A_551 : i32 to vector<16xi32>
      %parallel_loop3A_553 = arith.addi %mul3A_5, %parallel_loop3A_552 : vector<16xi32>
      %parallel_loop3A_554 = tpu.vector_load_idx %arg5[%parallel_loop3A_553] : memref<13312xi32, #tpu.memory_space<vmem>>[vector<16xi32>], vector<16xi32>,
      %parallel_loop3A_555 = arith.constant 0 : i32
      %parallel_loop3A_556 = tpu.memref_slice %arg6[%parallel_loop3A_446, %parallel_loop3A_555] : memref<104x128xi32, #tpu.memory_space<vmem>> -> memref<1x128xi32, #tpu.memory_space<vmem>>
      %parallel_loop3A_557 = tpu.memref_squeeze %parallel_loop3A_556 : memref<1x128xi32, #tpu.memory_space<vmem>> -> memref<128xi32, #tpu.memory_space<vmem>>
      %parallel_loop3A_558 = arith.constant 96 : index
      %parallel_loop3A_559 = tpu.vector_load %parallel_loop3A_557[%parallel_loop3A_558] {strides = array<i32>} : memref<128xi32, #tpu.memory_space<vmem>>, vector<16xi32>,
      tpu.vector_store %parallel_loop3A_557[%parallel_loop3A_558], %parallel_loop3A_554 {strides = array<i32>} : memref<128xi32, #tpu.memory_space<vmem>>, vector<16xi32>,
      %parallel_loop3A_560 = arith.constant 2912 : i32
      %parallel_loop3A_561 = arith.addi %parallel_loop3A_489, %parallel_loop3A_560 : i32
      %parallel_loop3A_562 = vector.broadcast %parallel_loop3A_561 : i32 to vector<16xi32>
      %parallel_loop3A_563 = arith.addi %mul3A_5, %parallel_loop3A_562 : vector<16xi32>
      %parallel_loop3A_564 = tpu.vector_load_idx %arg5[%parallel_loop3A_563] : memref<13312xi32, #tpu.memory_space<vmem>>[vector<16xi32>], vector<16xi32>,
      %parallel_loop3A_565 = arith.constant 0 : i32
      %parallel_loop3A_566 = tpu.memref_slice %arg6[%parallel_loop3A_446, %parallel_loop3A_565] : memref<104x128xi32, #tpu.memory_space<vmem>> -> memref<1x128xi32, #tpu.memory_space<vmem>>
      %parallel_loop3A_567 = tpu.memref_squeeze %parallel_loop3A_566 : memref<1x128xi32, #tpu.memory_space<vmem>> -> memref<128xi32, #tpu.memory_space<vmem>>
      %parallel_loop3A_568 = arith.constant 112 : index
      %parallel_loop3A_569 = tpu.vector_load %parallel_loop3A_567[%parallel_loop3A_568] {strides = array<i32>} : memref<128xi32, #tpu.memory_space<vmem>>, vector<16xi32>,
      tpu.vector_store %parallel_loop3A_567[%parallel_loop3A_568], %parallel_loop3A_564 {strides = array<i32>} : memref<128xi32, #tpu.memory_space<vmem>>, vector<16xi32>,
    } {sc.loop_unroll_factor = 2 : i64, sc.parallel_access}
    %dma_start3A = arith.constant 0 : i32
    %dma_start3A_35 = arith.constant 0 : i32
    %dma_start3A_36 = arith.constant 0 : i32
    %dma_start3A_37 = arith.constant 0 : i32
    %dma_start3A_38 = tpu.memref_slice %arg7[%dma_start3A_35, %dma_start3A_36, %dma_start3A_37] : memref<2x128x32xf32, #tpu.memory_space<vmem>> -> memref<1x128x32xf32, #tpu.memory_space<vmem>>
    %dma_start3A_39 = tpu.memref_squeeze %dma_start3A_38 : memref<1x128x32xf32, #tpu.memory_space<vmem>> -> memref<128x32xf32, #tpu.memory_space<vmem>>
    %dma_start3A_40 = arith.constant 0 : i32
    %dma_start3A_41 = tpu.memref_slice %arg6[%dma_start3A, %dma_start3A_40] : memref<104x128xi32, #tpu.memory_space<vmem>> -> memref<1x128xi32, #tpu.memory_space<vmem>>
    %dma_start3A_42 = tpu.memref_squeeze %dma_start3A_41 : memref<1x128xi32, #tpu.memory_space<vmem>> -> memref<128xi32, #tpu.memory_space<vmem>>
    %dma_start3A_43 = arith.constant 0 : i32
    %dma_start3A_44 = arith.constant 0 : i32
    %dma_start3A_45 = tpu.memref_slice %arg3[%dma_start3A_43, %dma_start3A_44] : memref<1000000x32xf32, #tpu.memory_space<hbm>> -> memref<1000000x32xf32, #tpu.memory_space<hbm>>
    tpu.enqueue_indirect_dma source(%dma_start3A_45 : memref<1000000x32xf32, #tpu.memory_space<hbm>>) target(%dma_start3A_39 : memref<128x32xf32, #tpu.memory_space<vmem>>) offsets(%dma_start3A_42 : memref<128xi32, #tpu.memory_space<vmem>>) semaphore(%arg9 : memref<!tpu.dma_semaphore, #tpu.memory_space<semaphore_mem>>)
    %dma_start3A_46 = arith.constant 1 : i32
    %dma_start3A_47 = arith.constant 1 : i32
    %dma_start3A_48 = arith.constant 0 : i32
    %dma_start3A_49 = arith.constant 0 : i32
    %dma_start3A_50 = tpu.memref_slice %arg7[%dma_start3A_47, %dma_start3A_48, %dma_start3A_49] : memref<2x128x32xf32, #tpu.memory_space<vmem>> -> memref<1x128x32xf32, #tpu.memory_space<vmem>>
    %dma_start3A_51 = tpu.memref_squeeze %dma_start3A_50 : memref<1x128x32xf32, #tpu.memory_space<vmem>> -> memref<128x32xf32, #tpu.memory_space<vmem>>
    %dma_start3A_52 = arith.constant 0 : i32
    %dma_start3A_53 = tpu.memref_slice %arg6[%dma_start3A_46, %dma_start3A_52] : memref<104x128xi32, #tpu.memory_space<vmem>> -> memref<1x128xi32, #tpu.memory_space<vmem>>
    %dma_start3A_54 = tpu.memref_squeeze %dma_start3A_53 : memref<1x128xi32, #tpu.memory_space<vmem>> -> memref<128xi32, #tpu.memory_space<vmem>>
    %dma_start3A_55 = arith.constant 0 : i32
    %dma_start3A_56 = arith.constant 0 : i32
    %dma_start3A_57 = tpu.memref_slice %arg3[%dma_start3A_55, %dma_start3A_56] : memref<1000000x32xf32, #tpu.memory_space<hbm>> -> memref<1000000x32xf32, #tpu.memory_space<hbm>>
    tpu.enqueue_indirect_dma source(%dma_start3A_57 : memref<1000000x32xf32, #tpu.memory_space<hbm>>) target(%dma_start3A_51 : memref<128x32xf32, #tpu.memory_space<vmem>>) offsets(%dma_start3A_54 : memref<128xi32, #tpu.memory_space<vmem>>) semaphore(%arg10 : memref<!tpu.dma_semaphore, #tpu.memory_space<semaphore_mem>>)
    %scan3A = arith.constant 0 : i32
    %scan3A_58 = arith.constant 0 : i32
    %scan3A_59 = arith.constant 52 : i32
    %scan3A_60 = arith.addi %scan3A_58, %scan3A_59 : i32
    %scan3A_61 = arith.constant 1 : i32
    scf.for %scan3A_446 = %scan3A_58 to %scan3A_60 step %scan3A_61  : i32 {
      %mul3A_447 = arith.constant 2 : i32
      %mul3A_448 = arith.muli %scan3A_446, %mul3A_447 : i32
      %add3A_449 = arith.constant 0 : i32
      %add3A_450 = arith.addi %mul3A_448, %add3A_449 : i32
      %jit3A = arith.constant 26 : i32
      %div3A = arith.divsi %add3A_450, %jit3A : i32
      %sign3A = arith.constant 0 : i32
      %sign3A_451 = arith.cmpi sgt, %add3A_450, %sign3A : i32
      %sign3A_452 = arith.extui %sign3A_451 : i1 to i32
      %sign3A_453 = arith.constant 0 : i32
      %sign3A_454 = arith.cmpi slt, %add3A_450, %sign3A_453 : i32
      %sign3A_455 = arith.extui %sign3A_454 : i1 to i32
      %sign3A_456 = arith.subi %sign3A_452, %sign3A_455 : i32
      %sign3A_457 = arith.constant 0 : i32
      %sign3A_458 = arith.cmpi sgt, %jit3A, %sign3A_457 : i32
      %sign3A_459 = arith.extui %sign3A_458 : i1 to i32
      %sign3A_460 = arith.constant 0 : i32
      %sign3A_461 = arith.cmpi slt, %jit3A, %sign3A_460 : i32
      %sign3A_462 = arith.extui %sign3A_461 : i1 to i32
      %sign3A_463 = arith.subi %sign3A_459, %sign3A_462 : i32
      %ne3A = arith.cmpi ne, %sign3A_456, %sign3A_463 : i32
      %rem3A = arith.remsi %add3A_450, %jit3A : i32
      %ne3A_464 = arith.constant 0 : i32
      %ne3A_465 = arith.cmpi ne, %rem3A, %ne3A_464 : i32
      %and3A = arith.andi %ne3A, %ne3A_465 : i1
      %sub3A = arith.constant 1 : i32
      %sub3A_466 = arith.subi %div3A, %sub3A : i32
      %select_n3A = arith.select %and3A, %sub3A_466, %div3A : i32
      %jit3A_467 = arith.constant 26 : i32
      %eq3A = arith.constant 0 : i32
      %eq3A_468 = arith.cmpi eq, %jit3A_467, %eq3A : i32
      %jit3A_469 = arith.constant 1 : i32
      %select_n3A_470 = arith.select %eq3A_468, %jit3A_469, %jit3A_467 : i32
      %rem3A_471 = arith.remsi %add3A_450, %select_n3A_470 : i32
      %ne3A_472 = arith.constant 0 : i32
      %ne3A_473 = arith.cmpi ne, %rem3A_471, %ne3A_472 : i32
      %lt3A = arith.constant 0 : i32
      %lt3A_474 = arith.cmpi slt, %rem3A_471, %lt3A : i32
      %lt3A_475 = arith.constant 0 : i32
      %lt3A_476 = arith.cmpi slt, %select_n3A_470, %lt3A_475 : i32
      %ne3A_477 = arith.xori %lt3A_474, %lt3A_476 : i1
      %and3A_478 = arith.andi %ne3A_477, %ne3A_473 : i1
      %add3A_479 = arith.addi %rem3A_471, %select_n3A_470 : i32
      %select_n3A_480 = arith.select %and3A_478, %add3A_479, %rem3A_471 : i32
      %mul3A_481 = arith.constant 4 : i32
      %mul3A_482 = arith.muli %add3A, %mul3A_481 : i32
      %add3A_483 = arith.addi %mul3A_482, %select_n3A : i32
      %ge3A = arith.constant 1 : i32
      %ge3A_484 = arith.cmpi sge, %scan3A_446, %ge3A : i32
      %convert_element_type3A = arith.extui %ge3A_484 : i1 to i32
      %cond3A = arith.constant 0 : i32
      %cond3A_485 = arith.cmpi ne, %convert_element_type3A, %cond3A : i32
      scf.if %cond3A_485 {
        %dma_wait3A_956 = arith.constant 0 : i32
        %dma_wait3A_957 = arith.constant 0 : i32
        %dma_wait3A_958 = arith.constant 0 : i32
        %dma_wait3A_959 = arith.constant 0 : i32
        %dma_wait3A_960 = arith.constant 0 : i32
        %dma_wait3A_961 = arith.constant 0 : i32
        %dma_wait3A_962 = tpu.memref_slice %arg8[%dma_wait3A_956, %dma_wait3A_960, %dma_wait3A_961] : memref<2x32x128xf32, #tpu.memory_space<vmem>> -> memref<1x32x128xf32, #tpu.memory_space<vmem>>
        %dma_wait3A_963 = tpu.memref_squeeze %dma_wait3A_962 : memref<1x32x128xf32, #tpu.memory_space<vmem>> -> memref<32x128xf32, #tpu.memory_space<vmem>>
        %dma_wait3A_964 = arith.constant 0 : i32
        %dma_wait3A_965 = arith.constant 0 : i32
        %dma_wait3A_966 = tpu.memref_slice %dma_wait3A_963[%dma_wait3A_964, %dma_wait3A_965] : memref<32x128xf32, #tpu.memory_space<vmem>> -> memref<8x128xf32, #tpu.memory_space<vmem>>
        %dma_wait3A_967 = arith.constant 0 : i32
        %dma_wait3A_968 = arith.constant 0 : i32
        %dma_wait3A_969 = arith.constant 0 : i32
        %dma_wait3A_970 = arith.constant 0 : i32
        %dma_wait3A_971 = tpu.memref_slice %arg4[%dma_wait3A_957, %dma_wait3A_967, %dma_wait3A_968, %dma_wait3A_969, %dma_wait3A_970] : memref<26x4x128x8x128xf32, #tpu.memory_space<hbm>> -> memref<1x4x128x8x128xf32, #tpu.memory_space<hbm>>
        %dma_wait3A_972 = tpu.memref_squeeze %dma_wait3A_971 : memref<1x4x128x8x128xf32, #tpu.memory_space<hbm>> -> memref<4x128x8x128xf32, #tpu.memory_space<hbm>>
        %dma_wait3A_973 = arith.constant 0 : i32
        %dma_wait3A_974 = arith.constant 0 : i32
        %dma_wait3A_975 = arith.constant 0 : i32
        %dma_wait3A_976 = tpu.memref_slice %dma_wait3A_972[%dma_wait3A_958, %dma_wait3A_973, %dma_wait3A_974, %dma_wait3A_975] : memref<4x128x8x128xf32, #tpu.memory_space<hbm>> -> memref<1x128x8x128xf32, #tpu.memory_space<hbm>>
        %dma_wait3A_977 = tpu.memref_squeeze %dma_wait3A_976 : memref<1x128x8x128xf32, #tpu.memory_space<hbm>> -> memref<128x8x128xf32, #tpu.memory_space<hbm>>
        %dma_wait3A_978 = arith.constant 0 : i32
        %dma_wait3A_979 = arith.constant 0 : i32
        %dma_wait3A_980 = tpu.memref_slice %dma_wait3A_977[%dma_wait3A_959, %dma_wait3A_978, %dma_wait3A_979] : memref<128x8x128xf32, #tpu.memory_space<hbm>> -> memref<1x8x128xf32, #tpu.memory_space<hbm>>
        %dma_wait3A_981 = tpu.memref_squeeze %dma_wait3A_980 : memref<1x8x128xf32, #tpu.memory_space<hbm>> -> memref<8x128xf32, #tpu.memory_space<hbm>>
        %dma_wait3A_982 = arith.constant 0 : i32
        %dma_wait3A_983 = arith.constant 0 : i32
        %dma_wait3A_984 = arith.constant 0 : i32
        %dma_wait3A_985 = arith.constant 0 : i32
        %dma_wait3A_986 = tpu.memref_slice %arg4[%dma_wait3A_957, %dma_wait3A_982, %dma_wait3A_983, %dma_wait3A_984, %dma_wait3A_985] : memref<26x4x128x8x128xf32, #tpu.memory_space<hbm>> -> memref<1x4x128x8x128xf32, #tpu.memory_space<hbm>>
        %dma_wait3A_987 = tpu.memref_squeeze %dma_wait3A_986 : memref<1x4x128x8x128xf32, #tpu.memory_space<hbm>> -> memref<4x128x8x128xf32, #tpu.memory_space<hbm>>
        %dma_wait3A_988 = arith.constant 0 : i32
        %dma_wait3A_989 = arith.constant 0 : i32
        %dma_wait3A_990 = arith.constant 0 : i32
        %dma_wait3A_991 = tpu.memref_slice %dma_wait3A_987[%dma_wait3A_958, %dma_wait3A_988, %dma_wait3A_989, %dma_wait3A_990] : memref<4x128x8x128xf32, #tpu.memory_space<hbm>> -> memref<1x128x8x128xf32, #tpu.memory_space<hbm>>
        %dma_wait3A_992 = tpu.memref_squeeze %dma_wait3A_991 : memref<1x128x8x128xf32, #tpu.memory_space<hbm>> -> memref<128x8x128xf32, #tpu.memory_space<hbm>>
        %dma_wait3A_993 = arith.constant 0 : i32
        %dma_wait3A_994 = arith.constant 0 : i32
        %dma_wait3A_995 = tpu.memref_slice %dma_wait3A_992[%dma_wait3A_959, %dma_wait3A_993, %dma_wait3A_994] : memref<128x8x128xf32, #tpu.memory_space<hbm>> -> memref<1x8x128xf32, #tpu.memory_space<hbm>>
        %dma_wait3A_996 = tpu.memref_squeeze %dma_wait3A_995 : memref<1x8x128xf32, #tpu.memory_space<hbm>> -> memref<8x128xf32, #tpu.memory_space<hbm>>
        %dma_wait3A_997 = arith.constant 0 : i32
        %dma_wait3A_998 = arith.constant 0 : i32
        %dma_wait3A_999 = tpu.memref_slice %arg8[%dma_wait3A_956, %dma_wait3A_997, %dma_wait3A_998] : memref<2x32x128xf32, #tpu.memory_space<vmem>> -> memref<1x32x128xf32, #tpu.memory_space<vmem>>
        %dma_wait3A_1000 = tpu.memref_squeeze %dma_wait3A_999 : memref<1x32x128xf32, #tpu.memory_space<vmem>> -> memref<32x128xf32, #tpu.memory_space<vmem>>
        %dma_wait3A_1001 = arith.constant 0 : i32
        %dma_wait3A_1002 = arith.constant 0 : i32
        %dma_wait3A_1003 = tpu.memref_slice %dma_wait3A_1000[%dma_wait3A_1001, %dma_wait3A_1002] : memref<32x128xf32, #tpu.memory_space<vmem>> -> memref<8x128xf32, #tpu.memory_space<vmem>>
        tpu.wait_dma2 semaphore(%arg11 : memref<!tpu.dma_semaphore, #tpu.memory_space<semaphore_mem>>) src(%dma_wait3A_1003 : memref<8x128xf32, #tpu.memory_space<vmem>>) dst(%dma_wait3A_996 : memref<8x128xf32, #tpu.memory_space<hbm>>)
        %dma_wait3A_1004 = arith.constant 0 : i32
        %dma_wait3A_1005 = arith.constant 0 : i32
        %dma_wait3A_1006 = arith.constant 0 : i32
        %dma_wait3A_1007 = arith.constant 0 : i32
        %dma_wait3A_1008 = arith.constant 0 : i32
        %dma_wait3A_1009 = arith.constant 0 : i32
        %dma_wait3A_1010 = tpu.memref_slice %arg8[%dma_wait3A_1004, %dma_wait3A_1008, %dma_wait3A_1009] : memref<2x32x128xf32, #tpu.memory_space<vmem>> -> memref<1x32x128xf32, #tpu.memory_space<vmem>>
        %dma_wait3A_1011 = tpu.memref_squeeze %dma_wait3A_1010 : memref<1x32x128xf32, #tpu.memory_space<vmem>> -> memref<32x128xf32, #tpu.memory_space<vmem>>
        %dma_wait3A_1012 = arith.constant 0 : i32
        %dma_wait3A_1013 = arith.constant 0 : i32
        %dma_wait3A_1014 = tpu.memref_slice %dma_wait3A_1011[%dma_wait3A_1012, %dma_wait3A_1013] : memref<32x128xf32, #tpu.memory_space<vmem>> -> memref<8x128xf32, #tpu.memory_space<vmem>>
        %dma_wait3A_1015 = arith.constant 0 : i32
        %dma_wait3A_1016 = arith.constant 0 : i32
        %dma_wait3A_1017 = arith.constant 0 : i32
        %dma_wait3A_1018 = arith.constant 0 : i32
        %dma_wait3A_1019 = tpu.memref_slice %arg4[%dma_wait3A_1005, %dma_wait3A_1015, %dma_wait3A_1016, %dma_wait3A_1017, %dma_wait3A_1018] : memref<26x4x128x8x128xf32, #tpu.memory_space<hbm>> -> memref<1x4x128x8x128xf32, #tpu.memory_space<hbm>>
        %dma_wait3A_1020 = tpu.memref_squeeze %dma_wait3A_1019 : memref<1x4x128x8x128xf32, #tpu.memory_space<hbm>> -> memref<4x128x8x128xf32, #tpu.memory_space<hbm>>
        %dma_wait3A_1021 = arith.constant 0 : i32
        %dma_wait3A_1022 = arith.constant 0 : i32
        %dma_wait3A_1023 = arith.constant 0 : i32
        %dma_wait3A_1024 = tpu.memref_slice %dma_wait3A_1020[%dma_wait3A_1006, %dma_wait3A_1021, %dma_wait3A_1022, %dma_wait3A_1023] : memref<4x128x8x128xf32, #tpu.memory_space<hbm>> -> memref<1x128x8x128xf32, #tpu.memory_space<hbm>>
        %dma_wait3A_1025 = tpu.memref_squeeze %dma_wait3A_1024 : memref<1x128x8x128xf32, #tpu.memory_space<hbm>> -> memref<128x8x128xf32, #tpu.memory_space<hbm>>
        %dma_wait3A_1026 = arith.constant 0 : i32
        %dma_wait3A_1027 = arith.constant 0 : i32
        %dma_wait3A_1028 = tpu.memref_slice %dma_wait3A_1025[%dma_wait3A_1007, %dma_wait3A_1026, %dma_wait3A_1027] : memref<128x8x128xf32, #tpu.memory_space<hbm>> -> memref<1x8x128xf32, #tpu.memory_space<hbm>>
        %dma_wait3A_1029 = tpu.memref_squeeze %dma_wait3A_1028 : memref<1x8x128xf32, #tpu.memory_space<hbm>> -> memref<8x128xf32, #tpu.memory_space<hbm>>
        %dma_wait3A_1030 = arith.constant 0 : i32
        %dma_wait3A_1031 = arith.constant 0 : i32
        %dma_wait3A_1032 = arith.constant 0 : i32
        %dma_wait3A_1033 = arith.constant 0 : i32
        %dma_wait3A_1034 = tpu.memref_slice %arg4[%dma_wait3A_1005, %dma_wait3A_1030, %dma_wait3A_1031, %dma_wait3A_1032, %dma_wait3A_1033] : memref<26x4x128x8x128xf32, #tpu.memory_space<hbm>> -> memref<1x4x128x8x128xf32, #tpu.memory_space<hbm>>
        %dma_wait3A_1035 = tpu.memref_squeeze %dma_wait3A_1034 : memref<1x4x128x8x128xf32, #tpu.memory_space<hbm>> -> memref<4x128x8x128xf32, #tpu.memory_space<hbm>>
        %dma_wait3A_1036 = arith.constant 0 : i32
        %dma_wait3A_1037 = arith.constant 0 : i32
        %dma_wait3A_1038 = arith.constant 0 : i32
        %dma_wait3A_1039 = tpu.memref_slice %dma_wait3A_1035[%dma_wait3A_1006, %dma_wait3A_1036, %dma_wait3A_1037, %dma_wait3A_1038] : memref<4x128x8x128xf32, #tpu.memory_space<hbm>> -> memref<1x128x8x128xf32, #tpu.memory_space<hbm>>
        %dma_wait3A_1040 = tpu.memref_squeeze %dma_wait3A_1039 : memref<1x128x8x128xf32, #tpu.memory_space<hbm>> -> memref<128x8x128xf32, #tpu.memory_space<hbm>>
        %dma_wait3A_1041 = arith.constant 0 : i32
        %dma_wait3A_1042 = arith.constant 0 : i32
        %dma_wait3A_1043 = tpu.memref_slice %dma_wait3A_1040[%dma_wait3A_1007, %dma_wait3A_1041, %dma_wait3A_1042] : memref<128x8x128xf32, #tpu.memory_space<hbm>> -> memref<1x8x128xf32, #tpu.memory_space<hbm>>
        %dma_wait3A_1044 = tpu.memref_squeeze %dma_wait3A_1043 : memref<1x8x128xf32, #tpu.memory_space<hbm>> -> memref<8x128xf32, #tpu.memory_space<hbm>>
        %dma_wait3A_1045 = arith.constant 0 : i32
        %dma_wait3A_1046 = arith.constant 0 : i32
        %dma_wait3A_1047 = tpu.memref_slice %arg8[%dma_wait3A_1004, %dma_wait3A_1045, %dma_wait3A_1046] : memref<2x32x128xf32, #tpu.memory_space<vmem>> -> memref<1x32x128xf32, #tpu.memory_space<vmem>>
        %dma_wait3A_1048 = tpu.memref_squeeze %dma_wait3A_1047 : memref<1x32x128xf32, #tpu.memory_space<vmem>> -> memref<32x128xf32, #tpu.memory_space<vmem>>
        %dma_wait3A_1049 = arith.constant 0 : i32
        %dma_wait3A_1050 = arith.constant 0 : i32
        %dma_wait3A_1051 = tpu.memref_slice %dma_wait3A_1048[%dma_wait3A_1049, %dma_wait3A_1050] : memref<32x128xf32, #tpu.memory_space<vmem>> -> memref<8x128xf32, #tpu.memory_space<vmem>>
        tpu.wait_dma2 semaphore(%arg11 : memref<!tpu.dma_semaphore, #tpu.memory_space<semaphore_mem>>) src(%dma_wait3A_1051 : memref<8x128xf32, #tpu.memory_space<vmem>>) dst(%dma_wait3A_1044 : memref<8x128xf32, #tpu.memory_space<hbm>>)
        %dma_wait3A_1052 = arith.constant 0 : i32
        %dma_wait3A_1053 = arith.constant 0 : i32
        %dma_wait3A_1054 = arith.constant 0 : i32
        %dma_wait3A_1055 = arith.constant 0 : i32
        %dma_wait3A_1056 = arith.constant 0 : i32
        %dma_wait3A_1057 = arith.constant 0 : i32
        %dma_wait3A_1058 = tpu.memref_slice %arg8[%dma_wait3A_1052, %dma_wait3A_1056, %dma_wait3A_1057] : memref<2x32x128xf32, #tpu.memory_space<vmem>> -> memref<1x32x128xf32, #tpu.memory_space<vmem>>
        %dma_wait3A_1059 = tpu.memref_squeeze %dma_wait3A_1058 : memref<1x32x128xf32, #tpu.memory_space<vmem>> -> memref<32x128xf32, #tpu.memory_space<vmem>>
        %dma_wait3A_1060 = arith.constant 0 : i32
        %dma_wait3A_1061 = arith.constant 0 : i32
        %dma_wait3A_1062 = tpu.memref_slice %dma_wait3A_1059[%dma_wait3A_1060, %dma_wait3A_1061] : memref<32x128xf32, #tpu.memory_space<vmem>> -> memref<8x128xf32, #tpu.memory_space<vmem>>
        %dma_wait3A_1063 = arith.constant 0 : i32
        %dma_wait3A_1064 = arith.constant 0 : i32
        %dma_wait3A_1065 = arith.constant 0 : i32
        %dma_wait3A_1066 = arith.constant 0 : i32
        %dma_wait3A_1067 = tpu.memref_slice %arg4[%dma_wait3A_1053, %dma_wait3A_1063, %dma_wait3A_1064, %dma_wait3A_1065, %dma_wait3A_1066] : memref<26x4x128x8x128xf32, #tpu.memory_space<hbm>> -> memref<1x4x128x8x128xf32, #tpu.memory_space<hbm>>
        %dma_wait3A_1068 = tpu.memref_squeeze %dma_wait3A_1067 : memref<1x4x128x8x128xf32, #tpu.memory_space<hbm>> -> memref<4x128x8x128xf32, #tpu.memory_space<hbm>>
        %dma_wait3A_1069 = arith.constant 0 : i32
        %dma_wait3A_1070 = arith.constant 0 : i32
        %dma_wait3A_1071 = arith.constant 0 : i32
        %dma_wait3A_1072 = tpu.memref_slice %dma_wait3A_1068[%dma_wait3A_1054, %dma_wait3A_1069, %dma_wait3A_1070, %dma_wait3A_1071] : memref<4x128x8x128xf32, #tpu.memory_space<hbm>> -> memref<1x128x8x128xf32, #tpu.memory_space<hbm>>
        %dma_wait3A_1073 = tpu.memref_squeeze %dma_wait3A_1072 : memref<1x128x8x128xf32, #tpu.memory_space<hbm>> -> memref<128x8x128xf32, #tpu.memory_space<hbm>>
        %dma_wait3A_1074 = arith.constant 0 : i32
        %dma_wait3A_1075 = arith.constant 0 : i32
        %dma_wait3A_1076 = tpu.memref_slice %dma_wait3A_1073[%dma_wait3A_1055, %dma_wait3A_1074, %dma_wait3A_1075] : memref<128x8x128xf32, #tpu.memory_space<hbm>> -> memref<1x8x128xf32, #tpu.memory_space<hbm>>
        %dma_wait3A_1077 = tpu.memref_squeeze %dma_wait3A_1076 : memref<1x8x128xf32, #tpu.memory_space<hbm>> -> memref<8x128xf32, #tpu.memory_space<hbm>>
        %dma_wait3A_1078 = arith.constant 0 : i32
        %dma_wait3A_1079 = arith.constant 0 : i32
        %dma_wait3A_1080 = arith.constant 0 : i32
        %dma_wait3A_1081 = arith.constant 0 : i32
        %dma_wait3A_1082 = tpu.memref_slice %arg4[%dma_wait3A_1053, %dma_wait3A_1078, %dma_wait3A_1079, %dma_wait3A_1080, %dma_wait3A_1081] : memref<26x4x128x8x128xf32, #tpu.memory_space<hbm>> -> memref<1x4x128x8x128xf32, #tpu.memory_space<hbm>>
        %dma_wait3A_1083 = tpu.memref_squeeze %dma_wait3A_1082 : memref<1x4x128x8x128xf32, #tpu.memory_space<hbm>> -> memref<4x128x8x128xf32, #tpu.memory_space<hbm>>
        %dma_wait3A_1084 = arith.constant 0 : i32
        %dma_wait3A_1085 = arith.constant 0 : i32
        %dma_wait3A_1086 = arith.constant 0 : i32
        %dma_wait3A_1087 = tpu.memref_slice %dma_wait3A_1083[%dma_wait3A_1054, %dma_wait3A_1084, %dma_wait3A_1085, %dma_wait3A_1086] : memref<4x128x8x128xf32, #tpu.memory_space<hbm>> -> memref<1x128x8x128xf32, #tpu.memory_space<hbm>>
        %dma_wait3A_1088 = tpu.memref_squeeze %dma_wait3A_1087 : memref<1x128x8x128xf32, #tpu.memory_space<hbm>> -> memref<128x8x128xf32, #tpu.memory_space<hbm>>
        %dma_wait3A_1089 = arith.constant 0 : i32
        %dma_wait3A_1090 = arith.constant 0 : i32
        %dma_wait3A_1091 = tpu.memref_slice %dma_wait3A_1088[%dma_wait3A_1055, %dma_wait3A_1089, %dma_wait3A_1090] : memref<128x8x128xf32, #tpu.memory_space<hbm>> -> memref<1x8x128xf32, #tpu.memory_space<hbm>>
        %dma_wait3A_1092 = tpu.memref_squeeze %dma_wait3A_1091 : memref<1x8x128xf32, #tpu.memory_space<hbm>> -> memref<8x128xf32, #tpu.memory_space<hbm>>
        %dma_wait3A_1093 = arith.constant 0 : i32
        %dma_wait3A_1094 = arith.constant 0 : i32
        %dma_wait3A_1095 = tpu.memref_slice %arg8[%dma_wait3A_1052, %dma_wait3A_1093, %dma_wait3A_1094] : memref<2x32x128xf32, #tpu.memory_space<vmem>> -> memref<1x32x128xf32, #tpu.memory_space<vmem>>
        %dma_wait3A_1096 = tpu.memref_squeeze %dma_wait3A_1095 : memref<1x32x128xf32, #tpu.memory_space<vmem>> -> memref<32x128xf32, #tpu.memory_space<vmem>>
        %dma_wait3A_1097 = arith.constant 0 : i32
        %dma_wait3A_1098 = arith.constant 0 : i32
        %dma_wait3A_1099 = tpu.memref_slice %dma_wait3A_1096[%dma_wait3A_1097, %dma_wait3A_1098] : memref<32x128xf32, #tpu.memory_space<vmem>> -> memref<8x128xf32, #tpu.memory_space<vmem>>
        tpu.wait_dma2 semaphore(%arg11 : memref<!tpu.dma_semaphore, #tpu.memory_space<semaphore_mem>>) src(%dma_wait3A_1099 : memref<8x128xf32, #tpu.memory_space<vmem>>) dst(%dma_wait3A_1092 : memref<8x128xf32, #tpu.memory_space<hbm>>)
        %dma_wait3A_1100 = arith.constant 0 : i32
        %dma_wait3A_1101 = arith.constant 0 : i32
        %dma_wait3A_1102 = arith.constant 0 : i32
        %dma_wait3A_1103 = arith.constant 0 : i32
        %dma_wait3A_1104 = arith.constant 0 : i32
        %dma_wait3A_1105 = arith.constant 0 : i32
        %dma_wait3A_1106 = tpu.memref_slice %arg8[%dma_wait3A_1100, %dma_wait3A_1104, %dma_wait3A_1105] : memref<2x32x128xf32, #tpu.memory_space<vmem>> -> memref<1x32x128xf32, #tpu.memory_space<vmem>>
        %dma_wait3A_1107 = tpu.memref_squeeze %dma_wait3A_1106 : memref<1x32x128xf32, #tpu.memory_space<vmem>> -> memref<32x128xf32, #tpu.memory_space<vmem>>
        %dma_wait3A_1108 = arith.constant 0 : i32
        %dma_wait3A_1109 = arith.constant 0 : i32
        %dma_wait3A_1110 = tpu.memref_slice %dma_wait3A_1107[%dma_wait3A_1108, %dma_wait3A_1109] : memref<32x128xf32, #tpu.memory_space<vmem>> -> memref<8x128xf32, #tpu.memory_space<vmem>>
        %dma_wait3A_1111 = arith.constant 0 : i32
        %dma_wait3A_1112 = arith.constant 0 : i32
        %dma_wait3A_1113 = arith.constant 0 : i32
        %dma_wait3A_1114 = arith.constant 0 : i32
        %dma_wait3A_1115 = tpu.memref_slice %arg4[%dma_wait3A_1101, %dma_wait3A_1111, %dma_wait3A_1112, %dma_wait3A_1113, %dma_wait3A_1114] : memref<26x4x128x8x128xf32, #tpu.memory_space<hbm>> -> memref<1x4x128x8x128xf32, #tpu.memory_space<hbm>>
        %dma_wait3A_1116 = tpu.memref_squeeze %dma_wait3A_1115 : memref<1x4x128x8x128xf32, #tpu.memory_space<hbm>> -> memref<4x128x8x128xf32, #tpu.memory_space<hbm>>
        %dma_wait3A_1117 = arith.constant 0 : i32
        %dma_wait3A_1118 = arith.constant 0 : i32
        %dma_wait3A_1119 = arith.constant 0 : i32
        %dma_wait3A_1120 = tpu.memref_slice %dma_wait3A_1116[%dma_wait3A_1102, %dma_wait3A_1117, %dma_wait3A_1118, %dma_wait3A_1119] : memref<4x128x8x128xf32, #tpu.memory_space<hbm>> -> memref<1x128x8x128xf32, #tpu.memory_space<hbm>>
        %dma_wait3A_1121 = tpu.memref_squeeze %dma_wait3A_1120 : memref<1x128x8x128xf32, #tpu.memory_space<hbm>> -> memref<128x8x128xf32, #tpu.memory_space<hbm>>
        %dma_wait3A_1122 = arith.constant 0 : i32
        %dma_wait3A_1123 = arith.constant 0 : i32
        %dma_wait3A_1124 = tpu.memref_slice %dma_wait3A_1121[%dma_wait3A_1103, %dma_wait3A_1122, %dma_wait3A_1123] : memref<128x8x128xf32, #tpu.memory_space<hbm>> -> memref<1x8x128xf32, #tpu.memory_space<hbm>>
        %dma_wait3A_1125 = tpu.memref_squeeze %dma_wait3A_1124 : memref<1x8x128xf32, #tpu.memory_space<hbm>> -> memref<8x128xf32, #tpu.memory_space<hbm>>
        %dma_wait3A_1126 = arith.constant 0 : i32
        %dma_wait3A_1127 = arith.constant 0 : i32
        %dma_wait3A_1128 = arith.constant 0 : i32
        %dma_wait3A_1129 = arith.constant 0 : i32
        %dma_wait3A_1130 = tpu.memref_slice %arg4[%dma_wait3A_1101, %dma_wait3A_1126, %dma_wait3A_1127, %dma_wait3A_1128, %dma_wait3A_1129] : memref<26x4x128x8x128xf32, #tpu.memory_space<hbm>> -> memref<1x4x128x8x128xf32, #tpu.memory_space<hbm>>
        %dma_wait3A_1131 = tpu.memref_squeeze %dma_wait3A_1130 : memref<1x4x128x8x128xf32, #tpu.memory_space<hbm>> -> memref<4x128x8x128xf32, #tpu.memory_space<hbm>>
        %dma_wait3A_1132 = arith.constant 0 : i32
        %dma_wait3A_1133 = arith.constant 0 : i32
        %dma_wait3A_1134 = arith.constant 0 : i32
        %dma_wait3A_1135 = tpu.memref_slice %dma_wait3A_1131[%dma_wait3A_1102, %dma_wait3A_1132, %dma_wait3A_1133, %dma_wait3A_1134] : memref<4x128x8x128xf32, #tpu.memory_space<hbm>> -> memref<1x128x8x128xf32, #tpu.memory_space<hbm>>
        %dma_wait3A_1136 = tpu.memref_squeeze %dma_wait3A_1135 : memref<1x128x8x128xf32, #tpu.memory_space<hbm>> -> memref<128x8x128xf32, #tpu.memory_space<hbm>>
        %dma_wait3A_1137 = arith.constant 0 : i32
        %dma_wait3A_1138 = arith.constant 0 : i32
        %dma_wait3A_1139 = tpu.memref_slice %dma_wait3A_1136[%dma_wait3A_1103, %dma_wait3A_1137, %dma_wait3A_1138] : memref<128x8x128xf32, #tpu.memory_space<hbm>> -> memref<1x8x128xf32, #tpu.memory_space<hbm>>
        %dma_wait3A_1140 = tpu.memref_squeeze %dma_wait3A_1139 : memref<1x8x128xf32, #tpu.memory_space<hbm>> -> memref<8x128xf32, #tpu.memory_space<hbm>>
        %dma_wait3A_1141 = arith.constant 0 : i32
        %dma_wait3A_1142 = arith.constant 0 : i32
        %dma_wait3A_1143 = tpu.memref_slice %arg8[%dma_wait3A_1100, %dma_wait3A_1141, %dma_wait3A_1142] : memref<2x32x128xf32, #tpu.memory_space<vmem>> -> memref<1x32x128xf32, #tpu.memory_space<vmem>>
        %dma_wait3A_1144 = tpu.memref_squeeze %dma_wait3A_1143 : memref<1x32x128xf32, #tpu.memory_space<vmem>> -> memref<32x128xf32, #tpu.memory_space<vmem>>
        %dma_wait3A_1145 = arith.constant 0 : i32
        %dma_wait3A_1146 = arith.constant 0 : i32
        %dma_wait3A_1147 = tpu.memref_slice %dma_wait3A_1144[%dma_wait3A_1145, %dma_wait3A_1146] : memref<32x128xf32, #tpu.memory_space<vmem>> -> memref<8x128xf32, #tpu.memory_space<vmem>>
        tpu.wait_dma2 semaphore(%arg11 : memref<!tpu.dma_semaphore, #tpu.memory_space<semaphore_mem>>) src(%dma_wait3A_1147 : memref<8x128xf32, #tpu.memory_space<vmem>>) dst(%dma_wait3A_1140 : memref<8x128xf32, #tpu.memory_space<hbm>>)
      } else {
      }
      %dma_wait3A_486 = arith.constant 0 : i32
      %dma_wait3A_487 = arith.constant 0 : i32
      %dma_wait3A_488 = arith.constant 0 : i32
      %dma_wait3A_489 = tpu.memref_slice %arg7[%dma_wait3A_486, %dma_wait3A_487, %dma_wait3A_488] : memref<2x128x32xf32, #tpu.memory_space<vmem>> -> memref<1x128x32xf32, #tpu.memory_space<vmem>>
      %dma_wait3A_490 = tpu.memref_squeeze %dma_wait3A_489 : memref<1x128x32xf32, #tpu.memory_space<vmem>> -> memref<128x32xf32, #tpu.memory_space<vmem>>
      %dma_wait3A_491 = arith.constant 0 : i32
      %dma_wait3A_492 = arith.constant 0 : i32
      %dma_wait3A_493 = tpu.memref_slice %arg3[%dma_wait3A_491, %dma_wait3A_492] : memref<1000000x32xf32, #tpu.memory_space<hbm>> -> memref<128x32xf32, #tpu.memory_space<hbm>>
      %dma_wait3A_494 = arith.constant 0 : i32
      %dma_wait3A_495 = arith.constant 0 : i32
      %dma_wait3A_496 = tpu.memref_slice %arg7[%dma_wait3A_486, %dma_wait3A_494, %dma_wait3A_495] : memref<2x128x32xf32, #tpu.memory_space<vmem>> -> memref<1x128x32xf32, #tpu.memory_space<vmem>>
      %dma_wait3A_497 = tpu.memref_squeeze %dma_wait3A_496 : memref<1x128x32xf32, #tpu.memory_space<vmem>> -> memref<128x32xf32, #tpu.memory_space<vmem>>
      %dma_wait3A_498 = arith.constant 0 : i32
      %dma_wait3A_499 = arith.constant 0 : i32
      %dma_wait3A_500 = tpu.memref_slice %arg3[%dma_wait3A_498, %dma_wait3A_499] : memref<1000000x32xf32, #tpu.memory_space<hbm>> -> memref<128x32xf32, #tpu.memory_space<hbm>>
      tpu.wait_dma2 semaphore(%arg9 : memref<!tpu.dma_semaphore, #tpu.memory_space<semaphore_mem>>) src(%dma_wait3A_500 : memref<128x32xf32, #tpu.memory_space<hbm>>) dst(%dma_wait3A_497 : memref<128x32xf32, #tpu.memory_space<vmem>>)
      %parallel_loop3A_501 = arith.constant 0 : i32
      %parallel_loop3A_502 = arith.constant 32 : i32
      %parallel_loop3A_503 = arith.constant 1 : i32
      scf.for %parallel_loop3A_956 = %parallel_loop3A_501 to %parallel_loop3A_502 step %parallel_loop3A_503  : i32 {
        %parallel_loop3A_957 = vector.broadcast %parallel_loop3A_956 : i32 to vector<16xi32>
        %parallel_loop3A_958 = arith.addi %mul3A_8, %parallel_loop3A_957 : vector<16xi32>
        %parallel_loop3A_959 = arith.constant 0 : i32
        %parallel_loop3A_960 = arith.constant 0 : i32
        %parallel_loop3A_961 = arith.constant 0 : i32
        %parallel_loop3A_962 = tpu.memref_slice %arg7[%parallel_loop3A_959, %parallel_loop3A_960, %parallel_loop3A_961] : memref<2x128x32xf32, #tpu.memory_space<vmem>> -> memref<1x128x32xf32, #tpu.memory_space<vmem>>
        %parallel_loop3A_963 = tpu.memref_squeeze %parallel_loop3A_962 : memref<1x128x32xf32, #tpu.memory_space<vmem>> -> memref<128x32xf32, #tpu.memory_space<vmem>>
        %parallel_loop3A_964 = tpu.vector_load_idx %parallel_loop3A_963[%add3A_11, %parallel_loop3A_958] : memref<128x32xf32, #tpu.memory_space<vmem>>[vector<16xi32>, vector<16xi32>], vector<16xf32>,
        %parallel_loop3A_965 = arith.constant 0 : i32
        %parallel_loop3A_966 = arith.constant 0 : i32
        %parallel_loop3A_967 = arith.constant 0 : i32
        %parallel_loop3A_968 = tpu.memref_slice %arg8[%parallel_loop3A_965, %parallel_loop3A_966, %parallel_loop3A_967] : memref<2x32x128xf32, #tpu.memory_space<vmem>> -> memref<1x32x128xf32, #tpu.memory_space<vmem>>
        %parallel_loop3A_969 = tpu.memref_squeeze %parallel_loop3A_968 : memref<1x32x128xf32, #tpu.memory_space<vmem>> -> memref<32x128xf32, #tpu.memory_space<vmem>>
        %parallel_loop3A_970 = arith.constant 0 : i32
        %parallel_loop3A_971 = tpu.memref_slice %parallel_loop3A_969[%parallel_loop3A_956, %parallel_loop3A_970] : memref<32x128xf32, #tpu.memory_space<vmem>> -> memref<1x128xf32, #tpu.memory_space<vmem>>
        %parallel_loop3A_972 = tpu.memref_squeeze %parallel_loop3A_971 : memref<1x128xf32, #tpu.memory_space<vmem>> -> memref<128xf32, #tpu.memory_space<vmem>>
        %parallel_loop3A_973 = arith.constant 0 : index
        %parallel_loop3A_974 = tpu.vector_load %parallel_loop3A_972[%parallel_loop3A_973] {strides = array<i32>} : memref<128xf32, #tpu.memory_space<vmem>>, vector<16xf32>,
        tpu.vector_store %parallel_loop3A_972[%parallel_loop3A_973], %parallel_loop3A_964 {strides = array<i32>} : memref<128xf32, #tpu.memory_space<vmem>>, vector<16xf32>,
        %parallel_loop3A_975 = arith.constant 0 : i32
        %parallel_loop3A_976 = arith.constant 0 : i32
        %parallel_loop3A_977 = arith.constant 0 : i32
        %parallel_loop3A_978 = tpu.memref_slice %arg7[%parallel_loop3A_975, %parallel_loop3A_976, %parallel_loop3A_977] : memref<2x128x32xf32, #tpu.memory_space<vmem>> -> memref<1x128x32xf32, #tpu.memory_space<vmem>>
        %parallel_loop3A_979 = tpu.memref_squeeze %parallel_loop3A_978 : memref<1x128x32xf32, #tpu.memory_space<vmem>> -> memref<128x32xf32, #tpu.memory_space<vmem>>
        %parallel_loop3A_980 = tpu.vector_load_idx %parallel_loop3A_979[%add3A_14, %parallel_loop3A_958] : memref<128x32xf32, #tpu.memory_space<vmem>>[vector<16xi32>, vector<16xi32>], vector<16xf32>,
        %parallel_loop3A_981 = arith.constant 0 : i32
        %parallel_loop3A_982 = arith.constant 0 : i32
        %parallel_loop3A_983 = arith.constant 0 : i32
        %parallel_loop3A_984 = tpu.memref_slice %arg8[%parallel_loop3A_981, %parallel_loop3A_982, %parallel_loop3A_983] : memref<2x32x128xf32, #tpu.memory_space<vmem>> -> memref<1x32x128xf32, #tpu.memory_space<vmem>>
        %parallel_loop3A_985 = tpu.memref_squeeze %parallel_loop3A_984 : memref<1x32x128xf32, #tpu.memory_space<vmem>> -> memref<32x128xf32, #tpu.memory_space<vmem>>
        %parallel_loop3A_986 = arith.constant 0 : i32
        %parallel_loop3A_987 = tpu.memref_slice %parallel_loop3A_985[%parallel_loop3A_956, %parallel_loop3A_986] : memref<32x128xf32, #tpu.memory_space<vmem>> -> memref<1x128xf32, #tpu.memory_space<vmem>>
        %parallel_loop3A_988 = tpu.memref_squeeze %parallel_loop3A_987 : memref<1x128xf32, #tpu.memory_space<vmem>> -> memref<128xf32, #tpu.memory_space<vmem>>
        %parallel_loop3A_989 = arith.constant 16 : index
        %parallel_loop3A_990 = tpu.vector_load %parallel_loop3A_988[%parallel_loop3A_989] {strides = array<i32>} : memref<128xf32, #tpu.memory_space<vmem>>, vector<16xf32>,
        tpu.vector_store %parallel_loop3A_988[%parallel_loop3A_989], %parallel_loop3A_980 {strides = array<i32>} : memref<128xf32, #tpu.memory_space<vmem>>, vector<16xf32>,
        %parallel_loop3A_991 = arith.constant 0 : i32
        %parallel_loop3A_992 = arith.constant 0 : i32
        %parallel_loop3A_993 = arith.constant 0 : i32
        %parallel_loop3A_994 = tpu.memref_slice %arg7[%parallel_loop3A_991, %parallel_loop3A_992, %parallel_loop3A_993] : memref<2x128x32xf32, #tpu.memory_space<vmem>> -> memref<1x128x32xf32, #tpu.memory_space<vmem>>
        %parallel_loop3A_995 = tpu.memref_squeeze %parallel_loop3A_994 : memref<1x128x32xf32, #tpu.memory_space<vmem>> -> memref<128x32xf32, #tpu.memory_space<vmem>>
        %parallel_loop3A_996 = tpu.vector_load_idx %parallel_loop3A_995[%add3A_17, %parallel_loop3A_958] : memref<128x32xf32, #tpu.memory_space<vmem>>[vector<16xi32>, vector<16xi32>], vector<16xf32>,
        %parallel_loop3A_997 = arith.constant 0 : i32
        %parallel_loop3A_998 = arith.constant 0 : i32
        %parallel_loop3A_999 = arith.constant 0 : i32
        %parallel_loop3A_1000 = tpu.memref_slice %arg8[%parallel_loop3A_997, %parallel_loop3A_998, %parallel_loop3A_999] : memref<2x32x128xf32, #tpu.memory_space<vmem>> -> memref<1x32x128xf32, #tpu.memory_space<vmem>>
        %parallel_loop3A_1001 = tpu.memref_squeeze %parallel_loop3A_1000 : memref<1x32x128xf32, #tpu.memory_space<vmem>> -> memref<32x128xf32, #tpu.memory_space<vmem>>
        %parallel_loop3A_1002 = arith.constant 0 : i32
        %parallel_loop3A_1003 = tpu.memref_slice %parallel_loop3A_1001[%parallel_loop3A_956, %parallel_loop3A_1002] : memref<32x128xf32, #tpu.memory_space<vmem>> -> memref<1x128xf32, #tpu.memory_space<vmem>>
        %parallel_loop3A_1004 = tpu.memref_squeeze %parallel_loop3A_1003 : memref<1x128xf32, #tpu.memory_space<vmem>> -> memref<128xf32, #tpu.memory_space<vmem>>
        %parallel_loop3A_1005 = arith.constant 32 : index
        %parallel_loop3A_1006 = tpu.vector_load %parallel_loop3A_1004[%parallel_loop3A_1005] {strides = array<i32>} : memref<128xf32, #tpu.memory_space<vmem>>, vector<16xf32>,
        tpu.vector_store %parallel_loop3A_1004[%parallel_loop3A_1005], %parallel_loop3A_996 {strides = array<i32>} : memref<128xf32, #tpu.memory_space<vmem>>, vector<16xf32>,
        %parallel_loop3A_1007 = arith.constant 0 : i32
        %parallel_loop3A_1008 = arith.constant 0 : i32
        %parallel_loop3A_1009 = arith.constant 0 : i32
        %parallel_loop3A_1010 = tpu.memref_slice %arg7[%parallel_loop3A_1007, %parallel_loop3A_1008, %parallel_loop3A_1009] : memref<2x128x32xf32, #tpu.memory_space<vmem>> -> memref<1x128x32xf32, #tpu.memory_space<vmem>>
        %parallel_loop3A_1011 = tpu.memref_squeeze %parallel_loop3A_1010 : memref<1x128x32xf32, #tpu.memory_space<vmem>> -> memref<128x32xf32, #tpu.memory_space<vmem>>
        %parallel_loop3A_1012 = tpu.vector_load_idx %parallel_loop3A_1011[%add3A_20, %parallel_loop3A_958] : memref<128x32xf32, #tpu.memory_space<vmem>>[vector<16xi32>, vector<16xi32>], vector<16xf32>,
        %parallel_loop3A_1013 = arith.constant 0 : i32
        %parallel_loop3A_1014 = arith.constant 0 : i32
        %parallel_loop3A_1015 = arith.constant 0 : i32
        %parallel_loop3A_1016 = tpu.memref_slice %arg8[%parallel_loop3A_1013, %parallel_loop3A_1014, %parallel_loop3A_1015] : memref<2x32x128xf32, #tpu.memory_space<vmem>> -> memref<1x32x128xf32, #tpu.memory_space<vmem>>
        %parallel_loop3A_1017 = tpu.memref_squeeze %parallel_loop3A_1016 : memref<1x32x128xf32, #tpu.memory_space<vmem>> -> memref<32x128xf32, #tpu.memory_space<vmem>>
        %parallel_loop3A_1018 = arith.constant 0 : i32
        %parallel_loop3A_1019 = tpu.memref_slice %parallel_loop3A_1017[%parallel_loop3A_956, %parallel_loop3A_1018] : memref<32x128xf32, #tpu.memory_space<vmem>> -> memref<1x128xf32, #tpu.memory_space<vmem>>
        %parallel_loop3A_1020 = tpu.memref_squeeze %parallel_loop3A_1019 : memref<1x128xf32, #tpu.memory_space<vmem>> -> memref<128xf32, #tpu.memory_space<vmem>>
        %parallel_loop3A_1021 = arith.constant 48 : index
        %parallel_loop3A_1022 = tpu.vector_load %parallel_loop3A_1020[%parallel_loop3A_1021] {strides = array<i32>} : memref<128xf32, #tpu.memory_space<vmem>>, vector<16xf32>,
        tpu.vector_store %parallel_loop3A_1020[%parallel_loop3A_1021], %parallel_loop3A_1012 {strides = array<i32>} : memref<128xf32, #tpu.memory_space<vmem>>, vector<16xf32>,
        %parallel_loop3A_1023 = arith.constant 0 : i32
        %parallel_loop3A_1024 = arith.constant 0 : i32
        %parallel_loop3A_1025 = arith.constant 0 : i32
        %parallel_loop3A_1026 = tpu.memref_slice %arg7[%parallel_loop3A_1023, %parallel_loop3A_1024, %parallel_loop3A_1025] : memref<2x128x32xf32, #tpu.memory_space<vmem>> -> memref<1x128x32xf32, #tpu.memory_space<vmem>>
        %parallel_loop3A_1027 = tpu.memref_squeeze %parallel_loop3A_1026 : memref<1x128x32xf32, #tpu.memory_space<vmem>> -> memref<128x32xf32, #tpu.memory_space<vmem>>
        %parallel_loop3A_1028 = tpu.vector_load_idx %parallel_loop3A_1027[%add3A_23, %parallel_loop3A_958] : memref<128x32xf32, #tpu.memory_space<vmem>>[vector<16xi32>, vector<16xi32>], vector<16xf32>,
        %parallel_loop3A_1029 = arith.constant 0 : i32
        %parallel_loop3A_1030 = arith.constant 0 : i32
        %parallel_loop3A_1031 = arith.constant 0 : i32
        %parallel_loop3A_1032 = tpu.memref_slice %arg8[%parallel_loop3A_1029, %parallel_loop3A_1030, %parallel_loop3A_1031] : memref<2x32x128xf32, #tpu.memory_space<vmem>> -> memref<1x32x128xf32, #tpu.memory_space<vmem>>
        %parallel_loop3A_1033 = tpu.memref_squeeze %parallel_loop3A_1032 : memref<1x32x128xf32, #tpu.memory_space<vmem>> -> memref<32x128xf32, #tpu.memory_space<vmem>>
        %parallel_loop3A_1034 = arith.constant 0 : i32
        %parallel_loop3A_1035 = tpu.memref_slice %parallel_loop3A_1033[%parallel_loop3A_956, %parallel_loop3A_1034] : memref<32x128xf32, #tpu.memory_space<vmem>> -> memref<1x128xf32, #tpu.memory_space<vmem>>
        %parallel_loop3A_1036 = tpu.memref_squeeze %parallel_loop3A_1035 : memref<1x128xf32, #tpu.memory_space<vmem>> -> memref<128xf32, #tpu.memory_space<vmem>>
        %parallel_loop3A_1037 = arith.constant 64 : index
        %parallel_loop3A_1038 = tpu.vector_load %parallel_loop3A_1036[%parallel_loop3A_1037] {strides = array<i32>} : memref<128xf32, #tpu.memory_space<vmem>>, vector<16xf32>,
        tpu.vector_store %parallel_loop3A_1036[%parallel_loop3A_1037], %parallel_loop3A_1028 {strides = array<i32>} : memref<128xf32, #tpu.memory_space<vmem>>, vector<16xf32>,
        %parallel_loop3A_1039 = arith.constant 0 : i32
        %parallel_loop3A_1040 = arith.constant 0 : i32
        %parallel_loop3A_1041 = arith.constant 0 : i32
        %parallel_loop3A_1042 = tpu.memref_slice %arg7[%parallel_loop3A_1039, %parallel_loop3A_1040, %parallel_loop3A_1041] : memref<2x128x32xf32, #tpu.memory_space<vmem>> -> memref<1x128x32xf32, #tpu.memory_space<vmem>>
        %parallel_loop3A_1043 = tpu.memref_squeeze %parallel_loop3A_1042 : memref<1x128x32xf32, #tpu.memory_space<vmem>> -> memref<128x32xf32, #tpu.memory_space<vmem>>
        %parallel_loop3A_1044 = tpu.vector_load_idx %parallel_loop3A_1043[%add3A_26, %parallel_loop3A_958] : memref<128x32xf32, #tpu.memory_space<vmem>>[vector<16xi32>, vector<16xi32>], vector<16xf32>,
        %parallel_loop3A_1045 = arith.constant 0 : i32
        %parallel_loop3A_1046 = arith.constant 0 : i32
        %parallel_loop3A_1047 = arith.constant 0 : i32
        %parallel_loop3A_1048 = tpu.memref_slice %arg8[%parallel_loop3A_1045, %parallel_loop3A_1046, %parallel_loop3A_1047] : memref<2x32x128xf32, #tpu.memory_space<vmem>> -> memref<1x32x128xf32, #tpu.memory_space<vmem>>
        %parallel_loop3A_1049 = tpu.memref_squeeze %parallel_loop3A_1048 : memref<1x32x128xf32, #tpu.memory_space<vmem>> -> memref<32x128xf32, #tpu.memory_space<vmem>>
        %parallel_loop3A_1050 = arith.constant 0 : i32
        %parallel_loop3A_1051 = tpu.memref_slice %parallel_loop3A_1049[%parallel_loop3A_956, %parallel_loop3A_1050] : memref<32x128xf32, #tpu.memory_space<vmem>> -> memref<1x128xf32, #tpu.memory_space<vmem>>
        %parallel_loop3A_1052 = tpu.memref_squeeze %parallel_loop3A_1051 : memref<1x128xf32, #tpu.memory_space<vmem>> -> memref<128xf32, #tpu.memory_space<vmem>>
        %parallel_loop3A_1053 = arith.constant 80 : index
        %parallel_loop3A_1054 = tpu.vector_load %parallel_loop3A_1052[%parallel_loop3A_1053] {strides = array<i32>} : memref<128xf32, #tpu.memory_space<vmem>>, vector<16xf32>,
        tpu.vector_store %parallel_loop3A_1052[%parallel_loop3A_1053], %parallel_loop3A_1044 {strides = array<i32>} : memref<128xf32, #tpu.memory_space<vmem>>, vector<16xf32>,
        %parallel_loop3A_1055 = arith.constant 0 : i32
        %parallel_loop3A_1056 = arith.constant 0 : i32
        %parallel_loop3A_1057 = arith.constant 0 : i32
        %parallel_loop3A_1058 = tpu.memref_slice %arg7[%parallel_loop3A_1055, %parallel_loop3A_1056, %parallel_loop3A_1057] : memref<2x128x32xf32, #tpu.memory_space<vmem>> -> memref<1x128x32xf32, #tpu.memory_space<vmem>>
        %parallel_loop3A_1059 = tpu.memref_squeeze %parallel_loop3A_1058 : memref<1x128x32xf32, #tpu.memory_space<vmem>> -> memref<128x32xf32, #tpu.memory_space<vmem>>
        %parallel_loop3A_1060 = tpu.vector_load_idx %parallel_loop3A_1059[%add3A_29, %parallel_loop3A_958] : memref<128x32xf32, #tpu.memory_space<vmem>>[vector<16xi32>, vector<16xi32>], vector<16xf32>,
        %parallel_loop3A_1061 = arith.constant 0 : i32
        %parallel_loop3A_1062 = arith.constant 0 : i32
        %parallel_loop3A_1063 = arith.constant 0 : i32
        %parallel_loop3A_1064 = tpu.memref_slice %arg8[%parallel_loop3A_1061, %parallel_loop3A_1062, %parallel_loop3A_1063] : memref<2x32x128xf32, #tpu.memory_space<vmem>> -> memref<1x32x128xf32, #tpu.memory_space<vmem>>
        %parallel_loop3A_1065 = tpu.memref_squeeze %parallel_loop3A_1064 : memref<1x32x128xf32, #tpu.memory_space<vmem>> -> memref<32x128xf32, #tpu.memory_space<vmem>>
        %parallel_loop3A_1066 = arith.constant 0 : i32
        %parallel_loop3A_1067 = tpu.memref_slice %parallel_loop3A_1065[%parallel_loop3A_956, %parallel_loop3A_1066] : memref<32x128xf32, #tpu.memory_space<vmem>> -> memref<1x128xf32, #tpu.memory_space<vmem>>
        %parallel_loop3A_1068 = tpu.memref_squeeze %parallel_loop3A_1067 : memref<1x128xf32, #tpu.memory_space<vmem>> -> memref<128xf32, #tpu.memory_space<vmem>>
        %parallel_loop3A_1069 = arith.constant 96 : index
        %parallel_loop3A_1070 = tpu.vector_load %parallel_loop3A_1068[%parallel_loop3A_1069] {strides = array<i32>} : memref<128xf32, #tpu.memory_space<vmem>>, vector<16xf32>,
        tpu.vector_store %parallel_loop3A_1068[%parallel_loop3A_1069], %parallel_loop3A_1060 {strides = array<i32>} : memref<128xf32, #tpu.memory_space<vmem>>, vector<16xf32>,
        %parallel_loop3A_1071 = arith.constant 0 : i32
        %parallel_loop3A_1072 = arith.constant 0 : i32
        %parallel_loop3A_1073 = arith.constant 0 : i32
        %parallel_loop3A_1074 = tpu.memref_slice %arg7[%parallel_loop3A_1071, %parallel_loop3A_1072, %parallel_loop3A_1073] : memref<2x128x32xf32, #tpu.memory_space<vmem>> -> memref<1x128x32xf32, #tpu.memory_space<vmem>>
        %parallel_loop3A_1075 = tpu.memref_squeeze %parallel_loop3A_1074 : memref<1x128x32xf32, #tpu.memory_space<vmem>> -> memref<128x32xf32, #tpu.memory_space<vmem>>
        %parallel_loop3A_1076 = tpu.vector_load_idx %parallel_loop3A_1075[%add3A_32, %parallel_loop3A_958] : memref<128x32xf32, #tpu.memory_space<vmem>>[vector<16xi32>, vector<16xi32>], vector<16xf32>,
        %parallel_loop3A_1077 = arith.constant 0 : i32
        %parallel_loop3A_1078 = arith.constant 0 : i32
        %parallel_loop3A_1079 = arith.constant 0 : i32
        %parallel_loop3A_1080 = tpu.memref_slice %arg8[%parallel_loop3A_1077, %parallel_loop3A_1078, %parallel_loop3A_1079] : memref<2x32x128xf32, #tpu.memory_space<vmem>> -> memref<1x32x128xf32, #tpu.memory_space<vmem>>
        %parallel_loop3A_1081 = tpu.memref_squeeze %parallel_loop3A_1080 : memref<1x32x128xf32, #tpu.memory_space<vmem>> -> memref<32x128xf32, #tpu.memory_space<vmem>>
        %parallel_loop3A_1082 = arith.constant 0 : i32
        %parallel_loop3A_1083 = tpu.memref_slice %parallel_loop3A_1081[%parallel_loop3A_956, %parallel_loop3A_1082] : memref<32x128xf32, #tpu.memory_space<vmem>> -> memref<1x128xf32, #tpu.memory_space<vmem>>
        %parallel_loop3A_1084 = tpu.memref_squeeze %parallel_loop3A_1083 : memref<1x128xf32, #tpu.memory_space<vmem>> -> memref<128xf32, #tpu.memory_space<vmem>>
        %parallel_loop3A_1085 = arith.constant 112 : index
        %parallel_loop3A_1086 = tpu.vector_load %parallel_loop3A_1084[%parallel_loop3A_1085] {strides = array<i32>} : memref<128xf32, #tpu.memory_space<vmem>>, vector<16xf32>,
        tpu.vector_store %parallel_loop3A_1084[%parallel_loop3A_1085], %parallel_loop3A_1076 {strides = array<i32>} : memref<128xf32, #tpu.memory_space<vmem>>, vector<16xf32>,
      } {sc.loop_unroll_factor = 4 : i64, sc.parallel_access}
      %dma_start3A_504 = arith.constant 0 : i32
      %dma_start3A_505 = arith.constant 0 : i32
      %dma_start3A_506 = arith.constant 0 : i32
      %dma_start3A_507 = arith.constant 0 : i32
      %dma_start3A_508 = tpu.memref_slice %arg8[%dma_start3A_504, %dma_start3A_506, %dma_start3A_507] : memref<2x32x128xf32, #tpu.memory_space<vmem>> -> memref<1x32x128xf32, #tpu.memory_space<vmem>>
      %dma_start3A_509 = tpu.memref_squeeze %dma_start3A_508 : memref<1x32x128xf32, #tpu.memory_space<vmem>> -> memref<32x128xf32, #tpu.memory_space<vmem>>
      %dma_start3A_510 = arith.constant 0 : i32
      %dma_start3A_511 = arith.constant 0 : i32
      %dma_start3A_512 = tpu.memref_slice %dma_start3A_509[%dma_start3A_510, %dma_start3A_511] : memref<32x128xf32, #tpu.memory_space<vmem>> -> memref<8x128xf32, #tpu.memory_space<vmem>>
      %dma_start3A_513 = arith.constant 0 : i32
      %dma_start3A_514 = arith.constant 0 : i32
      %dma_start3A_515 = arith.constant 0 : i32
      %dma_start3A_516 = arith.constant 0 : i32
      %dma_start3A_517 = tpu.memref_slice %arg4[%select_n3A_480, %dma_start3A_513, %dma_start3A_514, %dma_start3A_515, %dma_start3A_516] : memref<26x4x128x8x128xf32, #tpu.memory_space<hbm>> -> memref<1x4x128x8x128xf32, #tpu.memory_space<hbm>>
      %dma_start3A_518 = tpu.memref_squeeze %dma_start3A_517 : memref<1x4x128x8x128xf32, #tpu.memory_space<hbm>> -> memref<4x128x8x128xf32, #tpu.memory_space<hbm>>
      %dma_start3A_519 = arith.constant 0 : i32
      %dma_start3A_520 = arith.constant 0 : i32
      %dma_start3A_521 = arith.constant 0 : i32
      %dma_start3A_522 = tpu.memref_slice %dma_start3A_518[%dma_start3A_505, %dma_start3A_519, %dma_start3A_520, %dma_start3A_521] : memref<4x128x8x128xf32, #tpu.memory_space<hbm>> -> memref<1x128x8x128xf32, #tpu.memory_space<hbm>>
      %dma_start3A_523 = tpu.memref_squeeze %dma_start3A_522 : memref<1x128x8x128xf32, #tpu.memory_space<hbm>> -> memref<128x8x128xf32, #tpu.memory_space<hbm>>
      %dma_start3A_524 = arith.constant 0 : i32
      %dma_start3A_525 = arith.constant 0 : i32
      %dma_start3A_526 = tpu.memref_slice %dma_start3A_523[%add3A_483, %dma_start3A_524, %dma_start3A_525] : memref<128x8x128xf32, #tpu.memory_space<hbm>> -> memref<1x8x128xf32, #tpu.memory_space<hbm>>
      %dma_start3A_527 = tpu.memref_squeeze %dma_start3A_526 : memref<1x8x128xf32, #tpu.memory_space<hbm>> -> memref<8x128xf32, #tpu.memory_space<hbm>>
      %dma_start3A_528 = arith.constant 0 : i32
      %dma_start3A_529 = arith.constant 0 : i32
      %dma_start3A_530 = arith.constant 0 : i32
      %dma_start3A_531 = arith.constant 0 : i32
      %dma_start3A_532 = tpu.memref_slice %arg4[%select_n3A_480, %dma_start3A_528, %dma_start3A_529, %dma_start3A_530, %dma_start3A_531] : memref<26x4x128x8x128xf32, #tpu.memory_space<hbm>> -> memref<1x4x128x8x128xf32, #tpu.memory_space<hbm>>
      %dma_start3A_533 = tpu.memref_squeeze %dma_start3A_532 : memref<1x4x128x8x128xf32, #tpu.memory_space<hbm>> -> memref<4x128x8x128xf32, #tpu.memory_space<hbm>>
      %dma_start3A_534 = arith.constant 0 : i32
      %dma_start3A_535 = arith.constant 0 : i32
      %dma_start3A_536 = arith.constant 0 : i32
      %dma_start3A_537 = tpu.memref_slice %dma_start3A_533[%dma_start3A_505, %dma_start3A_534, %dma_start3A_535, %dma_start3A_536] : memref<4x128x8x128xf32, #tpu.memory_space<hbm>> -> memref<1x128x8x128xf32, #tpu.memory_space<hbm>>
      %dma_start3A_538 = tpu.memref_squeeze %dma_start3A_537 : memref<1x128x8x128xf32, #tpu.memory_space<hbm>> -> memref<128x8x128xf32, #tpu.memory_space<hbm>>
      %dma_start3A_539 = arith.constant 0 : i32
      %dma_start3A_540 = arith.constant 0 : i32
      %dma_start3A_541 = tpu.memref_slice %dma_start3A_538[%add3A_483, %dma_start3A_539, %dma_start3A_540] : memref<128x8x128xf32, #tpu.memory_space<hbm>> -> memref<1x8x128xf32, #tpu.memory_space<hbm>>
      %dma_start3A_542 = tpu.memref_squeeze %dma_start3A_541 : memref<1x8x128xf32, #tpu.memory_space<hbm>> -> memref<8x128xf32, #tpu.memory_space<hbm>>
      %dma_start3A_543 = arith.constant 0 : i32
      %dma_start3A_544 = arith.constant 0 : i32
      %dma_start3A_545 = tpu.memref_slice %arg8[%dma_start3A_504, %dma_start3A_543, %dma_start3A_544] : memref<2x32x128xf32, #tpu.memory_space<vmem>> -> memref<1x32x128xf32, #tpu.memory_space<vmem>>
      %dma_start3A_546 = tpu.memref_squeeze %dma_start3A_545 : memref<1x32x128xf32, #tpu.memory_space<vmem>> -> memref<32x128xf32, #tpu.memory_space<vmem>>
      %dma_start3A_547 = arith.constant 0 : i32
      %dma_start3A_548 = arith.constant 0 : i32
      %dma_start3A_549 = tpu.memref_slice %dma_start3A_546[%dma_start3A_547, %dma_start3A_548] : memref<32x128xf32, #tpu.memory_space<vmem>> -> memref<8x128xf32, #tpu.memory_space<vmem>>
      tpu.enqueue_dma source(%dma_start3A_549 : memref<8x128xf32, #tpu.memory_space<vmem>>) target(%dma_start3A_542 : memref<8x128xf32, #tpu.memory_space<hbm>>) target_semaphore(%arg11 : memref<!tpu.dma_semaphore, #tpu.memory_space<semaphore_mem>>)
      %dma_start3A_550 = arith.constant 0 : i32
      %dma_start3A_551 = arith.constant 1 : i32
      %dma_start3A_552 = arith.constant 0 : i32
      %dma_start3A_553 = arith.constant 0 : i32
      %dma_start3A_554 = tpu.memref_slice %arg8[%dma_start3A_550, %dma_start3A_552, %dma_start3A_553] : memref<2x32x128xf32, #tpu.memory_space<vmem>> -> memref<1x32x128xf32, #tpu.memory_space<vmem>>
      %dma_start3A_555 = tpu.memref_squeeze %dma_start3A_554 : memref<1x32x128xf32, #tpu.memory_space<vmem>> -> memref<32x128xf32, #tpu.memory_space<vmem>>
      %dma_start3A_556 = arith.constant 8 : i32
      %dma_start3A_557 = arith.constant 0 : i32
      %dma_start3A_558 = tpu.memref_slice %dma_start3A_555[%dma_start3A_556, %dma_start3A_557] : memref<32x128xf32, #tpu.memory_space<vmem>> -> memref<8x128xf32, #tpu.memory_space<vmem>>
      %dma_start3A_559 = arith.constant 0 : i32
      %dma_start3A_560 = arith.constant 0 : i32
      %dma_start3A_561 = arith.constant 0 : i32
      %dma_start3A_562 = arith.constant 0 : i32
      %dma_start3A_563 = tpu.memref_slice %arg4[%select_n3A_480, %dma_start3A_559, %dma_start3A_560, %dma_start3A_561, %dma_start3A_562] : memref<26x4x128x8x128xf32, #tpu.memory_space<hbm>> -> memref<1x4x128x8x128xf32, #tpu.memory_space<hbm>>
      %dma_start3A_564 = tpu.memref_squeeze %dma_start3A_563 : memref<1x4x128x8x128xf32, #tpu.memory_space<hbm>> -> memref<4x128x8x128xf32, #tpu.memory_space<hbm>>
      %dma_start3A_565 = arith.constant 0 : i32
      %dma_start3A_566 = arith.constant 0 : i32
      %dma_start3A_567 = arith.constant 0 : i32
      %dma_start3A_568 = tpu.memref_slice %dma_start3A_564[%dma_start3A_551, %dma_start3A_565, %dma_start3A_566, %dma_start3A_567] : memref<4x128x8x128xf32, #tpu.memory_space<hbm>> -> memref<1x128x8x128xf32, #tpu.memory_space<hbm>>
      %dma_start3A_569 = tpu.memref_squeeze %dma_start3A_568 : memref<1x128x8x128xf32, #tpu.memory_space<hbm>> -> memref<128x8x128xf32, #tpu.memory_space<hbm>>
      %dma_start3A_570 = arith.constant 0 : i32
      %dma_start3A_571 = arith.constant 0 : i32
      %dma_start3A_572 = tpu.memref_slice %dma_start3A_569[%add3A_483, %dma_start3A_570, %dma_start3A_571] : memref<128x8x128xf32, #tpu.memory_space<hbm>> -> memref<1x8x128xf32, #tpu.memory_space<hbm>>
      %dma_start3A_573 = tpu.memref_squeeze %dma_start3A_572 : memref<1x8x128xf32, #tpu.memory_space<hbm>> -> memref<8x128xf32, #tpu.memory_space<hbm>>
      %dma_start3A_574 = arith.constant 0 : i32
      %dma_start3A_575 = arith.constant 0 : i32
      %dma_start3A_576 = arith.constant 0 : i32
      %dma_start3A_577 = arith.constant 0 : i32
      %dma_start3A_578 = tpu.memref_slice %arg4[%select_n3A_480, %dma_start3A_574, %dma_start3A_575, %dma_start3A_576, %dma_start3A_577] : memref<26x4x128x8x128xf32, #tpu.memory_space<hbm>> -> memref<1x4x128x8x128xf32, #tpu.memory_space<hbm>>
      %dma_start3A_579 = tpu.memref_squeeze %dma_start3A_578 : memref<1x4x128x8x128xf32, #tpu.memory_space<hbm>> -> memref<4x128x8x128xf32, #tpu.memory_space<hbm>>
      %dma_start3A_580 = arith.constant 0 : i32
      %dma_start3A_581 = arith.constant 0 : i32
      %dma_start3A_582 = arith.constant 0 : i32
      %dma_start3A_583 = tpu.memref_slice %dma_start3A_579[%dma_start3A_551, %dma_start3A_580, %dma_start3A_581, %dma_start3A_582] : memref<4x128x8x128xf32, #tpu.memory_space<hbm>> -> memref<1x128x8x128xf32, #tpu.memory_space<hbm>>
      %dma_start3A_584 = tpu.memref_squeeze %dma_start3A_583 : memref<1x128x8x128xf32, #tpu.memory_space<hbm>> -> memref<128x8x128xf32, #tpu.memory_space<hbm>>
      %dma_start3A_585 = arith.constant 0 : i32
      %dma_start3A_586 = arith.constant 0 : i32
      %dma_start3A_587 = tpu.memref_slice %dma_start3A_584[%add3A_483, %dma_start3A_585, %dma_start3A_586] : memref<128x8x128xf32, #tpu.memory_space<hbm>> -> memref<1x8x128xf32, #tpu.memory_space<hbm>>
      %dma_start3A_588 = tpu.memref_squeeze %dma_start3A_587 : memref<1x8x128xf32, #tpu.memory_space<hbm>> -> memref<8x128xf32, #tpu.memory_space<hbm>>
      %dma_start3A_589 = arith.constant 0 : i32
      %dma_start3A_590 = arith.constant 0 : i32
      %dma_start3A_591 = tpu.memref_slice %arg8[%dma_start3A_550, %dma_start3A_589, %dma_start3A_590] : memref<2x32x128xf32, #tpu.memory_space<vmem>> -> memref<1x32x128xf32, #tpu.memory_space<vmem>>
      %dma_start3A_592 = tpu.memref_squeeze %dma_start3A_591 : memref<1x32x128xf32, #tpu.memory_space<vmem>> -> memref<32x128xf32, #tpu.memory_space<vmem>>
      %dma_start3A_593 = arith.constant 8 : i32
      %dma_start3A_594 = arith.constant 0 : i32
      %dma_start3A_595 = tpu.memref_slice %dma_start3A_592[%dma_start3A_593, %dma_start3A_594] : memref<32x128xf32, #tpu.memory_space<vmem>> -> memref<8x128xf32, #tpu.memory_space<vmem>>
      tpu.enqueue_dma source(%dma_start3A_595 : memref<8x128xf32, #tpu.memory_space<vmem>>) target(%dma_start3A_588 : memref<8x128xf32, #tpu.memory_space<hbm>>) target_semaphore(%arg11 : memref<!tpu.dma_semaphore, #tpu.memory_space<semaphore_mem>>)
      %dma_start3A_596 = arith.constant 0 : i32
      %dma_start3A_597 = arith.constant 2 : i32
      %dma_start3A_598 = arith.constant 0 : i32
      %dma_start3A_599 = arith.constant 0 : i32
      %dma_start3A_600 = tpu.memref_slice %arg8[%dma_start3A_596, %dma_start3A_598, %dma_start3A_599] : memref<2x32x128xf32, #tpu.memory_space<vmem>> -> memref<1x32x128xf32, #tpu.memory_space<vmem>>
      %dma_start3A_601 = tpu.memref_squeeze %dma_start3A_600 : memref<1x32x128xf32, #tpu.memory_space<vmem>> -> memref<32x128xf32, #tpu.memory_space<vmem>>
      %dma_start3A_602 = arith.constant 16 : i32
      %dma_start3A_603 = arith.constant 0 : i32
      %dma_start3A_604 = tpu.memref_slice %dma_start3A_601[%dma_start3A_602, %dma_start3A_603] : memref<32x128xf32, #tpu.memory_space<vmem>> -> memref<8x128xf32, #tpu.memory_space<vmem>>
      %dma_start3A_605 = arith.constant 0 : i32
      %dma_start3A_606 = arith.constant 0 : i32
      %dma_start3A_607 = arith.constant 0 : i32
      %dma_start3A_608 = arith.constant 0 : i32
      %dma_start3A_609 = tpu.memref_slice %arg4[%select_n3A_480, %dma_start3A_605, %dma_start3A_606, %dma_start3A_607, %dma_start3A_608] : memref<26x4x128x8x128xf32, #tpu.memory_space<hbm>> -> memref<1x4x128x8x128xf32, #tpu.memory_space<hbm>>
      %dma_start3A_610 = tpu.memref_squeeze %dma_start3A_609 : memref<1x4x128x8x128xf32, #tpu.memory_space<hbm>> -> memref<4x128x8x128xf32, #tpu.memory_space<hbm>>
      %dma_start3A_611 = arith.constant 0 : i32
      %dma_start3A_612 = arith.constant 0 : i32
      %dma_start3A_613 = arith.constant 0 : i32
      %dma_start3A_614 = tpu.memref_slice %dma_start3A_610[%dma_start3A_597, %dma_start3A_611, %dma_start3A_612, %dma_start3A_613] : memref<4x128x8x128xf32, #tpu.memory_space<hbm>> -> memref<1x128x8x128xf32, #tpu.memory_space<hbm>>
      %dma_start3A_615 = tpu.memref_squeeze %dma_start3A_614 : memref<1x128x8x128xf32, #tpu.memory_space<hbm>> -> memref<128x8x128xf32, #tpu.memory_space<hbm>>
      %dma_start3A_616 = arith.constant 0 : i32
      %dma_start3A_617 = arith.constant 0 : i32
      %dma_start3A_618 = tpu.memref_slice %dma_start3A_615[%add3A_483, %dma_start3A_616, %dma_start3A_617] : memref<128x8x128xf32, #tpu.memory_space<hbm>> -> memref<1x8x128xf32, #tpu.memory_space<hbm>>
      %dma_start3A_619 = tpu.memref_squeeze %dma_start3A_618 : memref<1x8x128xf32, #tpu.memory_space<hbm>> -> memref<8x128xf32, #tpu.memory_space<hbm>>
      %dma_start3A_620 = arith.constant 0 : i32
      %dma_start3A_621 = arith.constant 0 : i32
      %dma_start3A_622 = arith.constant 0 : i32
      %dma_start3A_623 = arith.constant 0 : i32
      %dma_start3A_624 = tpu.memref_slice %arg4[%select_n3A_480, %dma_start3A_620, %dma_start3A_621, %dma_start3A_622, %dma_start3A_623] : memref<26x4x128x8x128xf32, #tpu.memory_space<hbm>> -> memref<1x4x128x8x128xf32, #tpu.memory_space<hbm>>
      %dma_start3A_625 = tpu.memref_squeeze %dma_start3A_624 : memref<1x4x128x8x128xf32, #tpu.memory_space<hbm>> -> memref<4x128x8x128xf32, #tpu.memory_space<hbm>>
      %dma_start3A_626 = arith.constant 0 : i32
      %dma_start3A_627 = arith.constant 0 : i32
      %dma_start3A_628 = arith.constant 0 : i32
      %dma_start3A_629 = tpu.memref_slice %dma_start3A_625[%dma_start3A_597, %dma_start3A_626, %dma_start3A_627, %dma_start3A_628] : memref<4x128x8x128xf32, #tpu.memory_space<hbm>> -> memref<1x128x8x128xf32, #tpu.memory_space<hbm>>
      %dma_start3A_630 = tpu.memref_squeeze %dma_start3A_629 : memref<1x128x8x128xf32, #tpu.memory_space<hbm>> -> memref<128x8x128xf32, #tpu.memory_space<hbm>>
      %dma_start3A_631 = arith.constant 0 : i32
      %dma_start3A_632 = arith.constant 0 : i32
      %dma_start3A_633 = tpu.memref_slice %dma_start3A_630[%add3A_483, %dma_start3A_631, %dma_start3A_632] : memref<128x8x128xf32, #tpu.memory_space<hbm>> -> memref<1x8x128xf32, #tpu.memory_space<hbm>>
      %dma_start3A_634 = tpu.memref_squeeze %dma_start3A_633 : memref<1x8x128xf32, #tpu.memory_space<hbm>> -> memref<8x128xf32, #tpu.memory_space<hbm>>
      %dma_start3A_635 = arith.constant 0 : i32
      %dma_start3A_636 = arith.constant 0 : i32
      %dma_start3A_637 = tpu.memref_slice %arg8[%dma_start3A_596, %dma_start3A_635, %dma_start3A_636] : memref<2x32x128xf32, #tpu.memory_space<vmem>> -> memref<1x32x128xf32, #tpu.memory_space<vmem>>
      %dma_start3A_638 = tpu.memref_squeeze %dma_start3A_637 : memref<1x32x128xf32, #tpu.memory_space<vmem>> -> memref<32x128xf32, #tpu.memory_space<vmem>>
      %dma_start3A_639 = arith.constant 16 : i32
      %dma_start3A_640 = arith.constant 0 : i32
      %dma_start3A_641 = tpu.memref_slice %dma_start3A_638[%dma_start3A_639, %dma_start3A_640] : memref<32x128xf32, #tpu.memory_space<vmem>> -> memref<8x128xf32, #tpu.memory_space<vmem>>
      tpu.enqueue_dma source(%dma_start3A_641 : memref<8x128xf32, #tpu.memory_space<vmem>>) target(%dma_start3A_634 : memref<8x128xf32, #tpu.memory_space<hbm>>) target_semaphore(%arg11 : memref<!tpu.dma_semaphore, #tpu.memory_space<semaphore_mem>>)
      %dma_start3A_642 = arith.constant 0 : i32
      %dma_start3A_643 = arith.constant 3 : i32
      %dma_start3A_644 = arith.constant 0 : i32
      %dma_start3A_645 = arith.constant 0 : i32
      %dma_start3A_646 = tpu.memref_slice %arg8[%dma_start3A_642, %dma_start3A_644, %dma_start3A_645] : memref<2x32x128xf32, #tpu.memory_space<vmem>> -> memref<1x32x128xf32, #tpu.memory_space<vmem>>
      %dma_start3A_647 = tpu.memref_squeeze %dma_start3A_646 : memref<1x32x128xf32, #tpu.memory_space<vmem>> -> memref<32x128xf32, #tpu.memory_space<vmem>>
      %dma_start3A_648 = arith.constant 24 : i32
      %dma_start3A_649 = arith.constant 0 : i32
      %dma_start3A_650 = tpu.memref_slice %dma_start3A_647[%dma_start3A_648, %dma_start3A_649] : memref<32x128xf32, #tpu.memory_space<vmem>> -> memref<8x128xf32, #tpu.memory_space<vmem>>
      %dma_start3A_651 = arith.constant 0 : i32
      %dma_start3A_652 = arith.constant 0 : i32
      %dma_start3A_653 = arith.constant 0 : i32
      %dma_start3A_654 = arith.constant 0 : i32
      %dma_start3A_655 = tpu.memref_slice %arg4[%select_n3A_480, %dma_start3A_651, %dma_start3A_652, %dma_start3A_653, %dma_start3A_654] : memref<26x4x128x8x128xf32, #tpu.memory_space<hbm>> -> memref<1x4x128x8x128xf32, #tpu.memory_space<hbm>>
      %dma_start3A_656 = tpu.memref_squeeze %dma_start3A_655 : memref<1x4x128x8x128xf32, #tpu.memory_space<hbm>> -> memref<4x128x8x128xf32, #tpu.memory_space<hbm>>
      %dma_start3A_657 = arith.constant 0 : i32
      %dma_start3A_658 = arith.constant 0 : i32
      %dma_start3A_659 = arith.constant 0 : i32
      %dma_start3A_660 = tpu.memref_slice %dma_start3A_656[%dma_start3A_643, %dma_start3A_657, %dma_start3A_658, %dma_start3A_659] : memref<4x128x8x128xf32, #tpu.memory_space<hbm>> -> memref<1x128x8x128xf32, #tpu.memory_space<hbm>>
      %dma_start3A_661 = tpu.memref_squeeze %dma_start3A_660 : memref<1x128x8x128xf32, #tpu.memory_space<hbm>> -> memref<128x8x128xf32, #tpu.memory_space<hbm>>
      %dma_start3A_662 = arith.constant 0 : i32
      %dma_start3A_663 = arith.constant 0 : i32
      %dma_start3A_664 = tpu.memref_slice %dma_start3A_661[%add3A_483, %dma_start3A_662, %dma_start3A_663] : memref<128x8x128xf32, #tpu.memory_space<hbm>> -> memref<1x8x128xf32, #tpu.memory_space<hbm>>
      %dma_start3A_665 = tpu.memref_squeeze %dma_start3A_664 : memref<1x8x128xf32, #tpu.memory_space<hbm>> -> memref<8x128xf32, #tpu.memory_space<hbm>>
      %dma_start3A_666 = arith.constant 0 : i32
      %dma_start3A_667 = arith.constant 0 : i32
      %dma_start3A_668 = arith.constant 0 : i32
      %dma_start3A_669 = arith.constant 0 : i32
      %dma_start3A_670 = tpu.memref_slice %arg4[%select_n3A_480, %dma_start3A_666, %dma_start3A_667, %dma_start3A_668, %dma_start3A_669] : memref<26x4x128x8x128xf32, #tpu.memory_space<hbm>> -> memref<1x4x128x8x128xf32, #tpu.memory_space<hbm>>
      %dma_start3A_671 = tpu.memref_squeeze %dma_start3A_670 : memref<1x4x128x8x128xf32, #tpu.memory_space<hbm>> -> memref<4x128x8x128xf32, #tpu.memory_space<hbm>>
      %dma_start3A_672 = arith.constant 0 : i32
      %dma_start3A_673 = arith.constant 0 : i32
      %dma_start3A_674 = arith.constant 0 : i32
      %dma_start3A_675 = tpu.memref_slice %dma_start3A_671[%dma_start3A_643, %dma_start3A_672, %dma_start3A_673, %dma_start3A_674] : memref<4x128x8x128xf32, #tpu.memory_space<hbm>> -> memref<1x128x8x128xf32, #tpu.memory_space<hbm>>
      %dma_start3A_676 = tpu.memref_squeeze %dma_start3A_675 : memref<1x128x8x128xf32, #tpu.memory_space<hbm>> -> memref<128x8x128xf32, #tpu.memory_space<hbm>>
      %dma_start3A_677 = arith.constant 0 : i32
      %dma_start3A_678 = arith.constant 0 : i32
      %dma_start3A_679 = tpu.memref_slice %dma_start3A_676[%add3A_483, %dma_start3A_677, %dma_start3A_678] : memref<128x8x128xf32, #tpu.memory_space<hbm>> -> memref<1x8x128xf32, #tpu.memory_space<hbm>>
      %dma_start3A_680 = tpu.memref_squeeze %dma_start3A_679 : memref<1x8x128xf32, #tpu.memory_space<hbm>> -> memref<8x128xf32, #tpu.memory_space<hbm>>
      %dma_start3A_681 = arith.constant 0 : i32
      %dma_start3A_682 = arith.constant 0 : i32
      %dma_start3A_683 = tpu.memref_slice %arg8[%dma_start3A_642, %dma_start3A_681, %dma_start3A_682] : memref<2x32x128xf32, #tpu.memory_space<vmem>> -> memref<1x32x128xf32, #tpu.memory_space<vmem>>
      %dma_start3A_684 = tpu.memref_squeeze %dma_start3A_683 : memref<1x32x128xf32, #tpu.memory_space<vmem>> -> memref<32x128xf32, #tpu.memory_space<vmem>>
      %dma_start3A_685 = arith.constant 24 : i32
      %dma_start3A_686 = arith.constant 0 : i32
      %dma_start3A_687 = tpu.memref_slice %dma_start3A_684[%dma_start3A_685, %dma_start3A_686] : memref<32x128xf32, #tpu.memory_space<vmem>> -> memref<8x128xf32, #tpu.memory_space<vmem>>
      tpu.enqueue_dma source(%dma_start3A_687 : memref<8x128xf32, #tpu.memory_space<vmem>>) target(%dma_start3A_680 : memref<8x128xf32, #tpu.memory_space<hbm>>) target_semaphore(%arg11 : memref<!tpu.dma_semaphore, #tpu.memory_space<semaphore_mem>>)
      %add3A_688 = arith.constant 2 : i32
      %add3A_689 = arith.addi %add3A_450, %add3A_688 : i32
      %lt3A_690 = arith.constant 104 : i32
      %lt3A_691 = arith.cmpi slt, %add3A_689, %lt3A_690 : i32
      %convert_element_type3A_692 = arith.extui %lt3A_691 : i1 to i32
      %cond3A_693 = arith.constant 0 : i32
      %cond3A_694 = arith.cmpi ne, %convert_element_type3A_692, %cond3A_693 : i32
      scf.if %cond3A_694 {
        %add3A_956 = arith.constant 2 : i32
        %add3A_957 = arith.addi %add3A_450, %add3A_956 : i32
        %dma_start3A_958 = arith.constant 0 : i32
        %dma_start3A_959 = arith.constant 0 : i32
        %dma_start3A_960 = arith.constant 0 : i32
        %dma_start3A_961 = tpu.memref_slice %arg7[%dma_start3A_958, %dma_start3A_959, %dma_start3A_960] : memref<2x128x32xf32, #tpu.memory_space<vmem>> -> memref<1x128x32xf32, #tpu.memory_space<vmem>>
        %dma_start3A_962 = tpu.memref_squeeze %dma_start3A_961 : memref<1x128x32xf32, #tpu.memory_space<vmem>> -> memref<128x32xf32, #tpu.memory_space<vmem>>
        %dma_start3A_963 = arith.constant 0 : i32
        %dma_start3A_964 = tpu.memref_slice %arg6[%add3A_957, %dma_start3A_963] : memref<104x128xi32, #tpu.memory_space<vmem>> -> memref<1x128xi32, #tpu.memory_space<vmem>>
        %dma_start3A_965 = tpu.memref_squeeze %dma_start3A_964 : memref<1x128xi32, #tpu.memory_space<vmem>> -> memref<128xi32, #tpu.memory_space<vmem>>
        %dma_start3A_966 = arith.constant 0 : i32
        %dma_start3A_967 = arith.constant 0 : i32
        %dma_start3A_968 = tpu.memref_slice %arg3[%dma_start3A_966, %dma_start3A_967] : memref<1000000x32xf32, #tpu.memory_space<hbm>> -> memref<1000000x32xf32, #tpu.memory_space<hbm>>
        tpu.enqueue_indirect_dma source(%dma_start3A_968 : memref<1000000x32xf32, #tpu.memory_space<hbm>>) target(%dma_start3A_962 : memref<128x32xf32, #tpu.memory_space<vmem>>) offsets(%dma_start3A_965 : memref<128xi32, #tpu.memory_space<vmem>>) semaphore(%arg9 : memref<!tpu.dma_semaphore, #tpu.memory_space<semaphore_mem>>)
      } else {
      }
      %mul3A_695 = arith.constant 2 : i32
      %mul3A_696 = arith.muli %scan3A_446, %mul3A_695 : i32
      %add3A_697 = arith.constant 1 : i32
      %add3A_698 = arith.addi %mul3A_696, %add3A_697 : i32
      %jit3A_699 = arith.constant 26 : i32
      %div3A_700 = arith.divsi %add3A_698, %jit3A_699 : i32
      %sign3A_701 = arith.constant 0 : i32
      %sign3A_702 = arith.cmpi sgt, %add3A_698, %sign3A_701 : i32
      %sign3A_703 = arith.extui %sign3A_702 : i1 to i32
      %sign3A_704 = arith.constant 0 : i32
      %sign3A_705 = arith.cmpi slt, %add3A_698, %sign3A_704 : i32
      %sign3A_706 = arith.extui %sign3A_705 : i1 to i32
      %sign3A_707 = arith.subi %sign3A_703, %sign3A_706 : i32
      %sign3A_708 = arith.constant 0 : i32
      %sign3A_709 = arith.cmpi sgt, %jit3A_699, %sign3A_708 : i32
      %sign3A_710 = arith.extui %sign3A_709 : i1 to i32
      %sign3A_711 = arith.constant 0 : i32
      %sign3A_712 = arith.cmpi slt, %jit3A_699, %sign3A_711 : i32
      %sign3A_713 = arith.extui %sign3A_712 : i1 to i32
      %sign3A_714 = arith.subi %sign3A_710, %sign3A_713 : i32
      %ne3A_715 = arith.cmpi ne, %sign3A_707, %sign3A_714 : i32
      %rem3A_716 = arith.remsi %add3A_698, %jit3A_699 : i32
      %ne3A_717 = arith.constant 0 : i32
      %ne3A_718 = arith.cmpi ne, %rem3A_716, %ne3A_717 : i32
      %and3A_719 = arith.andi %ne3A_715, %ne3A_718 : i1
      %sub3A_720 = arith.constant 1 : i32
      %sub3A_721 = arith.subi %div3A_700, %sub3A_720 : i32
      %select_n3A_722 = arith.select %and3A_719, %sub3A_721, %div3A_700 : i32
      %jit3A_723 = arith.constant 26 : i32
      %eq3A_724 = arith.constant 0 : i32
      %eq3A_725 = arith.cmpi eq, %jit3A_723, %eq3A_724 : i32
      %jit3A_726 = arith.constant 1 : i32
      %select_n3A_727 = arith.select %eq3A_725, %jit3A_726, %jit3A_723 : i32
      %rem3A_728 = arith.remsi %add3A_698, %select_n3A_727 : i32
      %ne3A_729 = arith.constant 0 : i32
      %ne3A_730 = arith.cmpi ne, %rem3A_728, %ne3A_729 : i32
      %lt3A_731 = arith.constant 0 : i32
      %lt3A_732 = arith.cmpi slt, %rem3A_728, %lt3A_731 : i32
      %lt3A_733 = arith.constant 0 : i32
      %lt3A_734 = arith.cmpi slt, %select_n3A_727, %lt3A_733 : i32
      %ne3A_735 = arith.xori %lt3A_732, %lt3A_734 : i1
      %and3A_736 = arith.andi %ne3A_735, %ne3A_730 : i1
      %add3A_737 = arith.addi %rem3A_728, %select_n3A_727 : i32
      %select_n3A_738 = arith.select %and3A_736, %add3A_737, %rem3A_728 : i32
      %mul3A_739 = arith.constant 4 : i32
      %mul3A_740 = arith.muli %add3A, %mul3A_739 : i32
      %add3A_741 = arith.addi %mul3A_740, %select_n3A_722 : i32
      %ge3A_742 = arith.constant 1 : i32
      %ge3A_743 = arith.cmpi sge, %scan3A_446, %ge3A_742 : i32
      %convert_element_type3A_744 = arith.extui %ge3A_743 : i1 to i32
      %cond3A_745 = arith.constant 0 : i32
      %cond3A_746 = arith.cmpi ne, %convert_element_type3A_744, %cond3A_745 : i32
      scf.if %cond3A_746 {
        %dma_wait3A_956 = arith.constant 1 : i32
        %dma_wait3A_957 = arith.constant 0 : i32
        %dma_wait3A_958 = arith.constant 0 : i32
        %dma_wait3A_959 = arith.constant 0 : i32
        %dma_wait3A_960 = arith.constant 0 : i32
        %dma_wait3A_961 = arith.constant 0 : i32
        %dma_wait3A_962 = tpu.memref_slice %arg8[%dma_wait3A_956, %dma_wait3A_960, %dma_wait3A_961] : memref<2x32x128xf32, #tpu.memory_space<vmem>> -> memref<1x32x128xf32, #tpu.memory_space<vmem>>
        %dma_wait3A_963 = tpu.memref_squeeze %dma_wait3A_962 : memref<1x32x128xf32, #tpu.memory_space<vmem>> -> memref<32x128xf32, #tpu.memory_space<vmem>>
        %dma_wait3A_964 = arith.constant 0 : i32
        %dma_wait3A_965 = arith.constant 0 : i32
        %dma_wait3A_966 = tpu.memref_slice %dma_wait3A_963[%dma_wait3A_964, %dma_wait3A_965] : memref<32x128xf32, #tpu.memory_space<vmem>> -> memref<8x128xf32, #tpu.memory_space<vmem>>
        %dma_wait3A_967 = arith.constant 0 : i32
        %dma_wait3A_968 = arith.constant 0 : i32
        %dma_wait3A_969 = arith.constant 0 : i32
        %dma_wait3A_970 = arith.constant 0 : i32
        %dma_wait3A_971 = tpu.memref_slice %arg4[%dma_wait3A_957, %dma_wait3A_967, %dma_wait3A_968, %dma_wait3A_969, %dma_wait3A_970] : memref<26x4x128x8x128xf32, #tpu.memory_space<hbm>> -> memref<1x4x128x8x128xf32, #tpu.memory_space<hbm>>
        %dma_wait3A_972 = tpu.memref_squeeze %dma_wait3A_971 : memref<1x4x128x8x128xf32, #tpu.memory_space<hbm>> -> memref<4x128x8x128xf32, #tpu.memory_space<hbm>>
        %dma_wait3A_973 = arith.constant 0 : i32
        %dma_wait3A_974 = arith.constant 0 : i32
        %dma_wait3A_975 = arith.constant 0 : i32
        %dma_wait3A_976 = tpu.memref_slice %dma_wait3A_972[%dma_wait3A_958, %dma_wait3A_973, %dma_wait3A_974, %dma_wait3A_975] : memref<4x128x8x128xf32, #tpu.memory_space<hbm>> -> memref<1x128x8x128xf32, #tpu.memory_space<hbm>>
        %dma_wait3A_977 = tpu.memref_squeeze %dma_wait3A_976 : memref<1x128x8x128xf32, #tpu.memory_space<hbm>> -> memref<128x8x128xf32, #tpu.memory_space<hbm>>
        %dma_wait3A_978 = arith.constant 0 : i32
        %dma_wait3A_979 = arith.constant 0 : i32
        %dma_wait3A_980 = tpu.memref_slice %dma_wait3A_977[%dma_wait3A_959, %dma_wait3A_978, %dma_wait3A_979] : memref<128x8x128xf32, #tpu.memory_space<hbm>> -> memref<1x8x128xf32, #tpu.memory_space<hbm>>
        %dma_wait3A_981 = tpu.memref_squeeze %dma_wait3A_980 : memref<1x8x128xf32, #tpu.memory_space<hbm>> -> memref<8x128xf32, #tpu.memory_space<hbm>>
        %dma_wait3A_982 = arith.constant 0 : i32
        %dma_wait3A_983 = arith.constant 0 : i32
        %dma_wait3A_984 = arith.constant 0 : i32
        %dma_wait3A_985 = arith.constant 0 : i32
        %dma_wait3A_986 = tpu.memref_slice %arg4[%dma_wait3A_957, %dma_wait3A_982, %dma_wait3A_983, %dma_wait3A_984, %dma_wait3A_985] : memref<26x4x128x8x128xf32, #tpu.memory_space<hbm>> -> memref<1x4x128x8x128xf32, #tpu.memory_space<hbm>>
        %dma_wait3A_987 = tpu.memref_squeeze %dma_wait3A_986 : memref<1x4x128x8x128xf32, #tpu.memory_space<hbm>> -> memref<4x128x8x128xf32, #tpu.memory_space<hbm>>
        %dma_wait3A_988 = arith.constant 0 : i32
        %dma_wait3A_989 = arith.constant 0 : i32
        %dma_wait3A_990 = arith.constant 0 : i32
        %dma_wait3A_991 = tpu.memref_slice %dma_wait3A_987[%dma_wait3A_958, %dma_wait3A_988, %dma_wait3A_989, %dma_wait3A_990] : memref<4x128x8x128xf32, #tpu.memory_space<hbm>> -> memref<1x128x8x128xf32, #tpu.memory_space<hbm>>
        %dma_wait3A_992 = tpu.memref_squeeze %dma_wait3A_991 : memref<1x128x8x128xf32, #tpu.memory_space<hbm>> -> memref<128x8x128xf32, #tpu.memory_space<hbm>>
        %dma_wait3A_993 = arith.constant 0 : i32
        %dma_wait3A_994 = arith.constant 0 : i32
        %dma_wait3A_995 = tpu.memref_slice %dma_wait3A_992[%dma_wait3A_959, %dma_wait3A_993, %dma_wait3A_994] : memref<128x8x128xf32, #tpu.memory_space<hbm>> -> memref<1x8x128xf32, #tpu.memory_space<hbm>>
        %dma_wait3A_996 = tpu.memref_squeeze %dma_wait3A_995 : memref<1x8x128xf32, #tpu.memory_space<hbm>> -> memref<8x128xf32, #tpu.memory_space<hbm>>
        %dma_wait3A_997 = arith.constant 0 : i32
        %dma_wait3A_998 = arith.constant 0 : i32
        %dma_wait3A_999 = tpu.memref_slice %arg8[%dma_wait3A_956, %dma_wait3A_997, %dma_wait3A_998] : memref<2x32x128xf32, #tpu.memory_space<vmem>> -> memref<1x32x128xf32, #tpu.memory_space<vmem>>
        %dma_wait3A_1000 = tpu.memref_squeeze %dma_wait3A_999 : memref<1x32x128xf32, #tpu.memory_space<vmem>> -> memref<32x128xf32, #tpu.memory_space<vmem>>
        %dma_wait3A_1001 = arith.constant 0 : i32
        %dma_wait3A_1002 = arith.constant 0 : i32
        %dma_wait3A_1003 = tpu.memref_slice %dma_wait3A_1000[%dma_wait3A_1001, %dma_wait3A_1002] : memref<32x128xf32, #tpu.memory_space<vmem>> -> memref<8x128xf32, #tpu.memory_space<vmem>>
        tpu.wait_dma2 semaphore(%arg12 : memref<!tpu.dma_semaphore, #tpu.memory_space<semaphore_mem>>) src(%dma_wait3A_1003 : memref<8x128xf32, #tpu.memory_space<vmem>>) dst(%dma_wait3A_996 : memref<8x128xf32, #tpu.memory_space<hbm>>)
        %dma_wait3A_1004 = arith.constant 1 : i32
        %dma_wait3A_1005 = arith.constant 0 : i32
        %dma_wait3A_1006 = arith.constant 0 : i32
        %dma_wait3A_1007 = arith.constant 0 : i32
        %dma_wait3A_1008 = arith.constant 0 : i32
        %dma_wait3A_1009 = arith.constant 0 : i32
        %dma_wait3A_1010 = tpu.memref_slice %arg8[%dma_wait3A_1004, %dma_wait3A_1008, %dma_wait3A_1009] : memref<2x32x128xf32, #tpu.memory_space<vmem>> -> memref<1x32x128xf32, #tpu.memory_space<vmem>>
        %dma_wait3A_1011 = tpu.memref_squeeze %dma_wait3A_1010 : memref<1x32x128xf32, #tpu.memory_space<vmem>> -> memref<32x128xf32, #tpu.memory_space<vmem>>
        %dma_wait3A_1012 = arith.constant 0 : i32
        %dma_wait3A_1013 = arith.constant 0 : i32
        %dma_wait3A_1014 = tpu.memref_slice %dma_wait3A_1011[%dma_wait3A_1012, %dma_wait3A_1013] : memref<32x128xf32, #tpu.memory_space<vmem>> -> memref<8x128xf32, #tpu.memory_space<vmem>>
        %dma_wait3A_1015 = arith.constant 0 : i32
        %dma_wait3A_1016 = arith.constant 0 : i32
        %dma_wait3A_1017 = arith.constant 0 : i32
        %dma_wait3A_1018 = arith.constant 0 : i32
        %dma_wait3A_1019 = tpu.memref_slice %arg4[%dma_wait3A_1005, %dma_wait3A_1015, %dma_wait3A_1016, %dma_wait3A_1017, %dma_wait3A_1018] : memref<26x4x128x8x128xf32, #tpu.memory_space<hbm>> -> memref<1x4x128x8x128xf32, #tpu.memory_space<hbm>>
        %dma_wait3A_1020 = tpu.memref_squeeze %dma_wait3A_1019 : memref<1x4x128x8x128xf32, #tpu.memory_space<hbm>> -> memref<4x128x8x128xf32, #tpu.memory_space<hbm>>
        %dma_wait3A_1021 = arith.constant 0 : i32
        %dma_wait3A_1022 = arith.constant 0 : i32
        %dma_wait3A_1023 = arith.constant 0 : i32
        %dma_wait3A_1024 = tpu.memref_slice %dma_wait3A_1020[%dma_wait3A_1006, %dma_wait3A_1021, %dma_wait3A_1022, %dma_wait3A_1023] : memref<4x128x8x128xf32, #tpu.memory_space<hbm>> -> memref<1x128x8x128xf32, #tpu.memory_space<hbm>>
        %dma_wait3A_1025 = tpu.memref_squeeze %dma_wait3A_1024 : memref<1x128x8x128xf32, #tpu.memory_space<hbm>> -> memref<128x8x128xf32, #tpu.memory_space<hbm>>
        %dma_wait3A_1026 = arith.constant 0 : i32
        %dma_wait3A_1027 = arith.constant 0 : i32
        %dma_wait3A_1028 = tpu.memref_slice %dma_wait3A_1025[%dma_wait3A_1007, %dma_wait3A_1026, %dma_wait3A_1027] : memref<128x8x128xf32, #tpu.memory_space<hbm>> -> memref<1x8x128xf32, #tpu.memory_space<hbm>>
        %dma_wait3A_1029 = tpu.memref_squeeze %dma_wait3A_1028 : memref<1x8x128xf32, #tpu.memory_space<hbm>> -> memref<8x128xf32, #tpu.memory_space<hbm>>
        %dma_wait3A_1030 = arith.constant 0 : i32
        %dma_wait3A_1031 = arith.constant 0 : i32
        %dma_wait3A_1032 = arith.constant 0 : i32
        %dma_wait3A_1033 = arith.constant 0 : i32
        %dma_wait3A_1034 = tpu.memref_slice %arg4[%dma_wait3A_1005, %dma_wait3A_1030, %dma_wait3A_1031, %dma_wait3A_1032, %dma_wait3A_1033] : memref<26x4x128x8x128xf32, #tpu.memory_space<hbm>> -> memref<1x4x128x8x128xf32, #tpu.memory_space<hbm>>
        %dma_wait3A_1035 = tpu.memref_squeeze %dma_wait3A_1034 : memref<1x4x128x8x128xf32, #tpu.memory_space<hbm>> -> memref<4x128x8x128xf32, #tpu.memory_space<hbm>>
        %dma_wait3A_1036 = arith.constant 0 : i32
        %dma_wait3A_1037 = arith.constant 0 : i32
        %dma_wait3A_1038 = arith.constant 0 : i32
        %dma_wait3A_1039 = tpu.memref_slice %dma_wait3A_1035[%dma_wait3A_1006, %dma_wait3A_1036, %dma_wait3A_1037, %dma_wait3A_1038] : memref<4x128x8x128xf32, #tpu.memory_space<hbm>> -> memref<1x128x8x128xf32, #tpu.memory_space<hbm>>
        %dma_wait3A_1040 = tpu.memref_squeeze %dma_wait3A_1039 : memref<1x128x8x128xf32, #tpu.memory_space<hbm>> -> memref<128x8x128xf32, #tpu.memory_space<hbm>>
        %dma_wait3A_1041 = arith.constant 0 : i32
        %dma_wait3A_1042 = arith.constant 0 : i32
        %dma_wait3A_1043 = tpu.memref_slice %dma_wait3A_1040[%dma_wait3A_1007, %dma_wait3A_1041, %dma_wait3A_1042] : memref<128x8x128xf32, #tpu.memory_space<hbm>> -> memref<1x8x128xf32, #tpu.memory_space<hbm>>
        %dma_wait3A_1044 = tpu.memref_squeeze %dma_wait3A_1043 : memref<1x8x128xf32, #tpu.memory_space<hbm>> -> memref<8x128xf32, #tpu.memory_space<hbm>>
        %dma_wait3A_1045 = arith.constant 0 : i32
        %dma_wait3A_1046 = arith.constant 0 : i32
        %dma_wait3A_1047 = tpu.memref_slice %arg8[%dma_wait3A_1004, %dma_wait3A_1045, %dma_wait3A_1046] : memref<2x32x128xf32, #tpu.memory_space<vmem>> -> memref<1x32x128xf32, #tpu.memory_space<vmem>>
        %dma_wait3A_1048 = tpu.memref_squeeze %dma_wait3A_1047 : memref<1x32x128xf32, #tpu.memory_space<vmem>> -> memref<32x128xf32, #tpu.memory_space<vmem>>
        %dma_wait3A_1049 = arith.constant 0 : i32
        %dma_wait3A_1050 = arith.constant 0 : i32
        %dma_wait3A_1051 = tpu.memref_slice %dma_wait3A_1048[%dma_wait3A_1049, %dma_wait3A_1050] : memref<32x128xf32, #tpu.memory_space<vmem>> -> memref<8x128xf32, #tpu.memory_space<vmem>>
        tpu.wait_dma2 semaphore(%arg12 : memref<!tpu.dma_semaphore, #tpu.memory_space<semaphore_mem>>) src(%dma_wait3A_1051 : memref<8x128xf32, #tpu.memory_space<vmem>>) dst(%dma_wait3A_1044 : memref<8x128xf32, #tpu.memory_space<hbm>>)
        %dma_wait3A_1052 = arith.constant 1 : i32
        %dma_wait3A_1053 = arith.constant 0 : i32
        %dma_wait3A_1054 = arith.constant 0 : i32
        %dma_wait3A_1055 = arith.constant 0 : i32
        %dma_wait3A_1056 = arith.constant 0 : i32
        %dma_wait3A_1057 = arith.constant 0 : i32
        %dma_wait3A_1058 = tpu.memref_slice %arg8[%dma_wait3A_1052, %dma_wait3A_1056, %dma_wait3A_1057] : memref<2x32x128xf32, #tpu.memory_space<vmem>> -> memref<1x32x128xf32, #tpu.memory_space<vmem>>
        %dma_wait3A_1059 = tpu.memref_squeeze %dma_wait3A_1058 : memref<1x32x128xf32, #tpu.memory_space<vmem>> -> memref<32x128xf32, #tpu.memory_space<vmem>>
        %dma_wait3A_1060 = arith.constant 0 : i32
        %dma_wait3A_1061 = arith.constant 0 : i32
        %dma_wait3A_1062 = tpu.memref_slice %dma_wait3A_1059[%dma_wait3A_1060, %dma_wait3A_1061] : memref<32x128xf32, #tpu.memory_space<vmem>> -> memref<8x128xf32, #tpu.memory_space<vmem>>
        %dma_wait3A_1063 = arith.constant 0 : i32
        %dma_wait3A_1064 = arith.constant 0 : i32
        %dma_wait3A_1065 = arith.constant 0 : i32
        %dma_wait3A_1066 = arith.constant 0 : i32
        %dma_wait3A_1067 = tpu.memref_slice %arg4[%dma_wait3A_1053, %dma_wait3A_1063, %dma_wait3A_1064, %dma_wait3A_1065, %dma_wait3A_1066] : memref<26x4x128x8x128xf32, #tpu.memory_space<hbm>> -> memref<1x4x128x8x128xf32, #tpu.memory_space<hbm>>
        %dma_wait3A_1068 = tpu.memref_squeeze %dma_wait3A_1067 : memref<1x4x128x8x128xf32, #tpu.memory_space<hbm>> -> memref<4x128x8x128xf32, #tpu.memory_space<hbm>>
        %dma_wait3A_1069 = arith.constant 0 : i32
        %dma_wait3A_1070 = arith.constant 0 : i32
        %dma_wait3A_1071 = arith.constant 0 : i32
        %dma_wait3A_1072 = tpu.memref_slice %dma_wait3A_1068[%dma_wait3A_1054, %dma_wait3A_1069, %dma_wait3A_1070, %dma_wait3A_1071] : memref<4x128x8x128xf32, #tpu.memory_space<hbm>> -> memref<1x128x8x128xf32, #tpu.memory_space<hbm>>
        %dma_wait3A_1073 = tpu.memref_squeeze %dma_wait3A_1072 : memref<1x128x8x128xf32, #tpu.memory_space<hbm>> -> memref<128x8x128xf32, #tpu.memory_space<hbm>>
        %dma_wait3A_1074 = arith.constant 0 : i32
        %dma_wait3A_1075 = arith.constant 0 : i32
        %dma_wait3A_1076 = tpu.memref_slice %dma_wait3A_1073[%dma_wait3A_1055, %dma_wait3A_1074, %dma_wait3A_1075] : memref<128x8x128xf32, #tpu.memory_space<hbm>> -> memref<1x8x128xf32, #tpu.memory_space<hbm>>
        %dma_wait3A_1077 = tpu.memref_squeeze %dma_wait3A_1076 : memref<1x8x128xf32, #tpu.memory_space<hbm>> -> memref<8x128xf32, #tpu.memory_space<hbm>>
        %dma_wait3A_1078 = arith.constant 0 : i32
        %dma_wait3A_1079 = arith.constant 0 : i32
        %dma_wait3A_1080 = arith.constant 0 : i32
        %dma_wait3A_1081 = arith.constant 0 : i32
        %dma_wait3A_1082 = tpu.memref_slice %arg4[%dma_wait3A_1053, %dma_wait3A_1078, %dma_wait3A_1079, %dma_wait3A_1080, %dma_wait3A_1081] : memref<26x4x128x8x128xf32, #tpu.memory_space<hbm>> -> memref<1x4x128x8x128xf32, #tpu.memory_space<hbm>>
        %dma_wait3A_1083 = tpu.memref_squeeze %dma_wait3A_1082 : memref<1x4x128x8x128xf32, #tpu.memory_space<hbm>> -> memref<4x128x8x128xf32, #tpu.memory_space<hbm>>
        %dma_wait3A_1084 = arith.constant 0 : i32
        %dma_wait3A_1085 = arith.constant 0 : i32
        %dma_wait3A_1086 = arith.constant 0 : i32
        %dma_wait3A_1087 = tpu.memref_slice %dma_wait3A_1083[%dma_wait3A_1054, %dma_wait3A_1084, %dma_wait3A_1085, %dma_wait3A_1086] : memref<4x128x8x128xf32, #tpu.memory_space<hbm>> -> memref<1x128x8x128xf32, #tpu.memory_space<hbm>>
        %dma_wait3A_1088 = tpu.memref_squeeze %dma_wait3A_1087 : memref<1x128x8x128xf32, #tpu.memory_space<hbm>> -> memref<128x8x128xf32, #tpu.memory_space<hbm>>
        %dma_wait3A_1089 = arith.constant 0 : i32
        %dma_wait3A_1090 = arith.constant 0 : i32
        %dma_wait3A_1091 = tpu.memref_slice %dma_wait3A_1088[%dma_wait3A_1055, %dma_wait3A_1089, %dma_wait3A_1090] : memref<128x8x128xf32, #tpu.memory_space<hbm>> -> memref<1x8x128xf32, #tpu.memory_space<hbm>>
        %dma_wait3A_1092 = tpu.memref_squeeze %dma_wait3A_1091 : memref<1x8x128xf32, #tpu.memory_space<hbm>> -> memref<8x128xf32, #tpu.memory_space<hbm>>
        %dma_wait3A_1093 = arith.constant 0 : i32
        %dma_wait3A_1094 = arith.constant 0 : i32
        %dma_wait3A_1095 = tpu.memref_slice %arg8[%dma_wait3A_1052, %dma_wait3A_1093, %dma_wait3A_1094] : memref<2x32x128xf32, #tpu.memory_space<vmem>> -> memref<1x32x128xf32, #tpu.memory_space<vmem>>
        %dma_wait3A_1096 = tpu.memref_squeeze %dma_wait3A_1095 : memref<1x32x128xf32, #tpu.memory_space<vmem>> -> memref<32x128xf32, #tpu.memory_space<vmem>>
        %dma_wait3A_1097 = arith.constant 0 : i32
        %dma_wait3A_1098 = arith.constant 0 : i32
        %dma_wait3A_1099 = tpu.memref_slice %dma_wait3A_1096[%dma_wait3A_1097, %dma_wait3A_1098] : memref<32x128xf32, #tpu.memory_space<vmem>> -> memref<8x128xf32, #tpu.memory_space<vmem>>
        tpu.wait_dma2 semaphore(%arg12 : memref<!tpu.dma_semaphore, #tpu.memory_space<semaphore_mem>>) src(%dma_wait3A_1099 : memref<8x128xf32, #tpu.memory_space<vmem>>) dst(%dma_wait3A_1092 : memref<8x128xf32, #tpu.memory_space<hbm>>)
        %dma_wait3A_1100 = arith.constant 1 : i32
        %dma_wait3A_1101 = arith.constant 0 : i32
        %dma_wait3A_1102 = arith.constant 0 : i32
        %dma_wait3A_1103 = arith.constant 0 : i32
        %dma_wait3A_1104 = arith.constant 0 : i32
        %dma_wait3A_1105 = arith.constant 0 : i32
        %dma_wait3A_1106 = tpu.memref_slice %arg8[%dma_wait3A_1100, %dma_wait3A_1104, %dma_wait3A_1105] : memref<2x32x128xf32, #tpu.memory_space<vmem>> -> memref<1x32x128xf32, #tpu.memory_space<vmem>>
        %dma_wait3A_1107 = tpu.memref_squeeze %dma_wait3A_1106 : memref<1x32x128xf32, #tpu.memory_space<vmem>> -> memref<32x128xf32, #tpu.memory_space<vmem>>
        %dma_wait3A_1108 = arith.constant 0 : i32
        %dma_wait3A_1109 = arith.constant 0 : i32
        %dma_wait3A_1110 = tpu.memref_slice %dma_wait3A_1107[%dma_wait3A_1108, %dma_wait3A_1109] : memref<32x128xf32, #tpu.memory_space<vmem>> -> memref<8x128xf32, #tpu.memory_space<vmem>>
        %dma_wait3A_1111 = arith.constant 0 : i32
        %dma_wait3A_1112 = arith.constant 0 : i32
        %dma_wait3A_1113 = arith.constant 0 : i32
        %dma_wait3A_1114 = arith.constant 0 : i32
        %dma_wait3A_1115 = tpu.memref_slice %arg4[%dma_wait3A_1101, %dma_wait3A_1111, %dma_wait3A_1112, %dma_wait3A_1113, %dma_wait3A_1114] : memref<26x4x128x8x128xf32, #tpu.memory_space<hbm>> -> memref<1x4x128x8x128xf32, #tpu.memory_space<hbm>>
        %dma_wait3A_1116 = tpu.memref_squeeze %dma_wait3A_1115 : memref<1x4x128x8x128xf32, #tpu.memory_space<hbm>> -> memref<4x128x8x128xf32, #tpu.memory_space<hbm>>
        %dma_wait3A_1117 = arith.constant 0 : i32
        %dma_wait3A_1118 = arith.constant 0 : i32
        %dma_wait3A_1119 = arith.constant 0 : i32
        %dma_wait3A_1120 = tpu.memref_slice %dma_wait3A_1116[%dma_wait3A_1102, %dma_wait3A_1117, %dma_wait3A_1118, %dma_wait3A_1119] : memref<4x128x8x128xf32, #tpu.memory_space<hbm>> -> memref<1x128x8x128xf32, #tpu.memory_space<hbm>>
        %dma_wait3A_1121 = tpu.memref_squeeze %dma_wait3A_1120 : memref<1x128x8x128xf32, #tpu.memory_space<hbm>> -> memref<128x8x128xf32, #tpu.memory_space<hbm>>
        %dma_wait3A_1122 = arith.constant 0 : i32
        %dma_wait3A_1123 = arith.constant 0 : i32
        %dma_wait3A_1124 = tpu.memref_slice %dma_wait3A_1121[%dma_wait3A_1103, %dma_wait3A_1122, %dma_wait3A_1123] : memref<128x8x128xf32, #tpu.memory_space<hbm>> -> memref<1x8x128xf32, #tpu.memory_space<hbm>>
        %dma_wait3A_1125 = tpu.memref_squeeze %dma_wait3A_1124 : memref<1x8x128xf32, #tpu.memory_space<hbm>> -> memref<8x128xf32, #tpu.memory_space<hbm>>
        %dma_wait3A_1126 = arith.constant 0 : i32
        %dma_wait3A_1127 = arith.constant 0 : i32
        %dma_wait3A_1128 = arith.constant 0 : i32
        %dma_wait3A_1129 = arith.constant 0 : i32
        %dma_wait3A_1130 = tpu.memref_slice %arg4[%dma_wait3A_1101, %dma_wait3A_1126, %dma_wait3A_1127, %dma_wait3A_1128, %dma_wait3A_1129] : memref<26x4x128x8x128xf32, #tpu.memory_space<hbm>> -> memref<1x4x128x8x128xf32, #tpu.memory_space<hbm>>
        %dma_wait3A_1131 = tpu.memref_squeeze %dma_wait3A_1130 : memref<1x4x128x8x128xf32, #tpu.memory_space<hbm>> -> memref<4x128x8x128xf32, #tpu.memory_space<hbm>>
        %dma_wait3A_1132 = arith.constant 0 : i32
        %dma_wait3A_1133 = arith.constant 0 : i32
        %dma_wait3A_1134 = arith.constant 0 : i32
        %dma_wait3A_1135 = tpu.memref_slice %dma_wait3A_1131[%dma_wait3A_1102, %dma_wait3A_1132, %dma_wait3A_1133, %dma_wait3A_1134] : memref<4x128x8x128xf32, #tpu.memory_space<hbm>> -> memref<1x128x8x128xf32, #tpu.memory_space<hbm>>
        %dma_wait3A_1136 = tpu.memref_squeeze %dma_wait3A_1135 : memref<1x128x8x128xf32, #tpu.memory_space<hbm>> -> memref<128x8x128xf32, #tpu.memory_space<hbm>>
        %dma_wait3A_1137 = arith.constant 0 : i32
        %dma_wait3A_1138 = arith.constant 0 : i32
        %dma_wait3A_1139 = tpu.memref_slice %dma_wait3A_1136[%dma_wait3A_1103, %dma_wait3A_1137, %dma_wait3A_1138] : memref<128x8x128xf32, #tpu.memory_space<hbm>> -> memref<1x8x128xf32, #tpu.memory_space<hbm>>
        %dma_wait3A_1140 = tpu.memref_squeeze %dma_wait3A_1139 : memref<1x8x128xf32, #tpu.memory_space<hbm>> -> memref<8x128xf32, #tpu.memory_space<hbm>>
        %dma_wait3A_1141 = arith.constant 0 : i32
        %dma_wait3A_1142 = arith.constant 0 : i32
        %dma_wait3A_1143 = tpu.memref_slice %arg8[%dma_wait3A_1100, %dma_wait3A_1141, %dma_wait3A_1142] : memref<2x32x128xf32, #tpu.memory_space<vmem>> -> memref<1x32x128xf32, #tpu.memory_space<vmem>>
        %dma_wait3A_1144 = tpu.memref_squeeze %dma_wait3A_1143 : memref<1x32x128xf32, #tpu.memory_space<vmem>> -> memref<32x128xf32, #tpu.memory_space<vmem>>
        %dma_wait3A_1145 = arith.constant 0 : i32
        %dma_wait3A_1146 = arith.constant 0 : i32
        %dma_wait3A_1147 = tpu.memref_slice %dma_wait3A_1144[%dma_wait3A_1145, %dma_wait3A_1146] : memref<32x128xf32, #tpu.memory_space<vmem>> -> memref<8x128xf32, #tpu.memory_space<vmem>>
        tpu.wait_dma2 semaphore(%arg12 : memref<!tpu.dma_semaphore, #tpu.memory_space<semaphore_mem>>) src(%dma_wait3A_1147 : memref<8x128xf32, #tpu.memory_space<vmem>>) dst(%dma_wait3A_1140 : memref<8x128xf32, #tpu.memory_space<hbm>>)
      } else {
      }
      %dma_wait3A_747 = arith.constant 1 : i32
      %dma_wait3A_748 = arith.constant 0 : i32
      %dma_wait3A_749 = arith.constant 0 : i32
      %dma_wait3A_750 = tpu.memref_slice %arg7[%dma_wait3A_747, %dma_wait3A_748, %dma_wait3A_749] : memref<2x128x32xf32, #tpu.memory_space<vmem>> -> memref<1x128x32xf32, #tpu.memory_space<vmem>>
      %dma_wait3A_751 = tpu.memref_squeeze %dma_wait3A_750 : memref<1x128x32xf32, #tpu.memory_space<vmem>> -> memref<128x32xf32, #tpu.memory_space<vmem>>
      %dma_wait3A_752 = arith.constant 0 : i32
      %dma_wait3A_753 = arith.constant 0 : i32
      %dma_wait3A_754 = tpu.memref_slice %arg3[%dma_wait3A_752, %dma_wait3A_753] : memref<1000000x32xf32, #tpu.memory_space<hbm>> -> memref<128x32xf32, #tpu.memory_space<hbm>>
      %dma_wait3A_755 = arith.constant 0 : i32
      %dma_wait3A_756 = arith.constant 0 : i32
      %dma_wait3A_757 = tpu.memref_slice %arg7[%dma_wait3A_747, %dma_wait3A_755, %dma_wait3A_756] : memref<2x128x32xf32, #tpu.memory_space<vmem>> -> memref<1x128x32xf32, #tpu.memory_space<vmem>>
      %dma_wait3A_758 = tpu.memref_squeeze %dma_wait3A_757 : memref<1x128x32xf32, #tpu.memory_space<vmem>> -> memref<128x32xf32, #tpu.memory_space<vmem>>
      %dma_wait3A_759 = arith.constant 0 : i32
      %dma_wait3A_760 = arith.constant 0 : i32
      %dma_wait3A_761 = tpu.memref_slice %arg3[%dma_wait3A_759, %dma_wait3A_760] : memref<1000000x32xf32, #tpu.memory_space<hbm>> -> memref<128x32xf32, #tpu.memory_space<hbm>>
      tpu.wait_dma2 semaphore(%arg10 : memref<!tpu.dma_semaphore, #tpu.memory_space<semaphore_mem>>) src(%dma_wait3A_761 : memref<128x32xf32, #tpu.memory_space<hbm>>) dst(%dma_wait3A_758 : memref<128x32xf32, #tpu.memory_space<vmem>>)
      %parallel_loop3A_762 = arith.constant 0 : i32
      %parallel_loop3A_763 = arith.constant 32 : i32
      %parallel_loop3A_764 = arith.constant 1 : i32
      scf.for %parallel_loop3A_956 = %parallel_loop3A_762 to %parallel_loop3A_763 step %parallel_loop3A_764  : i32 {
        %parallel_loop3A_957 = vector.broadcast %parallel_loop3A_956 : i32 to vector<16xi32>
        %parallel_loop3A_958 = arith.addi %mul3A_8, %parallel_loop3A_957 : vector<16xi32>
        %parallel_loop3A_959 = arith.constant 1 : i32
        %parallel_loop3A_960 = arith.constant 0 : i32
        %parallel_loop3A_961 = arith.constant 0 : i32
        %parallel_loop3A_962 = tpu.memref_slice %arg7[%parallel_loop3A_959, %parallel_loop3A_960, %parallel_loop3A_961] : memref<2x128x32xf32, #tpu.memory_space<vmem>> -> memref<1x128x32xf32, #tpu.memory_space<vmem>>
        %parallel_loop3A_963 = tpu.memref_squeeze %parallel_loop3A_962 : memref<1x128x32xf32, #tpu.memory_space<vmem>> -> memref<128x32xf32, #tpu.memory_space<vmem>>
        %parallel_loop3A_964 = tpu.vector_load_idx %parallel_loop3A_963[%add3A_11, %parallel_loop3A_958] : memref<128x32xf32, #tpu.memory_space<vmem>>[vector<16xi32>, vector<16xi32>], vector<16xf32>,
        %parallel_loop3A_965 = arith.constant 1 : i32
        %parallel_loop3A_966 = arith.constant 0 : i32
        %parallel_loop3A_967 = arith.constant 0 : i32
        %parallel_loop3A_968 = tpu.memref_slice %arg8[%parallel_loop3A_965, %parallel_loop3A_966, %parallel_loop3A_967] : memref<2x32x128xf32, #tpu.memory_space<vmem>> -> memref<1x32x128xf32, #tpu.memory_space<vmem>>
        %parallel_loop3A_969 = tpu.memref_squeeze %parallel_loop3A_968 : memref<1x32x128xf32, #tpu.memory_space<vmem>> -> memref<32x128xf32, #tpu.memory_space<vmem>>
        %parallel_loop3A_970 = arith.constant 0 : i32
        %parallel_loop3A_971 = tpu.memref_slice %parallel_loop3A_969[%parallel_loop3A_956, %parallel_loop3A_970] : memref<32x128xf32, #tpu.memory_space<vmem>> -> memref<1x128xf32, #tpu.memory_space<vmem>>
        %parallel_loop3A_972 = tpu.memref_squeeze %parallel_loop3A_971 : memref<1x128xf32, #tpu.memory_space<vmem>> -> memref<128xf32, #tpu.memory_space<vmem>>
        %parallel_loop3A_973 = arith.constant 0 : index
        %parallel_loop3A_974 = tpu.vector_load %parallel_loop3A_972[%parallel_loop3A_973] {strides = array<i32>} : memref<128xf32, #tpu.memory_space<vmem>>, vector<16xf32>,
        tpu.vector_store %parallel_loop3A_972[%parallel_loop3A_973], %parallel_loop3A_964 {strides = array<i32>} : memref<128xf32, #tpu.memory_space<vmem>>, vector<16xf32>,
        %parallel_loop3A_975 = arith.constant 1 : i32
        %parallel_loop3A_976 = arith.constant 0 : i32
        %parallel_loop3A_977 = arith.constant 0 : i32
        %parallel_loop3A_978 = tpu.memref_slice %arg7[%parallel_loop3A_975, %parallel_loop3A_976, %parallel_loop3A_977] : memref<2x128x32xf32, #tpu.memory_space<vmem>> -> memref<1x128x32xf32, #tpu.memory_space<vmem>>
        %parallel_loop3A_979 = tpu.memref_squeeze %parallel_loop3A_978 : memref<1x128x32xf32, #tpu.memory_space<vmem>> -> memref<128x32xf32, #tpu.memory_space<vmem>>
        %parallel_loop3A_980 = tpu.vector_load_idx %parallel_loop3A_979[%add3A_14, %parallel_loop3A_958] : memref<128x32xf32, #tpu.memory_space<vmem>>[vector<16xi32>, vector<16xi32>], vector<16xf32>,
        %parallel_loop3A_981 = arith.constant 1 : i32
        %parallel_loop3A_982 = arith.constant 0 : i32
        %parallel_loop3A_983 = arith.constant 0 : i32
        %parallel_loop3A_984 = tpu.memref_slice %arg8[%parallel_loop3A_981, %parallel_loop3A_982, %parallel_loop3A_983] : memref<2x32x128xf32, #tpu.memory_space<vmem>> -> memref<1x32x128xf32, #tpu.memory_space<vmem>>
        %parallel_loop3A_985 = tpu.memref_squeeze %parallel_loop3A_984 : memref<1x32x128xf32, #tpu.memory_space<vmem>> -> memref<32x128xf32, #tpu.memory_space<vmem>>
        %parallel_loop3A_986 = arith.constant 0 : i32
        %parallel_loop3A_987 = tpu.memref_slice %parallel_loop3A_985[%parallel_loop3A_956, %parallel_loop3A_986] : memref<32x128xf32, #tpu.memory_space<vmem>> -> memref<1x128xf32, #tpu.memory_space<vmem>>
        %parallel_loop3A_988 = tpu.memref_squeeze %parallel_loop3A_987 : memref<1x128xf32, #tpu.memory_space<vmem>> -> memref<128xf32, #tpu.memory_space<vmem>>
        %parallel_loop3A_989 = arith.constant 16 : index
        %parallel_loop3A_990 = tpu.vector_load %parallel_loop3A_988[%parallel_loop3A_989] {strides = array<i32>} : memref<128xf32, #tpu.memory_space<vmem>>, vector<16xf32>,
        tpu.vector_store %parallel_loop3A_988[%parallel_loop3A_989], %parallel_loop3A_980 {strides = array<i32>} : memref<128xf32, #tpu.memory_space<vmem>>, vector<16xf32>,
        %parallel_loop3A_991 = arith.constant 1 : i32
        %parallel_loop3A_992 = arith.constant 0 : i32
        %parallel_loop3A_993 = arith.constant 0 : i32
        %parallel_loop3A_994 = tpu.memref_slice %arg7[%parallel_loop3A_991, %parallel_loop3A_992, %parallel_loop3A_993] : memref<2x128x32xf32, #tpu.memory_space<vmem>> -> memref<1x128x32xf32, #tpu.memory_space<vmem>>
        %parallel_loop3A_995 = tpu.memref_squeeze %parallel_loop3A_994 : memref<1x128x32xf32, #tpu.memory_space<vmem>> -> memref<128x32xf32, #tpu.memory_space<vmem>>
        %parallel_loop3A_996 = tpu.vector_load_idx %parallel_loop3A_995[%add3A_17, %parallel_loop3A_958] : memref<128x32xf32, #tpu.memory_space<vmem>>[vector<16xi32>, vector<16xi32>], vector<16xf32>,
        %parallel_loop3A_997 = arith.constant 1 : i32
        %parallel_loop3A_998 = arith.constant 0 : i32
        %parallel_loop3A_999 = arith.constant 0 : i32
        %parallel_loop3A_1000 = tpu.memref_slice %arg8[%parallel_loop3A_997, %parallel_loop3A_998, %parallel_loop3A_999] : memref<2x32x128xf32, #tpu.memory_space<vmem>> -> memref<1x32x128xf32, #tpu.memory_space<vmem>>
        %parallel_loop3A_1001 = tpu.memref_squeeze %parallel_loop3A_1000 : memref<1x32x128xf32, #tpu.memory_space<vmem>> -> memref<32x128xf32, #tpu.memory_space<vmem>>
        %parallel_loop3A_1002 = arith.constant 0 : i32
        %parallel_loop3A_1003 = tpu.memref_slice %parallel_loop3A_1001[%parallel_loop3A_956, %parallel_loop3A_1002] : memref<32x128xf32, #tpu.memory_space<vmem>> -> memref<1x128xf32, #tpu.memory_space<vmem>>
        %parallel_loop3A_1004 = tpu.memref_squeeze %parallel_loop3A_1003 : memref<1x128xf32, #tpu.memory_space<vmem>> -> memref<128xf32, #tpu.memory_space<vmem>>
        %parallel_loop3A_1005 = arith.constant 32 : index
        %parallel_loop3A_1006 = tpu.vector_load %parallel_loop3A_1004[%parallel_loop3A_1005] {strides = array<i32>} : memref<128xf32, #tpu.memory_space<vmem>>, vector<16xf32>,
        tpu.vector_store %parallel_loop3A_1004[%parallel_loop3A_1005], %parallel_loop3A_996 {strides = array<i32>} : memref<128xf32, #tpu.memory_space<vmem>>, vector<16xf32>,
        %parallel_loop3A_1007 = arith.constant 1 : i32
        %parallel_loop3A_1008 = arith.constant 0 : i32
        %parallel_loop3A_1009 = arith.constant 0 : i32
        %parallel_loop3A_1010 = tpu.memref_slice %arg7[%parallel_loop3A_1007, %parallel_loop3A_1008, %parallel_loop3A_1009] : memref<2x128x32xf32, #tpu.memory_space<vmem>> -> memref<1x128x32xf32, #tpu.memory_space<vmem>>
        %parallel_loop3A_1011 = tpu.memref_squeeze %parallel_loop3A_1010 : memref<1x128x32xf32, #tpu.memory_space<vmem>> -> memref<128x32xf32, #tpu.memory_space<vmem>>
        %parallel_loop3A_1012 = tpu.vector_load_idx %parallel_loop3A_1011[%add3A_20, %parallel_loop3A_958] : memref<128x32xf32, #tpu.memory_space<vmem>>[vector<16xi32>, vector<16xi32>], vector<16xf32>,
        %parallel_loop3A_1013 = arith.constant 1 : i32
        %parallel_loop3A_1014 = arith.constant 0 : i32
        %parallel_loop3A_1015 = arith.constant 0 : i32
        %parallel_loop3A_1016 = tpu.memref_slice %arg8[%parallel_loop3A_1013, %parallel_loop3A_1014, %parallel_loop3A_1015] : memref<2x32x128xf32, #tpu.memory_space<vmem>> -> memref<1x32x128xf32, #tpu.memory_space<vmem>>
        %parallel_loop3A_1017 = tpu.memref_squeeze %parallel_loop3A_1016 : memref<1x32x128xf32, #tpu.memory_space<vmem>> -> memref<32x128xf32, #tpu.memory_space<vmem>>
        %parallel_loop3A_1018 = arith.constant 0 : i32
        %parallel_loop3A_1019 = tpu.memref_slice %parallel_loop3A_1017[%parallel_loop3A_956, %parallel_loop3A_1018] : memref<32x128xf32, #tpu.memory_space<vmem>> -> memref<1x128xf32, #tpu.memory_space<vmem>>
        %parallel_loop3A_1020 = tpu.memref_squeeze %parallel_loop3A_1019 : memref<1x128xf32, #tpu.memory_space<vmem>> -> memref<128xf32, #tpu.memory_space<vmem>>
        %parallel_loop3A_1021 = arith.constant 48 : index
        %parallel_loop3A_1022 = tpu.vector_load %parallel_loop3A_1020[%parallel_loop3A_1021] {strides = array<i32>} : memref<128xf32, #tpu.memory_space<vmem>>, vector<16xf32>,
        tpu.vector_store %parallel_loop3A_1020[%parallel_loop3A_1021], %parallel_loop3A_1012 {strides = array<i32>} : memref<128xf32, #tpu.memory_space<vmem>>, vector<16xf32>,
        %parallel_loop3A_1023 = arith.constant 1 : i32
        %parallel_loop3A_1024 = arith.constant 0 : i32
        %parallel_loop3A_1025 = arith.constant 0 : i32
        %parallel_loop3A_1026 = tpu.memref_slice %arg7[%parallel_loop3A_1023, %parallel_loop3A_1024, %parallel_loop3A_1025] : memref<2x128x32xf32, #tpu.memory_space<vmem>> -> memref<1x128x32xf32, #tpu.memory_space<vmem>>
        %parallel_loop3A_1027 = tpu.memref_squeeze %parallel_loop3A_1026 : memref<1x128x32xf32, #tpu.memory_space<vmem>> -> memref<128x32xf32, #tpu.memory_space<vmem>>
        %parallel_loop3A_1028 = tpu.vector_load_idx %parallel_loop3A_1027[%add3A_23, %parallel_loop3A_958] : memref<128x32xf32, #tpu.memory_space<vmem>>[vector<16xi32>, vector<16xi32>], vector<16xf32>,
        %parallel_loop3A_1029 = arith.constant 1 : i32
        %parallel_loop3A_1030 = arith.constant 0 : i32
        %parallel_loop3A_1031 = arith.constant 0 : i32
        %parallel_loop3A_1032 = tpu.memref_slice %arg8[%parallel_loop3A_1029, %parallel_loop3A_1030, %parallel_loop3A_1031] : memref<2x32x128xf32, #tpu.memory_space<vmem>> -> memref<1x32x128xf32, #tpu.memory_space<vmem>>
        %parallel_loop3A_1033 = tpu.memref_squeeze %parallel_loop3A_1032 : memref<1x32x128xf32, #tpu.memory_space<vmem>> -> memref<32x128xf32, #tpu.memory_space<vmem>>
        %parallel_loop3A_1034 = arith.constant 0 : i32
        %parallel_loop3A_1035 = tpu.memref_slice %parallel_loop3A_1033[%parallel_loop3A_956, %parallel_loop3A_1034] : memref<32x128xf32, #tpu.memory_space<vmem>> -> memref<1x128xf32, #tpu.memory_space<vmem>>
        %parallel_loop3A_1036 = tpu.memref_squeeze %parallel_loop3A_1035 : memref<1x128xf32, #tpu.memory_space<vmem>> -> memref<128xf32, #tpu.memory_space<vmem>>
        %parallel_loop3A_1037 = arith.constant 64 : index
        %parallel_loop3A_1038 = tpu.vector_load %parallel_loop3A_1036[%parallel_loop3A_1037] {strides = array<i32>} : memref<128xf32, #tpu.memory_space<vmem>>, vector<16xf32>,
        tpu.vector_store %parallel_loop3A_1036[%parallel_loop3A_1037], %parallel_loop3A_1028 {strides = array<i32>} : memref<128xf32, #tpu.memory_space<vmem>>, vector<16xf32>,
        %parallel_loop3A_1039 = arith.constant 1 : i32
        %parallel_loop3A_1040 = arith.constant 0 : i32
        %parallel_loop3A_1041 = arith.constant 0 : i32
        %parallel_loop3A_1042 = tpu.memref_slice %arg7[%parallel_loop3A_1039, %parallel_loop3A_1040, %parallel_loop3A_1041] : memref<2x128x32xf32, #tpu.memory_space<vmem>> -> memref<1x128x32xf32, #tpu.memory_space<vmem>>
        %parallel_loop3A_1043 = tpu.memref_squeeze %parallel_loop3A_1042 : memref<1x128x32xf32, #tpu.memory_space<vmem>> -> memref<128x32xf32, #tpu.memory_space<vmem>>
        %parallel_loop3A_1044 = tpu.vector_load_idx %parallel_loop3A_1043[%add3A_26, %parallel_loop3A_958] : memref<128x32xf32, #tpu.memory_space<vmem>>[vector<16xi32>, vector<16xi32>], vector<16xf32>,
        %parallel_loop3A_1045 = arith.constant 1 : i32
        %parallel_loop3A_1046 = arith.constant 0 : i32
        %parallel_loop3A_1047 = arith.constant 0 : i32
        %parallel_loop3A_1048 = tpu.memref_slice %arg8[%parallel_loop3A_1045, %parallel_loop3A_1046, %parallel_loop3A_1047] : memref<2x32x128xf32, #tpu.memory_space<vmem>> -> memref<1x32x128xf32, #tpu.memory_space<vmem>>
        %parallel_loop3A_1049 = tpu.memref_squeeze %parallel_loop3A_1048 : memref<1x32x128xf32, #tpu.memory_space<vmem>> -> memref<32x128xf32, #tpu.memory_space<vmem>>
        %parallel_loop3A_1050 = arith.constant 0 : i32
        %parallel_loop3A_1051 = tpu.memref_slice %parallel_loop3A_1049[%parallel_loop3A_956, %parallel_loop3A_1050] : memref<32x128xf32, #tpu.memory_space<vmem>> -> memref<1x128xf32, #tpu.memory_space<vmem>>
        %parallel_loop3A_1052 = tpu.memref_squeeze %parallel_loop3A_1051 : memref<1x128xf32, #tpu.memory_space<vmem>> -> memref<128xf32, #tpu.memory_space<vmem>>
        %parallel_loop3A_1053 = arith.constant 80 : index
        %parallel_loop3A_1054 = tpu.vector_load %parallel_loop3A_1052[%parallel_loop3A_1053] {strides = array<i32>} : memref<128xf32, #tpu.memory_space<vmem>>, vector<16xf32>,
        tpu.vector_store %parallel_loop3A_1052[%parallel_loop3A_1053], %parallel_loop3A_1044 {strides = array<i32>} : memref<128xf32, #tpu.memory_space<vmem>>, vector<16xf32>,
        %parallel_loop3A_1055 = arith.constant 1 : i32
        %parallel_loop3A_1056 = arith.constant 0 : i32
        %parallel_loop3A_1057 = arith.constant 0 : i32
        %parallel_loop3A_1058 = tpu.memref_slice %arg7[%parallel_loop3A_1055, %parallel_loop3A_1056, %parallel_loop3A_1057] : memref<2x128x32xf32, #tpu.memory_space<vmem>> -> memref<1x128x32xf32, #tpu.memory_space<vmem>>
        %parallel_loop3A_1059 = tpu.memref_squeeze %parallel_loop3A_1058 : memref<1x128x32xf32, #tpu.memory_space<vmem>> -> memref<128x32xf32, #tpu.memory_space<vmem>>
        %parallel_loop3A_1060 = tpu.vector_load_idx %parallel_loop3A_1059[%add3A_29, %parallel_loop3A_958] : memref<128x32xf32, #tpu.memory_space<vmem>>[vector<16xi32>, vector<16xi32>], vector<16xf32>,
        %parallel_loop3A_1061 = arith.constant 1 : i32
        %parallel_loop3A_1062 = arith.constant 0 : i32
        %parallel_loop3A_1063 = arith.constant 0 : i32
        %parallel_loop3A_1064 = tpu.memref_slice %arg8[%parallel_loop3A_1061, %parallel_loop3A_1062, %parallel_loop3A_1063] : memref<2x32x128xf32, #tpu.memory_space<vmem>> -> memref<1x32x128xf32, #tpu.memory_space<vmem>>
        %parallel_loop3A_1065 = tpu.memref_squeeze %parallel_loop3A_1064 : memref<1x32x128xf32, #tpu.memory_space<vmem>> -> memref<32x128xf32, #tpu.memory_space<vmem>>
        %parallel_loop3A_1066 = arith.constant 0 : i32
        %parallel_loop3A_1067 = tpu.memref_slice %parallel_loop3A_1065[%parallel_loop3A_956, %parallel_loop3A_1066] : memref<32x128xf32, #tpu.memory_space<vmem>> -> memref<1x128xf32, #tpu.memory_space<vmem>>
        %parallel_loop3A_1068 = tpu.memref_squeeze %parallel_loop3A_1067 : memref<1x128xf32, #tpu.memory_space<vmem>> -> memref<128xf32, #tpu.memory_space<vmem>>
        %parallel_loop3A_1069 = arith.constant 96 : index
        %parallel_loop3A_1070 = tpu.vector_load %parallel_loop3A_1068[%parallel_loop3A_1069] {strides = array<i32>} : memref<128xf32, #tpu.memory_space<vmem>>, vector<16xf32>,
        tpu.vector_store %parallel_loop3A_1068[%parallel_loop3A_1069], %parallel_loop3A_1060 {strides = array<i32>} : memref<128xf32, #tpu.memory_space<vmem>>, vector<16xf32>,
        %parallel_loop3A_1071 = arith.constant 1 : i32
        %parallel_loop3A_1072 = arith.constant 0 : i32
        %parallel_loop3A_1073 = arith.constant 0 : i32
        %parallel_loop3A_1074 = tpu.memref_slice %arg7[%parallel_loop3A_1071, %parallel_loop3A_1072, %parallel_loop3A_1073] : memref<2x128x32xf32, #tpu.memory_space<vmem>> -> memref<1x128x32xf32, #tpu.memory_space<vmem>>
        %parallel_loop3A_1075 = tpu.memref_squeeze %parallel_loop3A_1074 : memref<1x128x32xf32, #tpu.memory_space<vmem>> -> memref<128x32xf32, #tpu.memory_space<vmem>>
        %parallel_loop3A_1076 = tpu.vector_load_idx %parallel_loop3A_1075[%add3A_32, %parallel_loop3A_958] : memref<128x32xf32, #tpu.memory_space<vmem>>[vector<16xi32>, vector<16xi32>], vector<16xf32>,
        %parallel_loop3A_1077 = arith.constant 1 : i32
        %parallel_loop3A_1078 = arith.constant 0 : i32
        %parallel_loop3A_1079 = arith.constant 0 : i32
        %parallel_loop3A_1080 = tpu.memref_slice %arg8[%parallel_loop3A_1077, %parallel_loop3A_1078, %parallel_loop3A_1079] : memref<2x32x128xf32, #tpu.memory_space<vmem>> -> memref<1x32x128xf32, #tpu.memory_space<vmem>>
        %parallel_loop3A_1081 = tpu.memref_squeeze %parallel_loop3A_1080 : memref<1x32x128xf32, #tpu.memory_space<vmem>> -> memref<32x128xf32, #tpu.memory_space<vmem>>
        %parallel_loop3A_1082 = arith.constant 0 : i32
        %parallel_loop3A_1083 = tpu.memref_slice %parallel_loop3A_1081[%parallel_loop3A_956, %parallel_loop3A_1082] : memref<32x128xf32, #tpu.memory_space<vmem>> -> memref<1x128xf32, #tpu.memory_space<vmem>>
        %parallel_loop3A_1084 = tpu.memref_squeeze %parallel_loop3A_1083 : memref<1x128xf32, #tpu.memory_space<vmem>> -> memref<128xf32, #tpu.memory_space<vmem>>
        %parallel_loop3A_1085 = arith.constant 112 : index
        %parallel_loop3A_1086 = tpu.vector_load %parallel_loop3A_1084[%parallel_loop3A_1085] {strides = array<i32>} : memref<128xf32, #tpu.memory_space<vmem>>, vector<16xf32>,
        tpu.vector_store %parallel_loop3A_1084[%parallel_loop3A_1085], %parallel_loop3A_1076 {strides = array<i32>} : memref<128xf32, #tpu.memory_space<vmem>>, vector<16xf32>,
      } {sc.loop_unroll_factor = 4 : i64, sc.parallel_access}
      %dma_start3A_765 = arith.constant 1 : i32
      %dma_start3A_766 = arith.constant 0 : i32
      %dma_start3A_767 = arith.constant 0 : i32
      %dma_start3A_768 = arith.constant 0 : i32
      %dma_start3A_769 = tpu.memref_slice %arg8[%dma_start3A_765, %dma_start3A_767, %dma_start3A_768] : memref<2x32x128xf32, #tpu.memory_space<vmem>> -> memref<1x32x128xf32, #tpu.memory_space<vmem>>
      %dma_start3A_770 = tpu.memref_squeeze %dma_start3A_769 : memref<1x32x128xf32, #tpu.memory_space<vmem>> -> memref<32x128xf32, #tpu.memory_space<vmem>>
      %dma_start3A_771 = arith.constant 0 : i32
      %dma_start3A_772 = arith.constant 0 : i32
      %dma_start3A_773 = tpu.memref_slice %dma_start3A_770[%dma_start3A_771, %dma_start3A_772] : memref<32x128xf32, #tpu.memory_space<vmem>> -> memref<8x128xf32, #tpu.memory_space<vmem>>
      %dma_start3A_774 = arith.constant 0 : i32
      %dma_start3A_775 = arith.constant 0 : i32
      %dma_start3A_776 = arith.constant 0 : i32
      %dma_start3A_777 = arith.constant 0 : i32
      %dma_start3A_778 = tpu.memref_slice %arg4[%select_n3A_738, %dma_start3A_774, %dma_start3A_775, %dma_start3A_776, %dma_start3A_777] : memref<26x4x128x8x128xf32, #tpu.memory_space<hbm>> -> memref<1x4x128x8x128xf32, #tpu.memory_space<hbm>>
      %dma_start3A_779 = tpu.memref_squeeze %dma_start3A_778 : memref<1x4x128x8x128xf32, #tpu.memory_space<hbm>> -> memref<4x128x8x128xf32, #tpu.memory_space<hbm>>
      %dma_start3A_780 = arith.constant 0 : i32
      %dma_start3A_781 = arith.constant 0 : i32
      %dma_start3A_782 = arith.constant 0 : i32
      %dma_start3A_783 = tpu.memref_slice %dma_start3A_779[%dma_start3A_766, %dma_start3A_780, %dma_start3A_781, %dma_start3A_782] : memref<4x128x8x128xf32, #tpu.memory_space<hbm>> -> memref<1x128x8x128xf32, #tpu.memory_space<hbm>>
      %dma_start3A_784 = tpu.memref_squeeze %dma_start3A_783 : memref<1x128x8x128xf32, #tpu.memory_space<hbm>> -> memref<128x8x128xf32, #tpu.memory_space<hbm>>
      %dma_start3A_785 = arith.constant 0 : i32
      %dma_start3A_786 = arith.constant 0 : i32
      %dma_start3A_787 = tpu.memref_slice %dma_start3A_784[%add3A_741, %dma_start3A_785, %dma_start3A_786] : memref<128x8x128xf32, #tpu.memory_space<hbm>> -> memref<1x8x128xf32, #tpu.memory_space<hbm>>
      %dma_start3A_788 = tpu.memref_squeeze %dma_start3A_787 : memref<1x8x128xf32, #tpu.memory_space<hbm>> -> memref<8x128xf32, #tpu.memory_space<hbm>>
      %dma_start3A_789 = arith.constant 0 : i32
      %dma_start3A_790 = arith.constant 0 : i32
      %dma_start3A_791 = arith.constant 0 : i32
      %dma_start3A_792 = arith.constant 0 : i32
      %dma_start3A_793 = tpu.memref_slice %arg4[%select_n3A_738, %dma_start3A_789, %dma_start3A_790, %dma_start3A_791, %dma_start3A_792] : memref<26x4x128x8x128xf32, #tpu.memory_space<hbm>> -> memref<1x4x128x8x128xf32, #tpu.memory_space<hbm>>
      %dma_start3A_794 = tpu.memref_squeeze %dma_start3A_793 : memref<1x4x128x8x128xf32, #tpu.memory_space<hbm>> -> memref<4x128x8x128xf32, #tpu.memory_space<hbm>>
      %dma_start3A_795 = arith.constant 0 : i32
      %dma_start3A_796 = arith.constant 0 : i32
      %dma_start3A_797 = arith.constant 0 : i32
      %dma_start3A_798 = tpu.memref_slice %dma_start3A_794[%dma_start3A_766, %dma_start3A_795, %dma_start3A_796, %dma_start3A_797] : memref<4x128x8x128xf32, #tpu.memory_space<hbm>> -> memref<1x128x8x128xf32, #tpu.memory_space<hbm>>
      %dma_start3A_799 = tpu.memref_squeeze %dma_start3A_798 : memref<1x128x8x128xf32, #tpu.memory_space<hbm>> -> memref<128x8x128xf32, #tpu.memory_space<hbm>>
      %dma_start3A_800 = arith.constant 0 : i32
      %dma_start3A_801 = arith.constant 0 : i32
      %dma_start3A_802 = tpu.memref_slice %dma_start3A_799[%add3A_741, %dma_start3A_800, %dma_start3A_801] : memref<128x8x128xf32, #tpu.memory_space<hbm>> -> memref<1x8x128xf32, #tpu.memory_space<hbm>>
      %dma_start3A_803 = tpu.memref_squeeze %dma_start3A_802 : memref<1x8x128xf32, #tpu.memory_space<hbm>> -> memref<8x128xf32, #tpu.memory_space<hbm>>
      %dma_start3A_804 = arith.constant 0 : i32
      %dma_start3A_805 = arith.constant 0 : i32
      %dma_start3A_806 = tpu.memref_slice %arg8[%dma_start3A_765, %dma_start3A_804, %dma_start3A_805] : memref<2x32x128xf32, #tpu.memory_space<vmem>> -> memref<1x32x128xf32, #tpu.memory_space<vmem>>
      %dma_start3A_807 = tpu.memref_squeeze %dma_start3A_806 : memref<1x32x128xf32, #tpu.memory_space<vmem>> -> memref<32x128xf32, #tpu.memory_space<vmem>>
      %dma_start3A_808 = arith.constant 0 : i32
      %dma_start3A_809 = arith.constant 0 : i32
      %dma_start3A_810 = tpu.memref_slice %dma_start3A_807[%dma_start3A_808, %dma_start3A_809] : memref<32x128xf32, #tpu.memory_space<vmem>> -> memref<8x128xf32, #tpu.memory_space<vmem>>
      tpu.enqueue_dma source(%dma_start3A_810 : memref<8x128xf32, #tpu.memory_space<vmem>>) target(%dma_start3A_803 : memref<8x128xf32, #tpu.memory_space<hbm>>) target_semaphore(%arg12 : memref<!tpu.dma_semaphore, #tpu.memory_space<semaphore_mem>>)
      %dma_start3A_811 = arith.constant 1 : i32
      %dma_start3A_812 = arith.constant 1 : i32
      %dma_start3A_813 = arith.constant 0 : i32
      %dma_start3A_814 = arith.constant 0 : i32
      %dma_start3A_815 = tpu.memref_slice %arg8[%dma_start3A_811, %dma_start3A_813, %dma_start3A_814] : memref<2x32x128xf32, #tpu.memory_space<vmem>> -> memref<1x32x128xf32, #tpu.memory_space<vmem>>
      %dma_start3A_816 = tpu.memref_squeeze %dma_start3A_815 : memref<1x32x128xf32, #tpu.memory_space<vmem>> -> memref<32x128xf32, #tpu.memory_space<vmem>>
      %dma_start3A_817 = arith.constant 8 : i32
      %dma_start3A_818 = arith.constant 0 : i32
      %dma_start3A_819 = tpu.memref_slice %dma_start3A_816[%dma_start3A_817, %dma_start3A_818] : memref<32x128xf32, #tpu.memory_space<vmem>> -> memref<8x128xf32, #tpu.memory_space<vmem>>
      %dma_start3A_820 = arith.constant 0 : i32
      %dma_start3A_821 = arith.constant 0 : i32
      %dma_start3A_822 = arith.constant 0 : i32
      %dma_start3A_823 = arith.constant 0 : i32
      %dma_start3A_824 = tpu.memref_slice %arg4[%select_n3A_738, %dma_start3A_820, %dma_start3A_821, %dma_start3A_822, %dma_start3A_823] : memref<26x4x128x8x128xf32, #tpu.memory_space<hbm>> -> memref<1x4x128x8x128xf32, #tpu.memory_space<hbm>>
      %dma_start3A_825 = tpu.memref_squeeze %dma_start3A_824 : memref<1x4x128x8x128xf32, #tpu.memory_space<hbm>> -> memref<4x128x8x128xf32, #tpu.memory_space<hbm>>
      %dma_start3A_826 = arith.constant 0 : i32
      %dma_start3A_827 = arith.constant 0 : i32
      %dma_start3A_828 = arith.constant 0 : i32
      %dma_start3A_829 = tpu.memref_slice %dma_start3A_825[%dma_start3A_812, %dma_start3A_826, %dma_start3A_827, %dma_start3A_828] : memref<4x128x8x128xf32, #tpu.memory_space<hbm>> -> memref<1x128x8x128xf32, #tpu.memory_space<hbm>>
      %dma_start3A_830 = tpu.memref_squeeze %dma_start3A_829 : memref<1x128x8x128xf32, #tpu.memory_space<hbm>> -> memref<128x8x128xf32, #tpu.memory_space<hbm>>
      %dma_start3A_831 = arith.constant 0 : i32
      %dma_start3A_832 = arith.constant 0 : i32
      %dma_start3A_833 = tpu.memref_slice %dma_start3A_830[%add3A_741, %dma_start3A_831, %dma_start3A_832] : memref<128x8x128xf32, #tpu.memory_space<hbm>> -> memref<1x8x128xf32, #tpu.memory_space<hbm>>
      %dma_start3A_834 = tpu.memref_squeeze %dma_start3A_833 : memref<1x8x128xf32, #tpu.memory_space<hbm>> -> memref<8x128xf32, #tpu.memory_space<hbm>>
      %dma_start3A_835 = arith.constant 0 : i32
      %dma_start3A_836 = arith.constant 0 : i32
      %dma_start3A_837 = arith.constant 0 : i32
      %dma_start3A_838 = arith.constant 0 : i32
      %dma_start3A_839 = tpu.memref_slice %arg4[%select_n3A_738, %dma_start3A_835, %dma_start3A_836, %dma_start3A_837, %dma_start3A_838] : memref<26x4x128x8x128xf32, #tpu.memory_space<hbm>> -> memref<1x4x128x8x128xf32, #tpu.memory_space<hbm>>
      %dma_start3A_840 = tpu.memref_squeeze %dma_start3A_839 : memref<1x4x128x8x128xf32, #tpu.memory_space<hbm>> -> memref<4x128x8x128xf32, #tpu.memory_space<hbm>>
      %dma_start3A_841 = arith.constant 0 : i32
      %dma_start3A_842 = arith.constant 0 : i32
      %dma_start3A_843 = arith.constant 0 : i32
      %dma_start3A_844 = tpu.memref_slice %dma_start3A_840[%dma_start3A_812, %dma_start3A_841, %dma_start3A_842, %dma_start3A_843] : memref<4x128x8x128xf32, #tpu.memory_space<hbm>> -> memref<1x128x8x128xf32, #tpu.memory_space<hbm>>
      %dma_start3A_845 = tpu.memref_squeeze %dma_start3A_844 : memref<1x128x8x128xf32, #tpu.memory_space<hbm>> -> memref<128x8x128xf32, #tpu.memory_space<hbm>>
      %dma_start3A_846 = arith.constant 0 : i32
      %dma_start3A_847 = arith.constant 0 : i32
      %dma_start3A_848 = tpu.memref_slice %dma_start3A_845[%add3A_741, %dma_start3A_846, %dma_start3A_847] : memref<128x8x128xf32, #tpu.memory_space<hbm>> -> memref<1x8x128xf32, #tpu.memory_space<hbm>>
      %dma_start3A_849 = tpu.memref_squeeze %dma_start3A_848 : memref<1x8x128xf32, #tpu.memory_space<hbm>> -> memref<8x128xf32, #tpu.memory_space<hbm>>
      %dma_start3A_850 = arith.constant 0 : i32
      %dma_start3A_851 = arith.constant 0 : i32
      %dma_start3A_852 = tpu.memref_slice %arg8[%dma_start3A_811, %dma_start3A_850, %dma_start3A_851] : memref<2x32x128xf32, #tpu.memory_space<vmem>> -> memref<1x32x128xf32, #tpu.memory_space<vmem>>
      %dma_start3A_853 = tpu.memref_squeeze %dma_start3A_852 : memref<1x32x128xf32, #tpu.memory_space<vmem>> -> memref<32x128xf32, #tpu.memory_space<vmem>>
      %dma_start3A_854 = arith.constant 8 : i32
      %dma_start3A_855 = arith.constant 0 : i32
      %dma_start3A_856 = tpu.memref_slice %dma_start3A_853[%dma_start3A_854, %dma_start3A_855] : memref<32x128xf32, #tpu.memory_space<vmem>> -> memref<8x128xf32, #tpu.memory_space<vmem>>
      tpu.enqueue_dma source(%dma_start3A_856 : memref<8x128xf32, #tpu.memory_space<vmem>>) target(%dma_start3A_849 : memref<8x128xf32, #tpu.memory_space<hbm>>) target_semaphore(%arg12 : memref<!tpu.dma_semaphore, #tpu.memory_space<semaphore_mem>>)
      %dma_start3A_857 = arith.constant 1 : i32
      %dma_start3A_858 = arith.constant 2 : i32
      %dma_start3A_859 = arith.constant 0 : i32
      %dma_start3A_860 = arith.constant 0 : i32
      %dma_start3A_861 = tpu.memref_slice %arg8[%dma_start3A_857, %dma_start3A_859, %dma_start3A_860] : memref<2x32x128xf32, #tpu.memory_space<vmem>> -> memref<1x32x128xf32, #tpu.memory_space<vmem>>
      %dma_start3A_862 = tpu.memref_squeeze %dma_start3A_861 : memref<1x32x128xf32, #tpu.memory_space<vmem>> -> memref<32x128xf32, #tpu.memory_space<vmem>>
      %dma_start3A_863 = arith.constant 16 : i32
      %dma_start3A_864 = arith.constant 0 : i32
      %dma_start3A_865 = tpu.memref_slice %dma_start3A_862[%dma_start3A_863, %dma_start3A_864] : memref<32x128xf32, #tpu.memory_space<vmem>> -> memref<8x128xf32, #tpu.memory_space<vmem>>
      %dma_start3A_866 = arith.constant 0 : i32
      %dma_start3A_867 = arith.constant 0 : i32
      %dma_start3A_868 = arith.constant 0 : i32
      %dma_start3A_869 = arith.constant 0 : i32
      %dma_start3A_870 = tpu.memref_slice %arg4[%select_n3A_738, %dma_start3A_866, %dma_start3A_867, %dma_start3A_868, %dma_start3A_869] : memref<26x4x128x8x128xf32, #tpu.memory_space<hbm>> -> memref<1x4x128x8x128xf32, #tpu.memory_space<hbm>>
      %dma_start3A_871 = tpu.memref_squeeze %dma_start3A_870 : memref<1x4x128x8x128xf32, #tpu.memory_space<hbm>> -> memref<4x128x8x128xf32, #tpu.memory_space<hbm>>
      %dma_start3A_872 = arith.constant 0 : i32
      %dma_start3A_873 = arith.constant 0 : i32
      %dma_start3A_874 = arith.constant 0 : i32
      %dma_start3A_875 = tpu.memref_slice %dma_start3A_871[%dma_start3A_858, %dma_start3A_872, %dma_start3A_873, %dma_start3A_874] : memref<4x128x8x128xf32, #tpu.memory_space<hbm>> -> memref<1x128x8x128xf32, #tpu.memory_space<hbm>>
      %dma_start3A_876 = tpu.memref_squeeze %dma_start3A_875 : memref<1x128x8x128xf32, #tpu.memory_space<hbm>> -> memref<128x8x128xf32, #tpu.memory_space<hbm>>
      %dma_start3A_877 = arith.constant 0 : i32
      %dma_start3A_878 = arith.constant 0 : i32
      %dma_start3A_879 = tpu.memref_slice %dma_start3A_876[%add3A_741, %dma_start3A_877, %dma_start3A_878] : memref<128x8x128xf32, #tpu.memory_space<hbm>> -> memref<1x8x128xf32, #tpu.memory_space<hbm>>
      %dma_start3A_880 = tpu.memref_squeeze %dma_start3A_879 : memref<1x8x128xf32, #tpu.memory_space<hbm>> -> memref<8x128xf32, #tpu.memory_space<hbm>>
      %dma_start3A_881 = arith.constant 0 : i32
      %dma_start3A_882 = arith.constant 0 : i32
      %dma_start3A_883 = arith.constant 0 : i32
      %dma_start3A_884 = arith.constant 0 : i32
      %dma_start3A_885 = tpu.memref_slice %arg4[%select_n3A_738, %dma_start3A_881, %dma_start3A_882, %dma_start3A_883, %dma_start3A_884] : memref<26x4x128x8x128xf32, #tpu.memory_space<hbm>> -> memref<1x4x128x8x128xf32, #tpu.memory_space<hbm>>
      %dma_start3A_886 = tpu.memref_squeeze %dma_start3A_885 : memref<1x4x128x8x128xf32, #tpu.memory_space<hbm>> -> memref<4x128x8x128xf32, #tpu.memory_space<hbm>>
      %dma_start3A_887 = arith.constant 0 : i32
      %dma_start3A_888 = arith.constant 0 : i32
      %dma_start3A_889 = arith.constant 0 : i32
      %dma_start3A_890 = tpu.memref_slice %dma_start3A_886[%dma_start3A_858, %dma_start3A_887, %dma_start3A_888, %dma_start3A_889] : memref<4x128x8x128xf32, #tpu.memory_space<hbm>> -> memref<1x128x8x128xf32, #tpu.memory_space<hbm>>
      %dma_start3A_891 = tpu.memref_squeeze %dma_start3A_890 : memref<1x128x8x128xf32, #tpu.memory_space<hbm>> -> memref<128x8x128xf32, #tpu.memory_space<hbm>>
      %dma_start3A_892 = arith.constant 0 : i32
      %dma_start3A_893 = arith.constant 0 : i32
      %dma_start3A_894 = tpu.memref_slice %dma_start3A_891[%add3A_741, %dma_start3A_892, %dma_start3A_893] : memref<128x8x128xf32, #tpu.memory_space<hbm>> -> memref<1x8x128xf32, #tpu.memory_space<hbm>>
      %dma_start3A_895 = tpu.memref_squeeze %dma_start3A_894 : memref<1x8x128xf32, #tpu.memory_space<hbm>> -> memref<8x128xf32, #tpu.memory_space<hbm>>
      %dma_start3A_896 = arith.constant 0 : i32
      %dma_start3A_897 = arith.constant 0 : i32
      %dma_start3A_898 = tpu.memref_slice %arg8[%dma_start3A_857, %dma_start3A_896, %dma_start3A_897] : memref<2x32x128xf32, #tpu.memory_space<vmem>> -> memref<1x32x128xf32, #tpu.memory_space<vmem>>
      %dma_start3A_899 = tpu.memref_squeeze %dma_start3A_898 : memref<1x32x128xf32, #tpu.memory_space<vmem>> -> memref<32x128xf32, #tpu.memory_space<vmem>>
      %dma_start3A_900 = arith.constant 16 : i32
      %dma_start3A_901 = arith.constant 0 : i32
      %dma_start3A_902 = tpu.memref_slice %dma_start3A_899[%dma_start3A_900, %dma_start3A_901] : memref<32x128xf32, #tpu.memory_space<vmem>> -> memref<8x128xf32, #tpu.memory_space<vmem>>
      tpu.enqueue_dma source(%dma_start3A_902 : memref<8x128xf32, #tpu.memory_space<vmem>>) target(%dma_start3A_895 : memref<8x128xf32, #tpu.memory_space<hbm>>) target_semaphore(%arg12 : memref<!tpu.dma_semaphore, #tpu.memory_space<semaphore_mem>>)
      %dma_start3A_903 = arith.constant 1 : i32
      %dma_start3A_904 = arith.constant 3 : i32
      %dma_start3A_905 = arith.constant 0 : i32
      %dma_start3A_906 = arith.constant 0 : i32
      %dma_start3A_907 = tpu.memref_slice %arg8[%dma_start3A_903, %dma_start3A_905, %dma_start3A_906] : memref<2x32x128xf32, #tpu.memory_space<vmem>> -> memref<1x32x128xf32, #tpu.memory_space<vmem>>
      %dma_start3A_908 = tpu.memref_squeeze %dma_start3A_907 : memref<1x32x128xf32, #tpu.memory_space<vmem>> -> memref<32x128xf32, #tpu.memory_space<vmem>>
      %dma_start3A_909 = arith.constant 24 : i32
      %dma_start3A_910 = arith.constant 0 : i32
      %dma_start3A_911 = tpu.memref_slice %dma_start3A_908[%dma_start3A_909, %dma_start3A_910] : memref<32x128xf32, #tpu.memory_space<vmem>> -> memref<8x128xf32, #tpu.memory_space<vmem>>
      %dma_start3A_912 = arith.constant 0 : i32
      %dma_start3A_913 = arith.constant 0 : i32
      %dma_start3A_914 = arith.constant 0 : i32
      %dma_start3A_915 = arith.constant 0 : i32
      %dma_start3A_916 = tpu.memref_slice %arg4[%select_n3A_738, %dma_start3A_912, %dma_start3A_913, %dma_start3A_914, %dma_start3A_915] : memref<26x4x128x8x128xf32, #tpu.memory_space<hbm>> -> memref<1x4x128x8x128xf32, #tpu.memory_space<hbm>>
      %dma_start3A_917 = tpu.memref_squeeze %dma_start3A_916 : memref<1x4x128x8x128xf32, #tpu.memory_space<hbm>> -> memref<4x128x8x128xf32, #tpu.memory_space<hbm>>
      %dma_start3A_918 = arith.constant 0 : i32
      %dma_start3A_919 = arith.constant 0 : i32
      %dma_start3A_920 = arith.constant 0 : i32
      %dma_start3A_921 = tpu.memref_slice %dma_start3A_917[%dma_start3A_904, %dma_start3A_918, %dma_start3A_919, %dma_start3A_920] : memref<4x128x8x128xf32, #tpu.memory_space<hbm>> -> memref<1x128x8x128xf32, #tpu.memory_space<hbm>>
      %dma_start3A_922 = tpu.memref_squeeze %dma_start3A_921 : memref<1x128x8x128xf32, #tpu.memory_space<hbm>> -> memref<128x8x128xf32, #tpu.memory_space<hbm>>
      %dma_start3A_923 = arith.constant 0 : i32
      %dma_start3A_924 = arith.constant 0 : i32
      %dma_start3A_925 = tpu.memref_slice %dma_start3A_922[%add3A_741, %dma_start3A_923, %dma_start3A_924] : memref<128x8x128xf32, #tpu.memory_space<hbm>> -> memref<1x8x128xf32, #tpu.memory_space<hbm>>
      %dma_start3A_926 = tpu.memref_squeeze %dma_start3A_925 : memref<1x8x128xf32, #tpu.memory_space<hbm>> -> memref<8x128xf32, #tpu.memory_space<hbm>>
      %dma_start3A_927 = arith.constant 0 : i32
      %dma_start3A_928 = arith.constant 0 : i32
      %dma_start3A_929 = arith.constant 0 : i32
      %dma_start3A_930 = arith.constant 0 : i32
      %dma_start3A_931 = tpu.memref_slice %arg4[%select_n3A_738, %dma_start3A_927, %dma_start3A_928, %dma_start3A_929, %dma_start3A_930] : memref<26x4x128x8x128xf32, #tpu.memory_space<hbm>> -> memref<1x4x128x8x128xf32, #tpu.memory_space<hbm>>
      %dma_start3A_932 = tpu.memref_squeeze %dma_start3A_931 : memref<1x4x128x8x128xf32, #tpu.memory_space<hbm>> -> memref<4x128x8x128xf32, #tpu.memory_space<hbm>>
      %dma_start3A_933 = arith.constant 0 : i32
      %dma_start3A_934 = arith.constant 0 : i32
      %dma_start3A_935 = arith.constant 0 : i32
      %dma_start3A_936 = tpu.memref_slice %dma_start3A_932[%dma_start3A_904, %dma_start3A_933, %dma_start3A_934, %dma_start3A_935] : memref<4x128x8x128xf32, #tpu.memory_space<hbm>> -> memref<1x128x8x128xf32, #tpu.memory_space<hbm>>
      %dma_start3A_937 = tpu.memref_squeeze %dma_start3A_936 : memref<1x128x8x128xf32, #tpu.memory_space<hbm>> -> memref<128x8x128xf32, #tpu.memory_space<hbm>>
      %dma_start3A_938 = arith.constant 0 : i32
      %dma_start3A_939 = arith.constant 0 : i32
      %dma_start3A_940 = tpu.memref_slice %dma_start3A_937[%add3A_741, %dma_start3A_938, %dma_start3A_939] : memref<128x8x128xf32, #tpu.memory_space<hbm>> -> memref<1x8x128xf32, #tpu.memory_space<hbm>>
      %dma_start3A_941 = tpu.memref_squeeze %dma_start3A_940 : memref<1x8x128xf32, #tpu.memory_space<hbm>> -> memref<8x128xf32, #tpu.memory_space<hbm>>
      %dma_start3A_942 = arith.constant 0 : i32
      %dma_start3A_943 = arith.constant 0 : i32
      %dma_start3A_944 = tpu.memref_slice %arg8[%dma_start3A_903, %dma_start3A_942, %dma_start3A_943] : memref<2x32x128xf32, #tpu.memory_space<vmem>> -> memref<1x32x128xf32, #tpu.memory_space<vmem>>
      %dma_start3A_945 = tpu.memref_squeeze %dma_start3A_944 : memref<1x32x128xf32, #tpu.memory_space<vmem>> -> memref<32x128xf32, #tpu.memory_space<vmem>>
      %dma_start3A_946 = arith.constant 24 : i32
      %dma_start3A_947 = arith.constant 0 : i32
      %dma_start3A_948 = tpu.memref_slice %dma_start3A_945[%dma_start3A_946, %dma_start3A_947] : memref<32x128xf32, #tpu.memory_space<vmem>> -> memref<8x128xf32, #tpu.memory_space<vmem>>
      tpu.enqueue_dma source(%dma_start3A_948 : memref<8x128xf32, #tpu.memory_space<vmem>>) target(%dma_start3A_941 : memref<8x128xf32, #tpu.memory_space<hbm>>) target_semaphore(%arg12 : memref<!tpu.dma_semaphore, #tpu.memory_space<semaphore_mem>>)
      %add3A_949 = arith.constant 2 : i32
      %add3A_950 = arith.addi %add3A_698, %add3A_949 : i32
      %lt3A_951 = arith.constant 104 : i32
      %lt3A_952 = arith.cmpi slt, %add3A_950, %lt3A_951 : i32
      %convert_element_type3A_953 = arith.extui %lt3A_952 : i1 to i32
      %cond3A_954 = arith.constant 0 : i32
      %cond3A_955 = arith.cmpi ne, %convert_element_type3A_953, %cond3A_954 : i32
      scf.if %cond3A_955 {
        %add3A_956 = arith.constant 2 : i32
        %add3A_957 = arith.addi %add3A_698, %add3A_956 : i32
        %dma_start3A_958 = arith.constant 1 : i32
        %dma_start3A_959 = arith.constant 0 : i32
        %dma_start3A_960 = arith.constant 0 : i32
        %dma_start3A_961 = tpu.memref_slice %arg7[%dma_start3A_958, %dma_start3A_959, %dma_start3A_960] : memref<2x128x32xf32, #tpu.memory_space<vmem>> -> memref<1x128x32xf32, #tpu.memory_space<vmem>>
        %dma_start3A_962 = tpu.memref_squeeze %dma_start3A_961 : memref<1x128x32xf32, #tpu.memory_space<vmem>> -> memref<128x32xf32, #tpu.memory_space<vmem>>
        %dma_start3A_963 = arith.constant 0 : i32
        %dma_start3A_964 = tpu.memref_slice %arg6[%add3A_957, %dma_start3A_963] : memref<104x128xi32, #tpu.memory_space<vmem>> -> memref<1x128xi32, #tpu.memory_space<vmem>>
        %dma_start3A_965 = tpu.memref_squeeze %dma_start3A_964 : memref<1x128xi32, #tpu.memory_space<vmem>> -> memref<128xi32, #tpu.memory_space<vmem>>
        %dma_start3A_966 = arith.constant 0 : i32
        %dma_start3A_967 = arith.constant 0 : i32
        %dma_start3A_968 = tpu.memref_slice %arg3[%dma_start3A_966, %dma_start3A_967] : memref<1000000x32xf32, #tpu.memory_space<hbm>> -> memref<1000000x32xf32, #tpu.memory_space<hbm>>
        tpu.enqueue_indirect_dma source(%dma_start3A_968 : memref<1000000x32xf32, #tpu.memory_space<hbm>>) target(%dma_start3A_962 : memref<128x32xf32, #tpu.memory_space<vmem>>) offsets(%dma_start3A_965 : memref<128xi32, #tpu.memory_space<vmem>>) semaphore(%arg10 : memref<!tpu.dma_semaphore, #tpu.memory_space<semaphore_mem>>)
      } else {
      }
    }
    %scan3A_62 = arith.constant 52 : i32
    %dma_wait3A = arith.constant 0 : i32
    %dma_wait3A_63 = arith.constant 0 : i32
    %dma_wait3A_64 = arith.constant 0 : i32
    %dma_wait3A_65 = arith.constant 0 : i32
    %dma_wait3A_66 = arith.constant 0 : i32
    %dma_wait3A_67 = arith.constant 0 : i32
    %dma_wait3A_68 = tpu.memref_slice %arg8[%dma_wait3A, %dma_wait3A_66, %dma_wait3A_67] : memref<2x32x128xf32, #tpu.memory_space<vmem>> -> memref<1x32x128xf32, #tpu.memory_space<vmem>>
    %dma_wait3A_69 = tpu.memref_squeeze %dma_wait3A_68 : memref<1x32x128xf32, #tpu.memory_space<vmem>> -> memref<32x128xf32, #tpu.memory_space<vmem>>
    %dma_wait3A_70 = arith.constant 0 : i32
    %dma_wait3A_71 = arith.constant 0 : i32
    %dma_wait3A_72 = tpu.memref_slice %dma_wait3A_69[%dma_wait3A_70, %dma_wait3A_71] : memref<32x128xf32, #tpu.memory_space<vmem>> -> memref<8x128xf32, #tpu.memory_space<vmem>>
    %dma_wait3A_73 = arith.constant 0 : i32
    %dma_wait3A_74 = arith.constant 0 : i32
    %dma_wait3A_75 = arith.constant 0 : i32
    %dma_wait3A_76 = arith.constant 0 : i32
    %dma_wait3A_77 = tpu.memref_slice %arg4[%dma_wait3A_63, %dma_wait3A_73, %dma_wait3A_74, %dma_wait3A_75, %dma_wait3A_76] : memref<26x4x128x8x128xf32, #tpu.memory_space<hbm>> -> memref<1x4x128x8x128xf32, #tpu.memory_space<hbm>>
    %dma_wait3A_78 = tpu.memref_squeeze %dma_wait3A_77 : memref<1x4x128x8x128xf32, #tpu.memory_space<hbm>> -> memref<4x128x8x128xf32, #tpu.memory_space<hbm>>
    %dma_wait3A_79 = arith.constant 0 : i32
    %dma_wait3A_80 = arith.constant 0 : i32
    %dma_wait3A_81 = arith.constant 0 : i32
    %dma_wait3A_82 = tpu.memref_slice %dma_wait3A_78[%dma_wait3A_64, %dma_wait3A_79, %dma_wait3A_80, %dma_wait3A_81] : memref<4x128x8x128xf32, #tpu.memory_space<hbm>> -> memref<1x128x8x128xf32, #tpu.memory_space<hbm>>
    %dma_wait3A_83 = tpu.memref_squeeze %dma_wait3A_82 : memref<1x128x8x128xf32, #tpu.memory_space<hbm>> -> memref<128x8x128xf32, #tpu.memory_space<hbm>>
    %dma_wait3A_84 = arith.constant 0 : i32
    %dma_wait3A_85 = arith.constant 0 : i32
    %dma_wait3A_86 = tpu.memref_slice %dma_wait3A_83[%dma_wait3A_65, %dma_wait3A_84, %dma_wait3A_85] : memref<128x8x128xf32, #tpu.memory_space<hbm>> -> memref<1x8x128xf32, #tpu.memory_space<hbm>>
    %dma_wait3A_87 = tpu.memref_squeeze %dma_wait3A_86 : memref<1x8x128xf32, #tpu.memory_space<hbm>> -> memref<8x128xf32, #tpu.memory_space<hbm>>
    %dma_wait3A_88 = arith.constant 0 : i32
    %dma_wait3A_89 = arith.constant 0 : i32
    %dma_wait3A_90 = arith.constant 0 : i32
    %dma_wait3A_91 = arith.constant 0 : i32
    %dma_wait3A_92 = tpu.memref_slice %arg4[%dma_wait3A_63, %dma_wait3A_88, %dma_wait3A_89, %dma_wait3A_90, %dma_wait3A_91] : memref<26x4x128x8x128xf32, #tpu.memory_space<hbm>> -> memref<1x4x128x8x128xf32, #tpu.memory_space<hbm>>
    %dma_wait3A_93 = tpu.memref_squeeze %dma_wait3A_92 : memref<1x4x128x8x128xf32, #tpu.memory_space<hbm>> -> memref<4x128x8x128xf32, #tpu.memory_space<hbm>>
    %dma_wait3A_94 = arith.constant 0 : i32
    %dma_wait3A_95 = arith.constant 0 : i32
    %dma_wait3A_96 = arith.constant 0 : i32
    %dma_wait3A_97 = tpu.memref_slice %dma_wait3A_93[%dma_wait3A_64, %dma_wait3A_94, %dma_wait3A_95, %dma_wait3A_96] : memref<4x128x8x128xf32, #tpu.memory_space<hbm>> -> memref<1x128x8x128xf32, #tpu.memory_space<hbm>>
    %dma_wait3A_98 = tpu.memref_squeeze %dma_wait3A_97 : memref<1x128x8x128xf32, #tpu.memory_space<hbm>> -> memref<128x8x128xf32, #tpu.memory_space<hbm>>
    %dma_wait3A_99 = arith.constant 0 : i32
    %dma_wait3A_100 = arith.constant 0 : i32
    %dma_wait3A_101 = tpu.memref_slice %dma_wait3A_98[%dma_wait3A_65, %dma_wait3A_99, %dma_wait3A_100] : memref<128x8x128xf32, #tpu.memory_space<hbm>> -> memref<1x8x128xf32, #tpu.memory_space<hbm>>
    %dma_wait3A_102 = tpu.memref_squeeze %dma_wait3A_101 : memref<1x8x128xf32, #tpu.memory_space<hbm>> -> memref<8x128xf32, #tpu.memory_space<hbm>>
    %dma_wait3A_103 = arith.constant 0 : i32
    %dma_wait3A_104 = arith.constant 0 : i32
    %dma_wait3A_105 = tpu.memref_slice %arg8[%dma_wait3A, %dma_wait3A_103, %dma_wait3A_104] : memref<2x32x128xf32, #tpu.memory_space<vmem>> -> memref<1x32x128xf32, #tpu.memory_space<vmem>>
    %dma_wait3A_106 = tpu.memref_squeeze %dma_wait3A_105 : memref<1x32x128xf32, #tpu.memory_space<vmem>> -> memref<32x128xf32, #tpu.memory_space<vmem>>
    %dma_wait3A_107 = arith.constant 0 : i32
    %dma_wait3A_108 = arith.constant 0 : i32
    %dma_wait3A_109 = tpu.memref_slice %dma_wait3A_106[%dma_wait3A_107, %dma_wait3A_108] : memref<32x128xf32, #tpu.memory_space<vmem>> -> memref<8x128xf32, #tpu.memory_space<vmem>>
    tpu.wait_dma2 semaphore(%arg11 : memref<!tpu.dma_semaphore, #tpu.memory_space<semaphore_mem>>) src(%dma_wait3A_109 : memref<8x128xf32, #tpu.memory_space<vmem>>) dst(%dma_wait3A_102 : memref<8x128xf32, #tpu.memory_space<hbm>>)
    %dma_wait3A_110 = arith.constant 0 : i32
    %dma_wait3A_111 = arith.constant 0 : i32
    %dma_wait3A_112 = arith.constant 0 : i32
    %dma_wait3A_113 = arith.constant 0 : i32
    %dma_wait3A_114 = arith.constant 0 : i32
    %dma_wait3A_115 = arith.constant 0 : i32
    %dma_wait3A_116 = tpu.memref_slice %arg8[%dma_wait3A_110, %dma_wait3A_114, %dma_wait3A_115] : memref<2x32x128xf32, #tpu.memory_space<vmem>> -> memref<1x32x128xf32, #tpu.memory_space<vmem>>
    %dma_wait3A_117 = tpu.memref_squeeze %dma_wait3A_116 : memref<1x32x128xf32, #tpu.memory_space<vmem>> -> memref<32x128xf32, #tpu.memory_space<vmem>>
    %dma_wait3A_118 = arith.constant 0 : i32
    %dma_wait3A_119 = arith.constant 0 : i32
    %dma_wait3A_120 = tpu.memref_slice %dma_wait3A_117[%dma_wait3A_118, %dma_wait3A_119] : memref<32x128xf32, #tpu.memory_space<vmem>> -> memref<8x128xf32, #tpu.memory_space<vmem>>
    %dma_wait3A_121 = arith.constant 0 : i32
    %dma_wait3A_122 = arith.constant 0 : i32
    %dma_wait3A_123 = arith.constant 0 : i32
    %dma_wait3A_124 = arith.constant 0 : i32
    %dma_wait3A_125 = tpu.memref_slice %arg4[%dma_wait3A_111, %dma_wait3A_121, %dma_wait3A_122, %dma_wait3A_123, %dma_wait3A_124] : memref<26x4x128x8x128xf32, #tpu.memory_space<hbm>> -> memref<1x4x128x8x128xf32, #tpu.memory_space<hbm>>
    %dma_wait3A_126 = tpu.memref_squeeze %dma_wait3A_125 : memref<1x4x128x8x128xf32, #tpu.memory_space<hbm>> -> memref<4x128x8x128xf32, #tpu.memory_space<hbm>>
    %dma_wait3A_127 = arith.constant 0 : i32
    %dma_wait3A_128 = arith.constant 0 : i32
    %dma_wait3A_129 = arith.constant 0 : i32
    %dma_wait3A_130 = tpu.memref_slice %dma_wait3A_126[%dma_wait3A_112, %dma_wait3A_127, %dma_wait3A_128, %dma_wait3A_129] : memref<4x128x8x128xf32, #tpu.memory_space<hbm>> -> memref<1x128x8x128xf32, #tpu.memory_space<hbm>>
    %dma_wait3A_131 = tpu.memref_squeeze %dma_wait3A_130 : memref<1x128x8x128xf32, #tpu.memory_space<hbm>> -> memref<128x8x128xf32, #tpu.memory_space<hbm>>
    %dma_wait3A_132 = arith.constant 0 : i32
    %dma_wait3A_133 = arith.constant 0 : i32
    %dma_wait3A_134 = tpu.memref_slice %dma_wait3A_131[%dma_wait3A_113, %dma_wait3A_132, %dma_wait3A_133] : memref<128x8x128xf32, #tpu.memory_space<hbm>> -> memref<1x8x128xf32, #tpu.memory_space<hbm>>
    %dma_wait3A_135 = tpu.memref_squeeze %dma_wait3A_134 : memref<1x8x128xf32, #tpu.memory_space<hbm>> -> memref<8x128xf32, #tpu.memory_space<hbm>>
    %dma_wait3A_136 = arith.constant 0 : i32
    %dma_wait3A_137 = arith.constant 0 : i32
    %dma_wait3A_138 = arith.constant 0 : i32
    %dma_wait3A_139 = arith.constant 0 : i32
    %dma_wait3A_140 = tpu.memref_slice %arg4[%dma_wait3A_111, %dma_wait3A_136, %dma_wait3A_137, %dma_wait3A_138, %dma_wait3A_139] : memref<26x4x128x8x128xf32, #tpu.memory_space<hbm>> -> memref<1x4x128x8x128xf32, #tpu.memory_space<hbm>>
    %dma_wait3A_141 = tpu.memref_squeeze %dma_wait3A_140 : memref<1x4x128x8x128xf32, #tpu.memory_space<hbm>> -> memref<4x128x8x128xf32, #tpu.memory_space<hbm>>
    %dma_wait3A_142 = arith.constant 0 : i32
    %dma_wait3A_143 = arith.constant 0 : i32
    %dma_wait3A_144 = arith.constant 0 : i32
    %dma_wait3A_145 = tpu.memref_slice %dma_wait3A_141[%dma_wait3A_112, %dma_wait3A_142, %dma_wait3A_143, %dma_wait3A_144] : memref<4x128x8x128xf32, #tpu.memory_space<hbm>> -> memref<1x128x8x128xf32, #tpu.memory_space<hbm>>
    %dma_wait3A_146 = tpu.memref_squeeze %dma_wait3A_145 : memref<1x128x8x128xf32, #tpu.memory_space<hbm>> -> memref<128x8x128xf32, #tpu.memory_space<hbm>>
    %dma_wait3A_147 = arith.constant 0 : i32
    %dma_wait3A_148 = arith.constant 0 : i32
    %dma_wait3A_149 = tpu.memref_slice %dma_wait3A_146[%dma_wait3A_113, %dma_wait3A_147, %dma_wait3A_148] : memref<128x8x128xf32, #tpu.memory_space<hbm>> -> memref<1x8x128xf32, #tpu.memory_space<hbm>>
    %dma_wait3A_150 = tpu.memref_squeeze %dma_wait3A_149 : memref<1x8x128xf32, #tpu.memory_space<hbm>> -> memref<8x128xf32, #tpu.memory_space<hbm>>
    %dma_wait3A_151 = arith.constant 0 : i32
    %dma_wait3A_152 = arith.constant 0 : i32
    %dma_wait3A_153 = tpu.memref_slice %arg8[%dma_wait3A_110, %dma_wait3A_151, %dma_wait3A_152] : memref<2x32x128xf32, #tpu.memory_space<vmem>> -> memref<1x32x128xf32, #tpu.memory_space<vmem>>
    %dma_wait3A_154 = tpu.memref_squeeze %dma_wait3A_153 : memref<1x32x128xf32, #tpu.memory_space<vmem>> -> memref<32x128xf32, #tpu.memory_space<vmem>>
    %dma_wait3A_155 = arith.constant 0 : i32
    %dma_wait3A_156 = arith.constant 0 : i32
    %dma_wait3A_157 = tpu.memref_slice %dma_wait3A_154[%dma_wait3A_155, %dma_wait3A_156] : memref<32x128xf32, #tpu.memory_space<vmem>> -> memref<8x128xf32, #tpu.memory_space<vmem>>
    tpu.wait_dma2 semaphore(%arg11 : memref<!tpu.dma_semaphore, #tpu.memory_space<semaphore_mem>>) src(%dma_wait3A_157 : memref<8x128xf32, #tpu.memory_space<vmem>>) dst(%dma_wait3A_150 : memref<8x128xf32, #tpu.memory_space<hbm>>)
    %dma_wait3A_158 = arith.constant 0 : i32
    %dma_wait3A_159 = arith.constant 0 : i32
    %dma_wait3A_160 = arith.constant 0 : i32
    %dma_wait3A_161 = arith.constant 0 : i32
    %dma_wait3A_162 = arith.constant 0 : i32
    %dma_wait3A_163 = arith.constant 0 : i32
    %dma_wait3A_164 = tpu.memref_slice %arg8[%dma_wait3A_158, %dma_wait3A_162, %dma_wait3A_163] : memref<2x32x128xf32, #tpu.memory_space<vmem>> -> memref<1x32x128xf32, #tpu.memory_space<vmem>>
    %dma_wait3A_165 = tpu.memref_squeeze %dma_wait3A_164 : memref<1x32x128xf32, #tpu.memory_space<vmem>> -> memref<32x128xf32, #tpu.memory_space<vmem>>
    %dma_wait3A_166 = arith.constant 0 : i32
    %dma_wait3A_167 = arith.constant 0 : i32
    %dma_wait3A_168 = tpu.memref_slice %dma_wait3A_165[%dma_wait3A_166, %dma_wait3A_167] : memref<32x128xf32, #tpu.memory_space<vmem>> -> memref<8x128xf32, #tpu.memory_space<vmem>>
    %dma_wait3A_169 = arith.constant 0 : i32
    %dma_wait3A_170 = arith.constant 0 : i32
    %dma_wait3A_171 = arith.constant 0 : i32
    %dma_wait3A_172 = arith.constant 0 : i32
    %dma_wait3A_173 = tpu.memref_slice %arg4[%dma_wait3A_159, %dma_wait3A_169, %dma_wait3A_170, %dma_wait3A_171, %dma_wait3A_172] : memref<26x4x128x8x128xf32, #tpu.memory_space<hbm>> -> memref<1x4x128x8x128xf32, #tpu.memory_space<hbm>>
    %dma_wait3A_174 = tpu.memref_squeeze %dma_wait3A_173 : memref<1x4x128x8x128xf32, #tpu.memory_space<hbm>> -> memref<4x128x8x128xf32, #tpu.memory_space<hbm>>
    %dma_wait3A_175 = arith.constant 0 : i32
    %dma_wait3A_176 = arith.constant 0 : i32
    %dma_wait3A_177 = arith.constant 0 : i32
    %dma_wait3A_178 = tpu.memref_slice %dma_wait3A_174[%dma_wait3A_160, %dma_wait3A_175, %dma_wait3A_176, %dma_wait3A_177] : memref<4x128x8x128xf32, #tpu.memory_space<hbm>> -> memref<1x128x8x128xf32, #tpu.memory_space<hbm>>
    %dma_wait3A_179 = tpu.memref_squeeze %dma_wait3A_178 : memref<1x128x8x128xf32, #tpu.memory_space<hbm>> -> memref<128x8x128xf32, #tpu.memory_space<hbm>>
    %dma_wait3A_180 = arith.constant 0 : i32
    %dma_wait3A_181 = arith.constant 0 : i32
    %dma_wait3A_182 = tpu.memref_slice %dma_wait3A_179[%dma_wait3A_161, %dma_wait3A_180, %dma_wait3A_181] : memref<128x8x128xf32, #tpu.memory_space<hbm>> -> memref<1x8x128xf32, #tpu.memory_space<hbm>>
    %dma_wait3A_183 = tpu.memref_squeeze %dma_wait3A_182 : memref<1x8x128xf32, #tpu.memory_space<hbm>> -> memref<8x128xf32, #tpu.memory_space<hbm>>
    %dma_wait3A_184 = arith.constant 0 : i32
    %dma_wait3A_185 = arith.constant 0 : i32
    %dma_wait3A_186 = arith.constant 0 : i32
    %dma_wait3A_187 = arith.constant 0 : i32
    %dma_wait3A_188 = tpu.memref_slice %arg4[%dma_wait3A_159, %dma_wait3A_184, %dma_wait3A_185, %dma_wait3A_186, %dma_wait3A_187] : memref<26x4x128x8x128xf32, #tpu.memory_space<hbm>> -> memref<1x4x128x8x128xf32, #tpu.memory_space<hbm>>
    %dma_wait3A_189 = tpu.memref_squeeze %dma_wait3A_188 : memref<1x4x128x8x128xf32, #tpu.memory_space<hbm>> -> memref<4x128x8x128xf32, #tpu.memory_space<hbm>>
    %dma_wait3A_190 = arith.constant 0 : i32
    %dma_wait3A_191 = arith.constant 0 : i32
    %dma_wait3A_192 = arith.constant 0 : i32
    %dma_wait3A_193 = tpu.memref_slice %dma_wait3A_189[%dma_wait3A_160, %dma_wait3A_190, %dma_wait3A_191, %dma_wait3A_192] : memref<4x128x8x128xf32, #tpu.memory_space<hbm>> -> memref<1x128x8x128xf32, #tpu.memory_space<hbm>>
    %dma_wait3A_194 = tpu.memref_squeeze %dma_wait3A_193 : memref<1x128x8x128xf32, #tpu.memory_space<hbm>> -> memref<128x8x128xf32, #tpu.memory_space<hbm>>
    %dma_wait3A_195 = arith.constant 0 : i32
    %dma_wait3A_196 = arith.constant 0 : i32
    %dma_wait3A_197 = tpu.memref_slice %dma_wait3A_194[%dma_wait3A_161, %dma_wait3A_195, %dma_wait3A_196] : memref<128x8x128xf32, #tpu.memory_space<hbm>> -> memref<1x8x128xf32, #tpu.memory_space<hbm>>
    %dma_wait3A_198 = tpu.memref_squeeze %dma_wait3A_197 : memref<1x8x128xf32, #tpu.memory_space<hbm>> -> memref<8x128xf32, #tpu.memory_space<hbm>>
    %dma_wait3A_199 = arith.constant 0 : i32
    %dma_wait3A_200 = arith.constant 0 : i32
    %dma_wait3A_201 = tpu.memref_slice %arg8[%dma_wait3A_158, %dma_wait3A_199, %dma_wait3A_200] : memref<2x32x128xf32, #tpu.memory_space<vmem>> -> memref<1x32x128xf32, #tpu.memory_space<vmem>>
    %dma_wait3A_202 = tpu.memref_squeeze %dma_wait3A_201 : memref<1x32x128xf32, #tpu.memory_space<vmem>> -> memref<32x128xf32, #tpu.memory_space<vmem>>
    %dma_wait3A_203 = arith.constant 0 : i32
    %dma_wait3A_204 = arith.constant 0 : i32
    %dma_wait3A_205 = tpu.memref_slice %dma_wait3A_202[%dma_wait3A_203, %dma_wait3A_204] : memref<32x128xf32, #tpu.memory_space<vmem>> -> memref<8x128xf32, #tpu.memory_space<vmem>>
    tpu.wait_dma2 semaphore(%arg11 : memref<!tpu.dma_semaphore, #tpu.memory_space<semaphore_mem>>) src(%dma_wait3A_205 : memref<8x128xf32, #tpu.memory_space<vmem>>) dst(%dma_wait3A_198 : memref<8x128xf32, #tpu.memory_space<hbm>>)
    %dma_wait3A_206 = arith.constant 0 : i32
    %dma_wait3A_207 = arith.constant 0 : i32
    %dma_wait3A_208 = arith.constant 0 : i32
    %dma_wait3A_209 = arith.constant 0 : i32
    %dma_wait3A_210 = arith.constant 0 : i32
    %dma_wait3A_211 = arith.constant 0 : i32
    %dma_wait3A_212 = tpu.memref_slice %arg8[%dma_wait3A_206, %dma_wait3A_210, %dma_wait3A_211] : memref<2x32x128xf32, #tpu.memory_space<vmem>> -> memref<1x32x128xf32, #tpu.memory_space<vmem>>
    %dma_wait3A_213 = tpu.memref_squeeze %dma_wait3A_212 : memref<1x32x128xf32, #tpu.memory_space<vmem>> -> memref<32x128xf32, #tpu.memory_space<vmem>>
    %dma_wait3A_214 = arith.constant 0 : i32
    %dma_wait3A_215 = arith.constant 0 : i32
    %dma_wait3A_216 = tpu.memref_slice %dma_wait3A_213[%dma_wait3A_214, %dma_wait3A_215] : memref<32x128xf32, #tpu.memory_space<vmem>> -> memref<8x128xf32, #tpu.memory_space<vmem>>
    %dma_wait3A_217 = arith.constant 0 : i32
    %dma_wait3A_218 = arith.constant 0 : i32
    %dma_wait3A_219 = arith.constant 0 : i32
    %dma_wait3A_220 = arith.constant 0 : i32
    %dma_wait3A_221 = tpu.memref_slice %arg4[%dma_wait3A_207, %dma_wait3A_217, %dma_wait3A_218, %dma_wait3A_219, %dma_wait3A_220] : memref<26x4x128x8x128xf32, #tpu.memory_space<hbm>> -> memref<1x4x128x8x128xf32, #tpu.memory_space<hbm>>
    %dma_wait3A_222 = tpu.memref_squeeze %dma_wait3A_221 : memref<1x4x128x8x128xf32, #tpu.memory_space<hbm>> -> memref<4x128x8x128xf32, #tpu.memory_space<hbm>>
    %dma_wait3A_223 = arith.constant 0 : i32
    %dma_wait3A_224 = arith.constant 0 : i32
    %dma_wait3A_225 = arith.constant 0 : i32
    %dma_wait3A_226 = tpu.memref_slice %dma_wait3A_222[%dma_wait3A_208, %dma_wait3A_223, %dma_wait3A_224, %dma_wait3A_225] : memref<4x128x8x128xf32, #tpu.memory_space<hbm>> -> memref<1x128x8x128xf32, #tpu.memory_space<hbm>>
    %dma_wait3A_227 = tpu.memref_squeeze %dma_wait3A_226 : memref<1x128x8x128xf32, #tpu.memory_space<hbm>> -> memref<128x8x128xf32, #tpu.memory_space<hbm>>
    %dma_wait3A_228 = arith.constant 0 : i32
    %dma_wait3A_229 = arith.constant 0 : i32
    %dma_wait3A_230 = tpu.memref_slice %dma_wait3A_227[%dma_wait3A_209, %dma_wait3A_228, %dma_wait3A_229] : memref<128x8x128xf32, #tpu.memory_space<hbm>> -> memref<1x8x128xf32, #tpu.memory_space<hbm>>
    %dma_wait3A_231 = tpu.memref_squeeze %dma_wait3A_230 : memref<1x8x128xf32, #tpu.memory_space<hbm>> -> memref<8x128xf32, #tpu.memory_space<hbm>>
    %dma_wait3A_232 = arith.constant 0 : i32
    %dma_wait3A_233 = arith.constant 0 : i32
    %dma_wait3A_234 = arith.constant 0 : i32
    %dma_wait3A_235 = arith.constant 0 : i32
    %dma_wait3A_236 = tpu.memref_slice %arg4[%dma_wait3A_207, %dma_wait3A_232, %dma_wait3A_233, %dma_wait3A_234, %dma_wait3A_235] : memref<26x4x128x8x128xf32, #tpu.memory_space<hbm>> -> memref<1x4x128x8x128xf32, #tpu.memory_space<hbm>>
    %dma_wait3A_237 = tpu.memref_squeeze %dma_wait3A_236 : memref<1x4x128x8x128xf32, #tpu.memory_space<hbm>> -> memref<4x128x8x128xf32, #tpu.memory_space<hbm>>
    %dma_wait3A_238 = arith.constant 0 : i32
    %dma_wait3A_239 = arith.constant 0 : i32
    %dma_wait3A_240 = arith.constant 0 : i32
    %dma_wait3A_241 = tpu.memref_slice %dma_wait3A_237[%dma_wait3A_208, %dma_wait3A_238, %dma_wait3A_239, %dma_wait3A_240] : memref<4x128x8x128xf32, #tpu.memory_space<hbm>> -> memref<1x128x8x128xf32, #tpu.memory_space<hbm>>
    %dma_wait3A_242 = tpu.memref_squeeze %dma_wait3A_241 : memref<1x128x8x128xf32, #tpu.memory_space<hbm>> -> memref<128x8x128xf32, #tpu.memory_space<hbm>>
    %dma_wait3A_243 = arith.constant 0 : i32
    %dma_wait3A_244 = arith.constant 0 : i32
    %dma_wait3A_245 = tpu.memref_slice %dma_wait3A_242[%dma_wait3A_209, %dma_wait3A_243, %dma_wait3A_244] : memref<128x8x128xf32, #tpu.memory_space<hbm>> -> memref<1x8x128xf32, #tpu.memory_space<hbm>>
    %dma_wait3A_246 = tpu.memref_squeeze %dma_wait3A_245 : memref<1x8x128xf32, #tpu.memory_space<hbm>> -> memref<8x128xf32, #tpu.memory_space<hbm>>
    %dma_wait3A_247 = arith.constant 0 : i32
    %dma_wait3A_248 = arith.constant 0 : i32
    %dma_wait3A_249 = tpu.memref_slice %arg8[%dma_wait3A_206, %dma_wait3A_247, %dma_wait3A_248] : memref<2x32x128xf32, #tpu.memory_space<vmem>> -> memref<1x32x128xf32, #tpu.memory_space<vmem>>
    %dma_wait3A_250 = tpu.memref_squeeze %dma_wait3A_249 : memref<1x32x128xf32, #tpu.memory_space<vmem>> -> memref<32x128xf32, #tpu.memory_space<vmem>>
    %dma_wait3A_251 = arith.constant 0 : i32
    %dma_wait3A_252 = arith.constant 0 : i32
    %dma_wait3A_253 = tpu.memref_slice %dma_wait3A_250[%dma_wait3A_251, %dma_wait3A_252] : memref<32x128xf32, #tpu.memory_space<vmem>> -> memref<8x128xf32, #tpu.memory_space<vmem>>
    tpu.wait_dma2 semaphore(%arg11 : memref<!tpu.dma_semaphore, #tpu.memory_space<semaphore_mem>>) src(%dma_wait3A_253 : memref<8x128xf32, #tpu.memory_space<vmem>>) dst(%dma_wait3A_246 : memref<8x128xf32, #tpu.memory_space<hbm>>)
    %dma_wait3A_254 = arith.constant 1 : i32
    %dma_wait3A_255 = arith.constant 0 : i32
    %dma_wait3A_256 = arith.constant 0 : i32
    %dma_wait3A_257 = arith.constant 0 : i32
    %dma_wait3A_258 = arith.constant 0 : i32
    %dma_wait3A_259 = arith.constant 0 : i32
    %dma_wait3A_260 = tpu.memref_slice %arg8[%dma_wait3A_254, %dma_wait3A_258, %dma_wait3A_259] : memref<2x32x128xf32, #tpu.memory_space<vmem>> -> memref<1x32x128xf32, #tpu.memory_space<vmem>>
    %dma_wait3A_261 = tpu.memref_squeeze %dma_wait3A_260 : memref<1x32x128xf32, #tpu.memory_space<vmem>> -> memref<32x128xf32, #tpu.memory_space<vmem>>
    %dma_wait3A_262 = arith.constant 0 : i32
    %dma_wait3A_263 = arith.constant 0 : i32
    %dma_wait3A_264 = tpu.memref_slice %dma_wait3A_261[%dma_wait3A_262, %dma_wait3A_263] : memref<32x128xf32, #tpu.memory_space<vmem>> -> memref<8x128xf32, #tpu.memory_space<vmem>>
    %dma_wait3A_265 = arith.constant 0 : i32
    %dma_wait3A_266 = arith.constant 0 : i32
    %dma_wait3A_267 = arith.constant 0 : i32
    %dma_wait3A_268 = arith.constant 0 : i32
    %dma_wait3A_269 = tpu.memref_slice %arg4[%dma_wait3A_255, %dma_wait3A_265, %dma_wait3A_266, %dma_wait3A_267, %dma_wait3A_268] : memref<26x4x128x8x128xf32, #tpu.memory_space<hbm>> -> memref<1x4x128x8x128xf32, #tpu.memory_space<hbm>>
    %dma_wait3A_270 = tpu.memref_squeeze %dma_wait3A_269 : memref<1x4x128x8x128xf32, #tpu.memory_space<hbm>> -> memref<4x128x8x128xf32, #tpu.memory_space<hbm>>
    %dma_wait3A_271 = arith.constant 0 : i32
    %dma_wait3A_272 = arith.constant 0 : i32
    %dma_wait3A_273 = arith.constant 0 : i32
    %dma_wait3A_274 = tpu.memref_slice %dma_wait3A_270[%dma_wait3A_256, %dma_wait3A_271, %dma_wait3A_272, %dma_wait3A_273] : memref<4x128x8x128xf32, #tpu.memory_space<hbm>> -> memref<1x128x8x128xf32, #tpu.memory_space<hbm>>
    %dma_wait3A_275 = tpu.memref_squeeze %dma_wait3A_274 : memref<1x128x8x128xf32, #tpu.memory_space<hbm>> -> memref<128x8x128xf32, #tpu.memory_space<hbm>>
    %dma_wait3A_276 = arith.constant 0 : i32
    %dma_wait3A_277 = arith.constant 0 : i32
    %dma_wait3A_278 = tpu.memref_slice %dma_wait3A_275[%dma_wait3A_257, %dma_wait3A_276, %dma_wait3A_277] : memref<128x8x128xf32, #tpu.memory_space<hbm>> -> memref<1x8x128xf32, #tpu.memory_space<hbm>>
    %dma_wait3A_279 = tpu.memref_squeeze %dma_wait3A_278 : memref<1x8x128xf32, #tpu.memory_space<hbm>> -> memref<8x128xf32, #tpu.memory_space<hbm>>
    %dma_wait3A_280 = arith.constant 0 : i32
    %dma_wait3A_281 = arith.constant 0 : i32
    %dma_wait3A_282 = arith.constant 0 : i32
    %dma_wait3A_283 = arith.constant 0 : i32
    %dma_wait3A_284 = tpu.memref_slice %arg4[%dma_wait3A_255, %dma_wait3A_280, %dma_wait3A_281, %dma_wait3A_282, %dma_wait3A_283] : memref<26x4x128x8x128xf32, #tpu.memory_space<hbm>> -> memref<1x4x128x8x128xf32, #tpu.memory_space<hbm>>
    %dma_wait3A_285 = tpu.memref_squeeze %dma_wait3A_284 : memref<1x4x128x8x128xf32, #tpu.memory_space<hbm>> -> memref<4x128x8x128xf32, #tpu.memory_space<hbm>>
    %dma_wait3A_286 = arith.constant 0 : i32
    %dma_wait3A_287 = arith.constant 0 : i32
    %dma_wait3A_288 = arith.constant 0 : i32
    %dma_wait3A_289 = tpu.memref_slice %dma_wait3A_285[%dma_wait3A_256, %dma_wait3A_286, %dma_wait3A_287, %dma_wait3A_288] : memref<4x128x8x128xf32, #tpu.memory_space<hbm>> -> memref<1x128x8x128xf32, #tpu.memory_space<hbm>>
    %dma_wait3A_290 = tpu.memref_squeeze %dma_wait3A_289 : memref<1x128x8x128xf32, #tpu.memory_space<hbm>> -> memref<128x8x128xf32, #tpu.memory_space<hbm>>
    %dma_wait3A_291 = arith.constant 0 : i32
    %dma_wait3A_292 = arith.constant 0 : i32
    %dma_wait3A_293 = tpu.memref_slice %dma_wait3A_290[%dma_wait3A_257, %dma_wait3A_291, %dma_wait3A_292] : memref<128x8x128xf32, #tpu.memory_space<hbm>> -> memref<1x8x128xf32, #tpu.memory_space<hbm>>
    %dma_wait3A_294 = tpu.memref_squeeze %dma_wait3A_293 : memref<1x8x128xf32, #tpu.memory_space<hbm>> -> memref<8x128xf32, #tpu.memory_space<hbm>>
    %dma_wait3A_295 = arith.constant 0 : i32
    %dma_wait3A_296 = arith.constant 0 : i32
    %dma_wait3A_297 = tpu.memref_slice %arg8[%dma_wait3A_254, %dma_wait3A_295, %dma_wait3A_296] : memref<2x32x128xf32, #tpu.memory_space<vmem>> -> memref<1x32x128xf32, #tpu.memory_space<vmem>>
    %dma_wait3A_298 = tpu.memref_squeeze %dma_wait3A_297 : memref<1x32x128xf32, #tpu.memory_space<vmem>> -> memref<32x128xf32, #tpu.memory_space<vmem>>
    %dma_wait3A_299 = arith.constant 0 : i32
    %dma_wait3A_300 = arith.constant 0 : i32
    %dma_wait3A_301 = tpu.memref_slice %dma_wait3A_298[%dma_wait3A_299, %dma_wait3A_300] : memref<32x128xf32, #tpu.memory_space<vmem>> -> memref<8x128xf32, #tpu.memory_space<vmem>>
    tpu.wait_dma2 semaphore(%arg12 : memref<!tpu.dma_semaphore, #tpu.memory_space<semaphore_mem>>) src(%dma_wait3A_301 : memref<8x128xf32, #tpu.memory_space<vmem>>) dst(%dma_wait3A_294 : memref<8x128xf32, #tpu.memory_space<hbm>>)
    %dma_wait3A_302 = arith.constant 1 : i32
    %dma_wait3A_303 = arith.constant 0 : i32
    %dma_wait3A_304 = arith.constant 0 : i32
    %dma_wait3A_305 = arith.constant 0 : i32
    %dma_wait3A_306 = arith.constant 0 : i32
    %dma_wait3A_307 = arith.constant 0 : i32
    %dma_wait3A_308 = tpu.memref_slice %arg8[%dma_wait3A_302, %dma_wait3A_306, %dma_wait3A_307] : memref<2x32x128xf32, #tpu.memory_space<vmem>> -> memref<1x32x128xf32, #tpu.memory_space<vmem>>
    %dma_wait3A_309 = tpu.memref_squeeze %dma_wait3A_308 : memref<1x32x128xf32, #tpu.memory_space<vmem>> -> memref<32x128xf32, #tpu.memory_space<vmem>>
    %dma_wait3A_310 = arith.constant 0 : i32
    %dma_wait3A_311 = arith.constant 0 : i32
    %dma_wait3A_312 = tpu.memref_slice %dma_wait3A_309[%dma_wait3A_310, %dma_wait3A_311] : memref<32x128xf32, #tpu.memory_space<vmem>> -> memref<8x128xf32, #tpu.memory_space<vmem>>
    %dma_wait3A_313 = arith.constant 0 : i32
    %dma_wait3A_314 = arith.constant 0 : i32
    %dma_wait3A_315 = arith.constant 0 : i32
    %dma_wait3A_316 = arith.constant 0 : i32
    %dma_wait3A_317 = tpu.memref_slice %arg4[%dma_wait3A_303, %dma_wait3A_313, %dma_wait3A_314, %dma_wait3A_315, %dma_wait3A_316] : memref<26x4x128x8x128xf32, #tpu.memory_space<hbm>> -> memref<1x4x128x8x128xf32, #tpu.memory_space<hbm>>
    %dma_wait3A_318 = tpu.memref_squeeze %dma_wait3A_317 : memref<1x4x128x8x128xf32, #tpu.memory_space<hbm>> -> memref<4x128x8x128xf32, #tpu.memory_space<hbm>>
    %dma_wait3A_319 = arith.constant 0 : i32
    %dma_wait3A_320 = arith.constant 0 : i32
    %dma_wait3A_321 = arith.constant 0 : i32
    %dma_wait3A_322 = tpu.memref_slice %dma_wait3A_318[%dma_wait3A_304, %dma_wait3A_319, %dma_wait3A_320, %dma_wait3A_321] : memref<4x128x8x128xf32, #tpu.memory_space<hbm>> -> memref<1x128x8x128xf32, #tpu.memory_space<hbm>>
    %dma_wait3A_323 = tpu.memref_squeeze %dma_wait3A_322 : memref<1x128x8x128xf32, #tpu.memory_space<hbm>> -> memref<128x8x128xf32, #tpu.memory_space<hbm>>
    %dma_wait3A_324 = arith.constant 0 : i32
    %dma_wait3A_325 = arith.constant 0 : i32
    %dma_wait3A_326 = tpu.memref_slice %dma_wait3A_323[%dma_wait3A_305, %dma_wait3A_324, %dma_wait3A_325] : memref<128x8x128xf32, #tpu.memory_space<hbm>> -> memref<1x8x128xf32, #tpu.memory_space<hbm>>
    %dma_wait3A_327 = tpu.memref_squeeze %dma_wait3A_326 : memref<1x8x128xf32, #tpu.memory_space<hbm>> -> memref<8x128xf32, #tpu.memory_space<hbm>>
    %dma_wait3A_328 = arith.constant 0 : i32
    %dma_wait3A_329 = arith.constant 0 : i32
    %dma_wait3A_330 = arith.constant 0 : i32
    %dma_wait3A_331 = arith.constant 0 : i32
    %dma_wait3A_332 = tpu.memref_slice %arg4[%dma_wait3A_303, %dma_wait3A_328, %dma_wait3A_329, %dma_wait3A_330, %dma_wait3A_331] : memref<26x4x128x8x128xf32, #tpu.memory_space<hbm>> -> memref<1x4x128x8x128xf32, #tpu.memory_space<hbm>>
    %dma_wait3A_333 = tpu.memref_squeeze %dma_wait3A_332 : memref<1x4x128x8x128xf32, #tpu.memory_space<hbm>> -> memref<4x128x8x128xf32, #tpu.memory_space<hbm>>
    %dma_wait3A_334 = arith.constant 0 : i32
    %dma_wait3A_335 = arith.constant 0 : i32
    %dma_wait3A_336 = arith.constant 0 : i32
    %dma_wait3A_337 = tpu.memref_slice %dma_wait3A_333[%dma_wait3A_304, %dma_wait3A_334, %dma_wait3A_335, %dma_wait3A_336] : memref<4x128x8x128xf32, #tpu.memory_space<hbm>> -> memref<1x128x8x128xf32, #tpu.memory_space<hbm>>
    %dma_wait3A_338 = tpu.memref_squeeze %dma_wait3A_337 : memref<1x128x8x128xf32, #tpu.memory_space<hbm>> -> memref<128x8x128xf32, #tpu.memory_space<hbm>>
    %dma_wait3A_339 = arith.constant 0 : i32
    %dma_wait3A_340 = arith.constant 0 : i32
    %dma_wait3A_341 = tpu.memref_slice %dma_wait3A_338[%dma_wait3A_305, %dma_wait3A_339, %dma_wait3A_340] : memref<128x8x128xf32, #tpu.memory_space<hbm>> -> memref<1x8x128xf32, #tpu.memory_space<hbm>>
    %dma_wait3A_342 = tpu.memref_squeeze %dma_wait3A_341 : memref<1x8x128xf32, #tpu.memory_space<hbm>> -> memref<8x128xf32, #tpu.memory_space<hbm>>
    %dma_wait3A_343 = arith.constant 0 : i32
    %dma_wait3A_344 = arith.constant 0 : i32
    %dma_wait3A_345 = tpu.memref_slice %arg8[%dma_wait3A_302, %dma_wait3A_343, %dma_wait3A_344] : memref<2x32x128xf32, #tpu.memory_space<vmem>> -> memref<1x32x128xf32, #tpu.memory_space<vmem>>
    %dma_wait3A_346 = tpu.memref_squeeze %dma_wait3A_345 : memref<1x32x128xf32, #tpu.memory_space<vmem>> -> memref<32x128xf32, #tpu.memory_space<vmem>>
    %dma_wait3A_347 = arith.constant 0 : i32
    %dma_wait3A_348 = arith.constant 0 : i32
    %dma_wait3A_349 = tpu.memref_slice %dma_wait3A_346[%dma_wait3A_347, %dma_wait3A_348] : memref<32x128xf32, #tpu.memory_space<vmem>> -> memref<8x128xf32, #tpu.memory_space<vmem>>
    tpu.wait_dma2 semaphore(%arg12 : memref<!tpu.dma_semaphore, #tpu.memory_space<semaphore_mem>>) src(%dma_wait3A_349 : memref<8x128xf32, #tpu.memory_space<vmem>>) dst(%dma_wait3A_342 : memref<8x128xf32, #tpu.memory_space<hbm>>)
    %dma_wait3A_350 = arith.constant 1 : i32
    %dma_wait3A_351 = arith.constant 0 : i32
    %dma_wait3A_352 = arith.constant 0 : i32
    %dma_wait3A_353 = arith.constant 0 : i32
    %dma_wait3A_354 = arith.constant 0 : i32
    %dma_wait3A_355 = arith.constant 0 : i32
    %dma_wait3A_356 = tpu.memref_slice %arg8[%dma_wait3A_350, %dma_wait3A_354, %dma_wait3A_355] : memref<2x32x128xf32, #tpu.memory_space<vmem>> -> memref<1x32x128xf32, #tpu.memory_space<vmem>>
    %dma_wait3A_357 = tpu.memref_squeeze %dma_wait3A_356 : memref<1x32x128xf32, #tpu.memory_space<vmem>> -> memref<32x128xf32, #tpu.memory_space<vmem>>
    %dma_wait3A_358 = arith.constant 0 : i32
    %dma_wait3A_359 = arith.constant 0 : i32
    %dma_wait3A_360 = tpu.memref_slice %dma_wait3A_357[%dma_wait3A_358, %dma_wait3A_359] : memref<32x128xf32, #tpu.memory_space<vmem>> -> memref<8x128xf32, #tpu.memory_space<vmem>>
    %dma_wait3A_361 = arith.constant 0 : i32
    %dma_wait3A_362 = arith.constant 0 : i32
    %dma_wait3A_363 = arith.constant 0 : i32
    %dma_wait3A_364 = arith.constant 0 : i32
    %dma_wait3A_365 = tpu.memref_slice %arg4[%dma_wait3A_351, %dma_wait3A_361, %dma_wait3A_362, %dma_wait3A_363, %dma_wait3A_364] : memref<26x4x128x8x128xf32, #tpu.memory_space<hbm>> -> memref<1x4x128x8x128xf32, #tpu.memory_space<hbm>>
    %dma_wait3A_366 = tpu.memref_squeeze %dma_wait3A_365 : memref<1x4x128x8x128xf32, #tpu.memory_space<hbm>> -> memref<4x128x8x128xf32, #tpu.memory_space<hbm>>
    %dma_wait3A_367 = arith.constant 0 : i32
    %dma_wait3A_368 = arith.constant 0 : i32
    %dma_wait3A_369 = arith.constant 0 : i32
    %dma_wait3A_370 = tpu.memref_slice %dma_wait3A_366[%dma_wait3A_352, %dma_wait3A_367, %dma_wait3A_368, %dma_wait3A_369] : memref<4x128x8x128xf32, #tpu.memory_space<hbm>> -> memref<1x128x8x128xf32, #tpu.memory_space<hbm>>
    %dma_wait3A_371 = tpu.memref_squeeze %dma_wait3A_370 : memref<1x128x8x128xf32, #tpu.memory_space<hbm>> -> memref<128x8x128xf32, #tpu.memory_space<hbm>>
    %dma_wait3A_372 = arith.constant 0 : i32
    %dma_wait3A_373 = arith.constant 0 : i32
    %dma_wait3A_374 = tpu.memref_slice %dma_wait3A_371[%dma_wait3A_353, %dma_wait3A_372, %dma_wait3A_373] : memref<128x8x128xf32, #tpu.memory_space<hbm>> -> memref<1x8x128xf32, #tpu.memory_space<hbm>>
    %dma_wait3A_375 = tpu.memref_squeeze %dma_wait3A_374 : memref<1x8x128xf32, #tpu.memory_space<hbm>> -> memref<8x128xf32, #tpu.memory_space<hbm>>
    %dma_wait3A_376 = arith.constant 0 : i32
    %dma_wait3A_377 = arith.constant 0 : i32
    %dma_wait3A_378 = arith.constant 0 : i32
    %dma_wait3A_379 = arith.constant 0 : i32
    %dma_wait3A_380 = tpu.memref_slice %arg4[%dma_wait3A_351, %dma_wait3A_376, %dma_wait3A_377, %dma_wait3A_378, %dma_wait3A_379] : memref<26x4x128x8x128xf32, #tpu.memory_space<hbm>> -> memref<1x4x128x8x128xf32, #tpu.memory_space<hbm>>
    %dma_wait3A_381 = tpu.memref_squeeze %dma_wait3A_380 : memref<1x4x128x8x128xf32, #tpu.memory_space<hbm>> -> memref<4x128x8x128xf32, #tpu.memory_space<hbm>>
    %dma_wait3A_382 = arith.constant 0 : i32
    %dma_wait3A_383 = arith.constant 0 : i32
    %dma_wait3A_384 = arith.constant 0 : i32
    %dma_wait3A_385 = tpu.memref_slice %dma_wait3A_381[%dma_wait3A_352, %dma_wait3A_382, %dma_wait3A_383, %dma_wait3A_384] : memref<4x128x8x128xf32, #tpu.memory_space<hbm>> -> memref<1x128x8x128xf32, #tpu.memory_space<hbm>>
    %dma_wait3A_386 = tpu.memref_squeeze %dma_wait3A_385 : memref<1x128x8x128xf32, #tpu.memory_space<hbm>> -> memref<128x8x128xf32, #tpu.memory_space<hbm>>
    %dma_wait3A_387 = arith.constant 0 : i32
    %dma_wait3A_388 = arith.constant 0 : i32
    %dma_wait3A_389 = tpu.memref_slice %dma_wait3A_386[%dma_wait3A_353, %dma_wait3A_387, %dma_wait3A_388] : memref<128x8x128xf32, #tpu.memory_space<hbm>> -> memref<1x8x128xf32, #tpu.memory_space<hbm>>
    %dma_wait3A_390 = tpu.memref_squeeze %dma_wait3A_389 : memref<1x8x128xf32, #tpu.memory_space<hbm>> -> memref<8x128xf32, #tpu.memory_space<hbm>>
    %dma_wait3A_391 = arith.constant 0 : i32
    %dma_wait3A_392 = arith.constant 0 : i32
    %dma_wait3A_393 = tpu.memref_slice %arg8[%dma_wait3A_350, %dma_wait3A_391, %dma_wait3A_392] : memref<2x32x128xf32, #tpu.memory_space<vmem>> -> memref<1x32x128xf32, #tpu.memory_space<vmem>>
    %dma_wait3A_394 = tpu.memref_squeeze %dma_wait3A_393 : memref<1x32x128xf32, #tpu.memory_space<vmem>> -> memref<32x128xf32, #tpu.memory_space<vmem>>
    %dma_wait3A_395 = arith.constant 0 : i32
    %dma_wait3A_396 = arith.constant 0 : i32
    %dma_wait3A_397 = tpu.memref_slice %dma_wait3A_394[%dma_wait3A_395, %dma_wait3A_396] : memref<32x128xf32, #tpu.memory_space<vmem>> -> memref<8x128xf32, #tpu.memory_space<vmem>>
    tpu.wait_dma2 semaphore(%arg12 : memref<!tpu.dma_semaphore, #tpu.memory_space<semaphore_mem>>) src(%dma_wait3A_397 : memref<8x128xf32, #tpu.memory_space<vmem>>) dst(%dma_wait3A_390 : memref<8x128xf32, #tpu.memory_space<hbm>>)
    %dma_wait3A_398 = arith.constant 1 : i32
    %dma_wait3A_399 = arith.constant 0 : i32
    %dma_wait3A_400 = arith.constant 0 : i32
    %dma_wait3A_401 = arith.constant 0 : i32
    %dma_wait3A_402 = arith.constant 0 : i32
    %dma_wait3A_403 = arith.constant 0 : i32
    %dma_wait3A_404 = tpu.memref_slice %arg8[%dma_wait3A_398, %dma_wait3A_402, %dma_wait3A_403] : memref<2x32x128xf32, #tpu.memory_space<vmem>> -> memref<1x32x128xf32, #tpu.memory_space<vmem>>
    %dma_wait3A_405 = tpu.memref_squeeze %dma_wait3A_404 : memref<1x32x128xf32, #tpu.memory_space<vmem>> -> memref<32x128xf32, #tpu.memory_space<vmem>>
    %dma_wait3A_406 = arith.constant 0 : i32
    %dma_wait3A_407 = arith.constant 0 : i32
    %dma_wait3A_408 = tpu.memref_slice %dma_wait3A_405[%dma_wait3A_406, %dma_wait3A_407] : memref<32x128xf32, #tpu.memory_space<vmem>> -> memref<8x128xf32, #tpu.memory_space<vmem>>
    %dma_wait3A_409 = arith.constant 0 : i32
    %dma_wait3A_410 = arith.constant 0 : i32
    %dma_wait3A_411 = arith.constant 0 : i32
    %dma_wait3A_412 = arith.constant 0 : i32
    %dma_wait3A_413 = tpu.memref_slice %arg4[%dma_wait3A_399, %dma_wait3A_409, %dma_wait3A_410, %dma_wait3A_411, %dma_wait3A_412] : memref<26x4x128x8x128xf32, #tpu.memory_space<hbm>> -> memref<1x4x128x8x128xf32, #tpu.memory_space<hbm>>
    %dma_wait3A_414 = tpu.memref_squeeze %dma_wait3A_413 : memref<1x4x128x8x128xf32, #tpu.memory_space<hbm>> -> memref<4x128x8x128xf32, #tpu.memory_space<hbm>>
    %dma_wait3A_415 = arith.constant 0 : i32
    %dma_wait3A_416 = arith.constant 0 : i32
    %dma_wait3A_417 = arith.constant 0 : i32
    %dma_wait3A_418 = tpu.memref_slice %dma_wait3A_414[%dma_wait3A_400, %dma_wait3A_415, %dma_wait3A_416, %dma_wait3A_417] : memref<4x128x8x128xf32, #tpu.memory_space<hbm>> -> memref<1x128x8x128xf32, #tpu.memory_space<hbm>>
    %dma_wait3A_419 = tpu.memref_squeeze %dma_wait3A_418 : memref<1x128x8x128xf32, #tpu.memory_space<hbm>> -> memref<128x8x128xf32, #tpu.memory_space<hbm>>
    %dma_wait3A_420 = arith.constant 0 : i32
    %dma_wait3A_421 = arith.constant 0 : i32
    %dma_wait3A_422 = tpu.memref_slice %dma_wait3A_419[%dma_wait3A_401, %dma_wait3A_420, %dma_wait3A_421] : memref<128x8x128xf32, #tpu.memory_space<hbm>> -> memref<1x8x128xf32, #tpu.memory_space<hbm>>
    %dma_wait3A_423 = tpu.memref_squeeze %dma_wait3A_422 : memref<1x8x128xf32, #tpu.memory_space<hbm>> -> memref<8x128xf32, #tpu.memory_space<hbm>>
    %dma_wait3A_424 = arith.constant 0 : i32
    %dma_wait3A_425 = arith.constant 0 : i32
    %dma_wait3A_426 = arith.constant 0 : i32
    %dma_wait3A_427 = arith.constant 0 : i32
    %dma_wait3A_428 = tpu.memref_slice %arg4[%dma_wait3A_399, %dma_wait3A_424, %dma_wait3A_425, %dma_wait3A_426, %dma_wait3A_427] : memref<26x4x128x8x128xf32, #tpu.memory_space<hbm>> -> memref<1x4x128x8x128xf32, #tpu.memory_space<hbm>>
    %dma_wait3A_429 = tpu.memref_squeeze %dma_wait3A_428 : memref<1x4x128x8x128xf32, #tpu.memory_space<hbm>> -> memref<4x128x8x128xf32, #tpu.memory_space<hbm>>
    %dma_wait3A_430 = arith.constant 0 : i32
    %dma_wait3A_431 = arith.constant 0 : i32
    %dma_wait3A_432 = arith.constant 0 : i32
    %dma_wait3A_433 = tpu.memref_slice %dma_wait3A_429[%dma_wait3A_400, %dma_wait3A_430, %dma_wait3A_431, %dma_wait3A_432] : memref<4x128x8x128xf32, #tpu.memory_space<hbm>> -> memref<1x128x8x128xf32, #tpu.memory_space<hbm>>
    %dma_wait3A_434 = tpu.memref_squeeze %dma_wait3A_433 : memref<1x128x8x128xf32, #tpu.memory_space<hbm>> -> memref<128x8x128xf32, #tpu.memory_space<hbm>>
    %dma_wait3A_435 = arith.constant 0 : i32
    %dma_wait3A_436 = arith.constant 0 : i32
    %dma_wait3A_437 = tpu.memref_slice %dma_wait3A_434[%dma_wait3A_401, %dma_wait3A_435, %dma_wait3A_436] : memref<128x8x128xf32, #tpu.memory_space<hbm>> -> memref<1x8x128xf32, #tpu.memory_space<hbm>>
    %dma_wait3A_438 = tpu.memref_squeeze %dma_wait3A_437 : memref<1x8x128xf32, #tpu.memory_space<hbm>> -> memref<8x128xf32, #tpu.memory_space<hbm>>
    %dma_wait3A_439 = arith.constant 0 : i32
    %dma_wait3A_440 = arith.constant 0 : i32
    %dma_wait3A_441 = tpu.memref_slice %arg8[%dma_wait3A_398, %dma_wait3A_439, %dma_wait3A_440] : memref<2x32x128xf32, #tpu.memory_space<vmem>> -> memref<1x32x128xf32, #tpu.memory_space<vmem>>
    %dma_wait3A_442 = tpu.memref_squeeze %dma_wait3A_441 : memref<1x32x128xf32, #tpu.memory_space<vmem>> -> memref<32x128xf32, #tpu.memory_space<vmem>>
    %dma_wait3A_443 = arith.constant 0 : i32
    %dma_wait3A_444 = arith.constant 0 : i32
    %dma_wait3A_445 = tpu.memref_slice %dma_wait3A_442[%dma_wait3A_443, %dma_wait3A_444] : memref<32x128xf32, #tpu.memory_space<vmem>> -> memref<8x128xf32, #tpu.memory_space<vmem>>
    tpu.wait_dma2 semaphore(%arg12 : memref<!tpu.dma_semaphore, #tpu.memory_space<semaphore_mem>>) src(%dma_wait3A_445 : memref<8x128xf32, #tpu.memory_space<vmem>>) dst(%dma_wait3A_438 : memref<8x128xf32, #tpu.memory_space<hbm>>)
    return
  }
}

</mosaic_0001>

<sc_bundles>
// kernel: kernel.3.cloned.1.call-start
scs
__scs_entry_jumppad:
0x0: {  	(pc) =	sbr.rel $0x88, $3  }
0x1: {  	(tag) =	ssettag $0x0;
	lr =	simm.s32 $0x1  }
0x2: {  	[smem:$0x3F9F] =	sst lr;
	_ =	strace $0xD0000000  }
0x3: {  	_ = 	snop  }
0x4: {  	_ = 	snop  }
0x5: {  	_ = 	snop  }
0x6: {  	_ = 	snop  }
0x7: {  	_ = 	snop  }
__scs_overlays_trampoline_lowered:
0x8: {  	[smem:$0x3FAE] =	sst s0  }
0x9: {  	[smem:$0x3FAF] =	sst s1  }
0xa: {  	[smem:$0x3FB0] =	sst s2  }
0xb: {  	[smem:$0x3FB1] =	sst s3  }
0xc: {  	[smem:$0x3FB2] =	sst s4  }
0xd: {  	[smem:$0x3FB3] =	sst s5  }
0xe: {  	[smem:$0x3FB4] =	sst s6  }
0xf: {  	[smem:$0x3FB5] =	sst s7  }
0x10: {  	[smem:$0x3FB6] =	sst s8  }
0x11: {  	[smem:$0x3FB7] =	sst s9;
	s0 =	simm.s32 @!p0 $0x0  }
0x12: {  	s1 =	sld [smem:$0x3F9D];
	s0 =	simm.s32 @p0 $0x1  }
0x13: {  	[smem:$0x3FB8] =	sst s0;
	s0 =	simm.s32 @!p1 $0x0  }
0x14: {  	s2 =	sld [smem:$0x3F9C];
	s0 =	simm.s32 @p1 $0x1  }
0x15: {  	[smem:$0x3FB9] =	sst s0;
	s0 =	simm.s32 @!p2 $0x0  }
0x16: {  	s3 =	sld [smem:$0x3FDB];
	s0 =	simm.s32 @p2 $0x1  }
0x17: {  	s4 =	simm.s32 $0x1BF5;
	[smem:$0x3FBB] =	sst s0  }
0x18: {  	s0 =	sld [smem:$0x3F9E];
	_ =	swait.ge [sflag:s4], $0x0  }
0x19: {  	s7 =	sld [smem:$0x3F9F]  }
0x1a: {  	s8 =	sadd.s32 $0xFFFFE003, lr  }
0x1b: {  	s9 =	sadd.s32 $0xFFFFFEF7, lr;
	s5 =	simm.s32 $0xFFFFFFFF;
	p2 =	slt.u32 s8, $0xFFFFF086  }
0x1c: {  	p1 =	slt.u32 s9, $0xF7A;
	s5 =	simm.s32 @!p2 $0x0  }
0x1d: {  	s5 =	simm.s32 @p1 $0x1;
	p0 =	seq.s32 s7, s2  }
0x1e: {  	s7 =	smul.u32 @!p0 $0xF7A, s2;
	p2 =	seq.s32 @!p0 s5, $0x0  }
0x1f: {  	s9 =	smul.u32 $0xF7A, s1;
	s8 =	simm.s32 @!p0 $0x1BF5;
	p2 =	por !p2, p0  }
0x20: {  	[sflag:s8] =	ssyncset.s32 @!p0 $0xFFFFF086;
	s6 =	sadd.s32 @!p0 s3, s7;
	s7 =	simm.s32 @!p0 $0x108  }
0x21: {  	s3 =	sadd.s32 s3, s9;
	s6 =	sadd.s32 @!p0 $0x88, s6;
	s7 =	simm.s32 @p2 $0x1082  }
0x22: {  	[simem:s7], [sflag:s8] =	dma.local @!p0 [hbm:s6], $0xF7A  }
0x23: {  	s9 =	sor.u32 $0xD0000000, s2;
	s6 =	simm.s32 $0x108;
	_ =	swait.ge @!p0 [sflag:s8], $0x0  }
0x24: {  	s3 =	sadd.s32 $0x88, s3;
	s6 =	simm.s32 @!p1 $0x1082;
	[sflag:s4] =	ssyncset.s32 $0xFFFFF086  }
0x25: {  	[simem:s6], [sflag:s4] =	dma.local [hbm:s3], $0xF7A  }
0x26: {  	[smem:$0x3F9F] =	sst s1;
	(tag) =	ssettag s2;
	_ =	strace s9  }
0x27: {  	s1 =	sld [smem:$0x3FAF]  }
0x28: {  	s2 =	sld [smem:$0x3FB0]  }
0x29: {  	s4 =	sld [smem:$0x3FB2]  }
0x2a: {  	p0 =	seq.s32 s5, $0x0;
	s5 =	sld [smem:$0x3FB3]  }
0x2b: {  	s6 =	sld [smem:$0x3FB4]  }
0x2c: {  	s7 =	sld [smem:$0x3FB5]  }
0x2d: {  	s3 =	simm.s32 $0x108;
	s8 =	sld [smem:$0x3FB6]  }
0x2e: {  	s3 =	simm.s32 @!p0 $0x1082;
	s9 =	sld [smem:$0x3FB7]  }
0x2f: {  	lr =	sadd.s32 s0, s3;
	s0 =	sld [smem:$0x3FAE]  }
0x30: {  	s3 =	sld [smem:$0x3FB1]  }
0x31: {  	[smem:$0x3FBA] =	sst s10  }
0x32: {  	s10 =	sld [smem:$0x3FB8];
	_ =	sdelay $0x3  }
0x33: {  	p0 =	seq.s32 s10, $0x1;
	s10 =	sld [smem:$0x3FBA];
	_ =	sdelay $0x3  }
0x34: {  	[smem:$0x3FBA] =	sst s10  }
0x35: {  	s10 =	sld [smem:$0x3FB9];
	_ =	sdelay $0x3  }
0x36: {  	p1 =	seq.s32 s10, $0x1;
	s10 =	sld [smem:$0x3FBA];
	_ =	sdelay $0x3  }
0x37: {  	[smem:$0x3FBA] =	sst s10  }
0x38: {  	s10 =	sld [smem:$0x3FBB]  }
0x39: {  	_ = 	snop;
	(pc) =	sbr.ind lr, $3  }
0x3a: {  	_ = 	snop  }
0x3b: {  	_ = 	snop  }
0x3c: {  	p2 =	seq.s32 s10, $0x1;
	s10 =	sld [smem:$0x3FBA]  }
0x3d: {  	_ =	shalt  }
0x3e: {  	_ =	shalt  }
0x3f: {  	_ =	shalt  }
0x40: {  	_ =	shalt  }
0x41: {  	_ =	shalt  }
0x42: {  	_ =	shalt  }
0x43: {  	_ =	shalt  }
0x44: {  	_ =	shalt  }
0x45: {  	_ =	shalt  }
0x46: {  	_ =	shalt  }
0x47: {  	_ =	shalt  }
0x48: {  	_ =	shalt  }
0x49: {  	_ =	shalt  }
0x4a: {  	_ =	shalt  }
0x4b: {  	_ =	shalt  }
0x4c: {  	_ =	shalt  }
0x4d: {  	_ =	shalt  }
0x4e: {  	_ =	shalt  }
0x4f: {  	_ =	shalt  }
0x50: {  	_ =	shalt  }
0x51: {  	_ =	shalt  }
0x52: {  	_ =	shalt  }
0x53: {  	_ =	shalt  }
0x54: {  	_ =	shalt  }
0x55: {  	_ =	shalt  }
0x56: {  	_ =	shalt  }
0x57: {  	_ =	shalt  }
0x58: {  	_ =	shalt  }
0x59: {  	_ =	shalt  }
0x5a: {  	_ =	shalt  }
0x5b: {  	_ =	shalt  }
0x5c: {  	_ =	shalt  }
0x5d: {  	_ =	shalt  }
0x5e: {  	_ =	shalt  }
0x5f: {  	_ =	shalt  }
0x60: {  	_ =	shalt  }
0x61: {  	_ =	shalt  }
0x62: {  	_ =	shalt  }
0x63: {  	_ =	shalt  }
0x64: {  	_ =	shalt  }
0x65: {  	_ =	shalt  }
0x66: {  	_ =	shalt  }
0x67: {  	_ =	shalt  }
0x68: {  	_ =	shalt  }
0x69: {  	_ =	shalt  }
0x6a: {  	_ =	shalt  }
0x6b: {  	_ =	shalt  }
0x6c: {  	_ =	shalt  }
0x6d: {  	_ =	shalt  }
0x6e: {  	_ =	shalt  }
0x6f: {  	_ =	shalt  }
0x70: {  	_ =	shalt  }
0x71: {  	_ =	shalt  }
0x72: {  	_ =	shalt  }
0x73: {  	_ =	shalt  }
0x74: {  	_ =	shalt  }
0x75: {  	_ =	shalt  }
0x76: {  	_ =	shalt  }
0x77: {  	_ =	shalt  }
0x78: {  	_ =	shalt  }
0x79: {  	_ =	shalt  }
0x7a: {  	_ =	shalt  }
0x7b: {  	_ =	shalt  }
0x7c: {  	_ =	shalt  }
0x7d: {  	_ =	shalt  }
0x7e: {  	_ =	shalt  }
0x7f: {  	_ =	shalt  }
0x80: {  	_ =	shalt  }
0x81: {  	_ =	shalt  }
0x82: {  	_ =	shalt  }
0x83: {  	_ =	shalt  }
0x84: {  	_ =	shalt  }
0x85: {  	_ =	shalt  }
0x86: {  	_ =	shalt  }
0x87: {  	_ =	shalt  }
.Lfunc_end0:
.L_simem_size_0:
called_computation_lowered:
.L_overlay_start_0:
0x88: {  	s2 =	sld [smem:$0x3FD9]  }
0x89: {  	s3 =	sld [smem:$0x3FFE];
	_ =	sdelay $0x1  }
0x8a: {  	s1 =	srdreg.scid  }
0x8b: {  	s0 =	sand.u32 $0x1, s1  }
0x8c: {  	s17 =	sshll.u32 s0, $0xA;
	s2 =	sadd.s32 s3, s2  }
0x8d: {  	s2 =	sadd.s32 s2, s17  }
0x8e: {  	[smem:$0x3FC6] =	sst s2  }
0x8f: {  	_ = 	snop  }
0x90: {  	s2 =	sld [smem:$0x3FD0];
	(tm) =	ssettm $0x1  }
0x91: {  	s18 =	sld [smem:$0x3FFB];
	_ =	sdelay $0x3  }
0x92: {  	_ =	strace s18  }
0x93: {  	s3 =	sld [smem:$0x3FFC];
	_ =	sdelay $0x3  }
0x94: {  	_ =	strace s3  }
0x95: {  	s3 =	sld [smem:$0x3FFD];
	_ =	sdelay $0x3  }
0x96: {  	_ =	strace s3  }
0x97: {  	_ =	strace $0x8FFFFFFF  }
0x98: {  	s19 =	sld [smem:$0x3FDB];
	_ =	sdelay $0x1  }
0x99: {  	s4 =	simm.s32 $_scs_section_size  }
0x9a: {  	s5 =	simm.s32 $_size__tile_overlayer_lowered;
	s6 =	simm.s32 $_tile_overlayer_lowered  }
0x9b: {  	s22 =	simm.s32 $0x1BFF;
	s21 =	sshll.u32 s6, $0x1;
	s3 =	sadd.s32 s4, s19  }
0x9c: {  	s7 =	simm.s32 $0x0;
	s20 =	sshll.u32 s5, $0x1;
	s5 =	sadd.s32 s21, s3  }
0x9d: {  	[timem:s7], [sflag:s22] =	dma.local [hbm:s5], s20  }
0x9e: {  	_ =	swait.ge [sflag:s22], s20  }
0x9f: {  	s4 =	ssub.s32 $0x0, s20;
	[sflag:s22] =	ssyncset.done $0x0  }
0xa0: {  	[sflag:s22] =	ssyncadd.s32 s4;
	_ =	sdelay $0x1  }
0xa1: {  	s23 =	simm.s32 $0x1B8B  }
0xa2: {  	_ =	swait.ge [sflag:s23], $0x1  }
0xa3: {  	[sflag:s23] =	ssyncset.done $0x0  }
0xa4: {  	s25 =	simm.s32 $0x1B8E;
	s24 =	sld [smem:$0x3FFE];
	[sflag:s23] =	ssyncadd.s32 $0xFFFFFFFF  }
0xa5: {  	s26 =	simm.s32 $execute0_lowered;
	[smem:$0x3FD2] =	sst s25  }
0xa6: {  	s5 =	sshll.u32 s26, $0x1;
	_ =	strace $0x80000046;
	[dreg:$0x1] =	wrdreg $0xFFFFFFFF  }
0xa7: {  	s28 =	simm.s32 $_size_execute0_lowered;
	s3 =	sadd.s32 s3, s5;
	[dreg:$0x0] =	wrdreg $0x0  }
0xa8: {  	s5 =	sshll.u32 s28, $0x1;
	[dreg:$0x2] =	wrdreg s3  }
0xa9: {  	[dreg:$0x3] =	wrdreg s5  }
0xaa: {  	[dreg:$0x4] =	wrdreg $0xC0  }
0xab: {  	_ =	task [dreg:s7], $0x5FFFF  }
0xac: {  	[dreg:$0x1] =	wrdreg $0xFFFFFFFF  }
0xad: {  	[dreg:$0x0] =	wrdreg $0x60  }
0xae: {  	[dreg:$0x2] =	wrdreg s24  }
0xaf: {  	[dreg:$0x3] =	wrdreg s2  }
0xb0: {  	[dreg:$0x4] =	wrdreg $0x9  }
0xb1: {  	_ =	task.clear_ibuf [dreg:s7], $0x5FFFF;
	_ =	strace $0x90000046  }
0xb2: {  	s29 =	simm.s32 $0x9;
	_ =	strace $0x80000048  }
0xb3: {  	_ =	swait.ge [sflag:s29], $0x1  }
0xb4: {  	[sflag:s29] =	ssyncadd.s32 $0xFFFFFFFF  }
0xb5: {  	_ =	strace $0x90000048  }
0xb6: {  	_ =	sfence  }
0xb7: {  	s30 =	sld [smem:$0x0];
	_ =	sdelay $0x2  }
0xb8: {  	s31 =	sshll.u32 s1, $0xD;
	s1 =	sshrl.u32 s1, $0x2  }
0xb9: {  	s3 =	sand.u32 $0x4000, s31;
	s1 =	sadd.s32 s1, s30  }
0xba: {  	s0 =	sor.u32 s3, s0;
	s1 =	sshll.u32 s1, $0x11  }
0xbb: {  	s0 =	sor.u32 s1, s0  }
0xbc: {  	s0 =	sadd.s32 $0x8F2B, s0  }
0xbd: {  	[sflag:s0] =	ssyncadd.remote.s32 $0x1  }
0xbe: {  	_ =	sfence.sel $0xFFFF  }
0xbf: {  	[dreg:$0x0] =	wrdreg $0xFFFFFFFF;
	(pc) =	sbr.abs _section_cstart, $3  }
0xc0: {  	[dreg:$0x1] =	wrdreg $0xFFFFFFFF  }
0xc1: {  	_ =	task.clear_ibuf [dreg:s7], $0x2FFFF;
	_ =	strace $0x9FFFFFFF  }
0xc2: {  	(tm) =	ssettm $0x7FFFFFFF  }
0xc3: {  	_ =	shalt  }
tec
execute0_lowered:
.L_overlay_start_1:
0x0: {  	(tag) =	ssettag $0x1  }
0x1: {  	s0 =	srdreg.scid;
	s2 =	stileid.u32  }
0x2: {  	s1 =	rddreg [dreg:$0x0];
	s9 =	simm.s32 $0x80;
	s11 =	simm.s32 $0x6800  }
0x3: {  	s17 =	simm.s32 $0x3480;
	s13 =	simm.s32 $0x7800;
	s14 =	simm.s32 $0x1  }
0x4: {  	s18 =	simm.s32 $0x9400;
	s19 =	simm.s32 $0x2;
	s20 =	simm.s32 $0x9800  }
0x5: {  	s21 =	simm.s32 $0x9C00;
	s0 =	sand.u32 $0x1, s0;
	s3 =	sshll.u32 s2, $0x1  }
0x6: {  	s22 =	simm.s32 $0xA000;
	s23 =	simm.s32 $0xA400;
	s5 =	sor.u32 s0, s3  }
0x7: {  	v1 =	vlaneseq.u32;
	s2 =	rddreg [dreg:$0x1];
	s0 =	ssub.s32 $0x2, s0;
	s4 =	smul.u32 $0x680, s5  }
.Ltmp0:
0x8: {  	v0 =	vmul.u32 $0x20, v1;
	s3 =	simm.s32 $0x0;
	s7 =	sshrl.u32 s0, $0x1;
	(pc) =	sbr.rel .LBB2_1-.Ltmp0, $4  }
0x9: {  	s25 =	simm.s32 $0x4;
	[smem:$0x7FF] =	sst s3;
	s0 =	ssub.s32 s0, s7  }
0xa: {  	v1 =	vmul.u32 $0x1A, v1;
	v2 =	vor.u32 $0x200, v0;
	_ =	strace $0x80000047;
	s6 =	sadd.s32 s4, s1;
	s0 =	smax.u32 s0, $0x1  }
0xb: {  	v3 =	vor.u32 $0x400, v0;
	v4 =	vor.u32 $0x600, v0;
	v5 =	vor.u32 $0x800, v0;
	s4 =	sadd.s32 $0xF42A00, s1;
	s31 =	sadd.s32 $0x600, s6;
	[dreg:$0x4] =	wrdreg s0  }
0xc: {  	v6 =	vor.u32 $0xA00, v0;
	v7 =	vor.u32 $0xC00, v0;
	v8 =	vor.u32 $0xE00, v0;
	s1 =	simm.s32 $0x0;
	s6 =	sshll.u32 s5, $0x9;
	[dreg:$0x3] =	wrdreg s31  }
.LBB2_12:
0xd: {  	s0 =	simm.s32 $0x3  }
0xe: {  	_ =	swait.ge [sflag:s0], $0x400  }
0xf: {  	[sflag:s0] =	ssyncset.done $0x0  }
0x10: {  	[sflag:s0] =	ssyncadd.s32 $0xFFFFFC00  }
0x11: {  	_ =	swait.ge [sflag:s0], $0x400  }
0x12: {  	[sflag:s0] =	ssyncset.done $0x0  }
0x13: {  	[sflag:s0] =	ssyncadd.s32 $0xFFFFFC00  }
0x14: {  	_ =	swait.ge [sflag:s0], $0x400  }
0x15: {  	[sflag:s0] =	ssyncset.done $0x0  }
0x16: {  	[sflag:s0] =	ssyncadd.s32 $0xFFFFFC00  }
0x17: {  	_ =	swait.ge [sflag:s0], $0x400  }
0x18: {  	[sflag:s0] =	ssyncset.done $0x0  }
0x19: {  	[sflag:s0] =	ssyncadd.s32 $0xFFFFFC00  }
0x1a: {  	_ =	swait.ge [sflag:s25], $0x400  }
0x1b: {  	[sflag:s25] =	ssyncset.done $0x0  }
0x1c: {  	[sflag:s25] =	ssyncadd.s32 $0xFFFFFC00  }
0x1d: {  	_ =	swait.ge [sflag:s25], $0x400  }
0x1e: {  	[sflag:s25] =	ssyncset.done $0x0  }
0x1f: {  	[sflag:s25] =	ssyncadd.s32 $0xFFFFFC00  }
0x20: {  	_ =	swait.ge [sflag:s25], $0x400  }
0x21: {  	[sflag:s25] =	ssyncset.done $0x0  }
0x22: {  	[sflag:s25] =	ssyncadd.s32 $0xFFFFFC00  }
0x23: {  	_ =	swait.ge [sflag:s25], $0x400  }
0x24: {  	s1 =	rddreg [dreg:$0x5]  }
0x25: {  	s31 =	rddreg [dreg:$0x4];
	s1 =	sadd.s32 $0x1, s1  }
0x26: {  	p0 =	sne.s32 s1, s31  }
.Ltmp1:
0x27: {  	_ = 	snop;
	(pc) =	sbr.rel @!p0 .LBB2_13-.Ltmp1, $3  }
0x28: {  	_ =	sdelay $0x1  }
0x29: {  	[sflag:s25] =	ssyncset.done $0x0  }
0x2a: {  	[sflag:s25] =	ssyncadd.s32 $0xFFFFFC00  }
.LBB2_1:
0x2b: {  	s0 =	simm.s32 $0xFFFFFFFE  }
0x2c: {  	s0 =	smul.u32 $0x4F, s0;
	_ =	sdelay $0x1  }
0x2d: {  	s8 =	sadd.s32 $0xED, s0  }
0x2e: {  	[dreg:$0x5] =	wrdreg s1;
	s1 =	sshrl.u32 s8, $0xB  }
0x2f: {  	s1 =	sand.u32 $0x1F, s1  }
0x30: {  	s0 =	sadd.s32 $0x9E, s0;
	s1 =	smul.u32 $0x1A, s1  }
0x31: {  	s0 =	sshrl.u32 s0, $0xB  }
0x32: {  	s5 =	sand.u32 $0x1F, s0;
	s10 =	ssub.s32 $0xFFFFFFFE, s1  }
0x33: {  	s12 =	smul.u32 $0xD00, s5;
	s0 =	sadd.s32 $0x3, s10  }
0x34: {  	s0 =	sand.u32 $0xFF, s0  }
0x35: {  	s7 =	rddreg [dreg:$0x3];
	s0 =	sor.u32 s0, s12  }
0x36: {  	[tilespmem:s3], [sflag:$0x5] =	stream.linear.gather [hbm4b:s7+s3], $0x3400, $0x38;
	v9 =	vadd.s32 s0, v1;
	[tilespmem:$0xA800] =	vst v63  }
0x37: {  	s8 =	simm.s32 $0x5  }
0x38: {  	s15 =	simm.s32 $0x0;
	_ =	swait.ge [sflag:s8], $0x3400  }
0x39: {  	s7 =	smul.u32 $0x4F, s15;
	[sflag:s8] =	ssyncset.done $0x0  }
0x3a: {  	[sflag:s8] =	ssyncadd.s32 $0xFFFFCC00  }
0x3b: {  	s5 =	smul.u32 $0x1A, s5;
	s10 =	sadd.s32 $0xED, s7;
	s16 =	sadd.s32 $0x1A0, s0;
	v9 =	vld.idx.msk [tilespmem:v9+s3+$0x0], $0xffff  }
0x3c: {  	s24 =	sshrl.u32 s10, $0xB;
	v10 =	vadd.s32 s16, v1  }
0x3d: {  	s5 =	ssub.s32 $0x0, s5;
	s8 =	sand.u32 $0x1F, s24  }
0x3e: {  	s26 =	sadd.s32 $0x9E, s7;
	s5 =	sand.u32 $0xFF, s5;
	s8 =	smul.u32 $0x1A, s8  }
0x3f: {  	s7 =	sor.u32 s5, s12;
	s10 =	sshrl.u32 s26, $0xB  }
0x40: {  	v11 =	vadd.s32 s7, v1;
	s1 =	sand.u32 $0x1F, s10;
	s12 =	ssub.s32 $0x0, s8;
	[tilespmem:s17+$0x0] =	vst v9  }
0x41: {  	s15 =	sadd.s32 $0x340, s0;
	s16 =	smul.u32 $0xD00, s1;
	s5 =	sadd.s32 $0x3, s12;
	v9 =	vld.idx.msk [tilespmem:v10+s3+$0x0], $0xffff  }
0x42: {  	s5 =	sand.u32 $0xFF, s5;
	v10 =	vadd.s32 s15, v1  }
0x43: {  	s5 =	sor.u32 s5, s16  }
0x44: {  	s1 =	smul.u32 $0x1A, s1;
	v12 =	vadd.s32 s5, v1  }
0x45: {  	s26 =	sadd.s32 $0x1A0, s7;
	v11 =	vld.idx.msk [tilespmem:v11+s3+$0x0], $0xffff  }
0x46: {  	v13 =	vadd.s32 s26, v1;
	s1 =	ssub.s32 $0x2, s1;
	[tilespmem:s17+$0x10] =	vst v9  }
0x47: {  	s24 =	sadd.s32 $0x4E0, s0;
	s12 =	simm.s32 $0x2;
	s1 =	sand.u32 $0xFF, s1;
	v9 =	vld.idx.msk [tilespmem:v10+s3+$0x0], $0xffff  }
0x48: {  	s10 =	sor.u32 s1, s16;
	s15 =	smul.u32 $0x4F, s12;
	v10 =	vadd.s32 s24, v1  }
0x49: {  	v14 =	vadd.s32 s10, v1;
	s16 =	sadd.s32 $0x1A0, s5;
	v12 =	vld.idx.msk [tilespmem:v12+s3+$0x0], $0xffff  }
0x4a: {  	[tilespmem:s17+$0xFFFFFF80] =	vst v11;
	v11 =	vadd.s32 s16, v1;
	s24 =	sadd.s32 $0xED, s15  }
0x4b: {  	s26 =	sadd.s32 $0x340, s7;
	v13 =	vld.idx.msk [tilespmem:v13+s3+$0x0], $0xffff;
	s8 =	sshrl.u32 s24, $0xB  }
0x4c: {  	s28 =	simm.s32 $0x3580;
	v15 =	vadd.s32 s26, v1;
	s8 =	sand.u32 $0x1F, s8;
	[tilespmem:s17+$0x20] =	vst v9  }
0x4d: {  	s12 =	sadd.s32 $0x680, s0;
	s1 =	sadd.s32 $0x9E, s15;
	s8 =	smul.u32 $0x1A, s8;
	v9 =	vld.idx.msk [tilespmem:v10+s3+$0x0], $0xffff  }
0x4e: {  	s29 =	sadd.s32 $0x1A0, s10;
	s1 =	sshrl.u32 s1, $0xB;
	[tilespmem:s28+$0x0] =	vst v12;
	v12 =	vadd.s32 s12, v1;
	v10 =	vld.idx.msk [tilespmem:v14+s3+$0x0], $0xffff  }
0x4f: {  	s1 =	sand.u32 $0x1F, s1;
	v11 =	vld.idx.msk [tilespmem:v11+s3+$0x0], $0xffff;
	s15 =	sadd.s32 $0x340, s5;
	s8 =	ssub.s32 $0x2, s8;
	v14 =	vadd.s32 s29, v1  }
0x50: {  	[tilespmem:s17+$0xFFFFFF90] =	vst v13;
	s30 =	smul.u32 $0xD00, s1;
	v13 =	vadd.s32 s15, v1;
	s8 =	sadd.s32 $0x3, s8  }
0x51: {  	s16 =	sadd.s32 $0x4E0, s7;
	v15 =	vld.idx.msk [tilespmem:v15+s3+$0x0], $0xffff;
	s8 =	sand.u32 $0xFF, s8  }
0x52: {  	v16 =	vadd.s32 s16, v1;
	s1 =	smul.u32 $0x1A, s1;
	s29 =	sor.u32 s8, s30;
	[tilespmem:s17+$0x30] =	vst v9  }
0x53: {  	s26 =	sadd.s32 $0x820, s0;
	[tilespmem:s28+$0xFFFFFF80] =	vst v10;
	v10 =	vadd.s32 s29, v1;
	v9 =	vld.idx.msk [tilespmem:v12+s3+$0x0], $0xffff  }
0x54: {  	s12 =	sadd.s32 $0x340, s10;
	s1 =	ssub.s32 $0x4, s1;
	[tilespmem:s28+$0x10] =	vst v11;
	v11 =	vadd.s32 s26, v1;
	v12 =	vld.idx.msk [tilespmem:v14+s3+$0x0], $0xffff  }
0x55: {  	s16 =	sadd.s32 $0x4E0, s5;
	s15 =	simm.s32 $0x4;
	s1 =	sand.u32 $0xFF, s1;
	v13 =	vld.idx.msk [tilespmem:v13+s3+$0x0], $0xffff;
	v14 =	vadd.s32 s12, v1  }
0x56: {  	[tilespmem:s17+$0xFFFFFFA0] =	vst v15;
	v15 =	vadd.s32 s16, v1;
	s30 =	sor.u32 s1, s30;
	s1 =	smul.u32 $0x4F, s15  }
0x57: {  	s26 =	sadd.s32 $0x680, s7;
	v16 =	vld.idx.msk [tilespmem:v16+s3+$0x0], $0xffff;
	v17 =	vadd.s32 s30, v1  }
0x58: {  	v18 =	vadd.s32 s26, v1;
	s15 =	sadd.s32 $0xED, s1;
	s12 =	sadd.s32 $0x1A0, s29;
	v10 =	vld.idx.msk [tilespmem:v10+s3+$0x0], $0xffff;
	[tilespmem:s17+$0x40] =	vst v9  }
0x59: {  	s16 =	sadd.s32 $0x9C0, s0;
	s24 =	sshrl.u32 s15, $0xB;
	[tilespmem:s28+$0xFFFFFF90] =	vst v12;
	v9 =	vld.idx.msk [tilespmem:v11+s3+$0x0], $0xffff;
	v11 =	vadd.s32 s12, v1  }
0x5a: {  	s31 =	sadd.s32 $0x4E0, s10;
	[tilespmem:s28+$0x20] =	vst v13;
	v13 =	vadd.s32 s16, v1;
	s26 =	sand.u32 $0x1F, s24;
	v12 =	vld.idx.msk [tilespmem:v14+s3+$0x0], $0xffff  }
0x5b: {  	v15 =	vld.idx.msk [tilespmem:v15+s3+$0x0], $0xffff;
	s8 =	smul.u32 $0x1A, s26;
	v14 =	vadd.s32 s31, v1;
	s12 =	sadd.s32 $0x680, s5  }
0x5c: {  	[tilespmem:s17+$0xFFFFFFB0] =	vst v16;
	s26 =	sadd.s32 $0x1A0, s30;
	v16 =	vld.idx.msk [tilespmem:v17+s3+$0x0], $0xffff;
	s31 =	sadd.s32 $0x9E, s1;
	s1 =	simm.s32 $0x3680;
	v17 =	vadd.s32 s12, v1  }
0x5d: {  	v18 =	vld.idx.msk [tilespmem:v18+s3+$0x0], $0xffff;
	v19 =	vadd.s32 s26, v1;
	s15 =	sshrl.u32 s31, $0xB;
	[tilespmem:s1+$0x0] =	vst v10  }
0x5e: {  	s8 =	ssub.s32 $0x4, s8;
	s31 =	sadd.s32 $0x820, s7;
	s24 =	sand.u32 $0x1F, s15;
	v11 =	vld.idx.msk [tilespmem:v11+s3+$0x0], $0xffff;
	[tilespmem:s17+$0x50] =	vst v9  }
0x5f: {  	s16 =	sadd.s32 $0x340, s29;
	s8 =	sadd.s32 $0x3, s8;
	v10 =	vadd.s32 s31, v1;
	s31 =	smul.u32 $0xD00, s24;
	[tilespmem:s28+$0xFFFFFFA0] =	vst v12;
	v9 =	vld.idx.msk [tilespmem:v13+s3+$0x0], $0xffff  }
0x60: {  	s0 =	sadd.s32 $0xB60, s0;
	s8 =	sand.u32 $0xFF, s8;
	[tilespmem:s28+$0x30] =	vst v15;
	s24 =	smul.u32 $0x1A, s24;
	v12 =	vadd.s32 s16, v1;
	v13 =	vld.idx.msk [tilespmem:v14+s3+$0x0], $0xffff  }
0x61: {  	[tilespmem:s1+$0xFFFFFF80] =	vst v16;
	v14 =	vadd.s32 s0, v1;
	s0 =	sor.u32 s8, s31;
	v15 =	vld.idx.msk [tilespmem:v17+s3+$0x0], $0xffff  }
0x62: {  	s15 =	sadd.s32 $0x820, s5;
	s12 =	ssub.s32 $0x6, s24;
	v17 =	vld.idx.msk [tilespmem:v19+s3+$0x0], $0xffff;
	v16 =	vadd.s32 s0, v1  }
0x63: {  	[tilespmem:s17+$0xFFFFFFC0] =	vst v18;
	v18 =	vadd.s32 s15, v1;
	s16 =	sadd.s32 $0x340, s30;
	s8 =	sand.u32 $0xFF, s12  }
0x64: {  	v19 =	vadd.s32 s16, v1;
	s31 =	sor.u32 s8, s31;
	v10 =	vld.idx.msk [tilespmem:v10+s3+$0x0], $0xffff;
	[tilespmem:s1+$0x10] =	vst v11  }
0x65: {  	s24 =	sadd.s32 $0x4E0, s29;
	v11 =	vld.idx.msk [tilespmem:v12+s3+$0x0], $0xffff;
	[tilespmem:s17+$0x60] =	vst v9;
	v9 =	vadd.s32 s31, v1  }
0x66: {  	s26 =	sadd.s32 $0x680, s10;
	s15 =	simm.s32 $0x6;
	[tilespmem:s28+$0x40] =	vst v15;
	v12 =	vld.idx.msk [tilespmem:v14+s3+$0x0], $0xffff;
	v14 =	vadd.s32 s24, v1  }
0x67: {  	v20 =	vadd.s32 s26, v1;
	s26 =	sadd.s32 $0x820, s10;
	s12 =	sadd.s32 $0x9C0, s7;
	s8 =	smul.u32 $0x4F, s15;
	[tilespmem:s1+$0xFFFFFF90] =	vst v17;
	v16 =	vld.idx.msk [tilespmem:v16+s3+$0x0], $0xffff  }
0x68: {  	s7 =	sadd.s32 $0xB60, s7;
	s16 =	sadd.s32 $0x1A0, s0;
	s15 =	sadd.s32 $0xB60, s10;
	v15 =	vadd.s32 s12, v1;
	[tilespmem:s28+$0xFFFFFFB0] =	vst v13;
	v17 =	vld.idx.msk [tilespmem:v18+s3+$0x0], $0xffff  }
0x69: {  	s12 =	sadd.s32 $0x9C0, s10;
	v13 =	vadd.s32 s16, v1;
	s10 =	sadd.s32 $0x4E0, s30;
	s16 =	sadd.s32 $0xED, s8;
	v18 =	vld.idx.msk [tilespmem:v19+s3+$0x0], $0xffff;
	[tilespmem:s17+$0xFFFFFFD0] =	vst v10  }
0x6a: {  	s24 =	sadd.s32 $0x9C0, s5;
	v21 =	vadd.s32 s10, v1;
	s10 =	sadd.s32 $0x1A0, s31;
	s16 =	sshrl.u32 s16, $0xB;
	v19 =	vld.idx.msk [tilespmem:v9+s3+$0x0], $0xffff;
	[tilespmem:s1+$0x20] =	vst v11  }
0x6b: {  	s8 =	sadd.s32 $0x9E, s8;
	v22 =	vadd.s32 s10, v1;
	s16 =	sand.u32 $0x1F, s16;
	s10 =	simm.s32 $0x3780;
	v11 =	vadd.s32 s24, v1;
	v10 =	vld.idx.msk [tilespmem:v14+s3+$0x0], $0xffff;
	[tilespmem:s17+$0x70] =	vst v12  }
0x6c: {  	s8 =	sshrl.u32 s8, $0xB;
	s16 =	smul.u32 $0x1A, s16;
	s17 =	sadd.s32 $0x680, s29;
	v12 =	vld.idx.msk [tilespmem:v20+s3+$0x0], $0xffff;
	[tilespmem:s10+$0x0] =	vst v16  }
0x6d: {  	v24 =	vadd.s32 s7, v1;
	s7 =	sadd.s32 $0x820, s30;
	s8 =	sand.u32 $0x1F, s8;
	s24 =	sadd.s32 $0x680, s30;
	v15 =	vld.idx.msk [tilespmem:v15+s3+$0x0], $0xffff;
	[tilespmem:s28+$0x50] =	vst v17;
	v23 =	vadd.s32 s17, v1  }
0x6e: {  	v25 =	vadd.s32 s26, v1;
	s26 =	ssub.s32 $0x6, s16;
	s16 =	smul.u32 $0xD00, s8;
	v16 =	vadd.s32 s24, v1;
	s24 =	sadd.s32 $0x340, s0;
	[tilespmem:s1+$0xFFFFFFA0] =	vst v18;
	v26 =	vld.idx.msk [tilespmem:v13+s3+$0x0], $0xffff  }
0x6f: {  	s5 =	sadd.s32 $0xB60, s5;
	v9 =	vadd.s32 s15, v1;
	s15 =	sadd.s32 $0x340, s31;
	s8 =	smul.u32 $0x1A, s8;
	v28 =	vadd.s32 s24, v1;
	v21 =	vld.idx.msk [tilespmem:v21+s3+$0x0], $0xffff;
	[tilespmem:s10+$0xFFFFFF80] =	vst v19  }
0x70: {  	s26 =	sadd.s32 $0x3, s26;
	v20 =	vadd.s32 s15, v1;
	s15 =	sadd.s32 $0x820, s31;
	s17 =	sadd.s32 $0xB60, s30;
	v27 =	vld.idx.msk [tilespmem:v11+s3+$0x0], $0xffff;
	[tilespmem:s1+$0x30] =	vst v10  }
0x71: {  	v13 =	vadd.s32 s7, v1;
	s7 =	sand.u32 $0xFF, s26;
	s24 =	sadd.s32 $0x4E0, s31;
	v30 =	vld.idx.msk [tilespmem:v22+s3+$0x0], $0xffff;
	v10 =	vadd.s32 s17, v1;
	s17 =	simm.s32 $0x3480;
	[tilespmem:s28+$0xFFFFFFC0] =	vst v12  }
0x72: {  	s8 =	ssub.s32 $0x8, s8;
	v19 =	vadd.s32 s24, v1;
	s24 =	sadd.s32 $0x9C0, s31;
	v22 =	vadd.s32 s5, v1;
	s5 =	sor.u32 s7, s16;
	v33 =	vld.idx.msk [tilespmem:v23+s3+$0x0], $0xffff;
	[tilespmem:s17+$0xFFFFFFE0] =	vst v15  }
0x73: {  	s26 =	sadd.s32 $0x680, s31;
	s8 =	sand.u32 $0xFF, s8;
	v32 =	vadd.s32 s5, v1;
	v23 =	vld.idx.msk [tilespmem:v25+s3+$0x0], $0xffff;
	[tilespmem:s10+$0x10] =	vst v26;
	v15 =	vadd.s32 s24, v1;
	s24 =	sadd.s32 $0x820, s29  }
0x74: {  	v17 =	vadd.s32 s15, v1;
	v18 =	vadd.s32 s26, v1;
	s26 =	sadd.s32 $0xB60, s31;
	s15 =	sor.u32 s8, s16;
	v26 =	vld.idx.msk [tilespmem:v28+s3+$0x0], $0xffff;
	v28 =	vadd.s32 s24, v1  }
0x75: {  	v14 =	vadd.s32 s12, v1;
	s12 =	sadd.s32 $0x9C0, s30;
	v12 =	vadd.s32 s26, v1;
	s26 =	sadd.s32 $0x340, s15;
	[tilespmem:s1+$0xFFFFFFB0] =	vst v21;
	v25 =	vld.idx.msk [tilespmem:v24+s3+$0x0], $0xffff  }
0x76: {  	s30 =	simm.s32 $0x3480;
	v11 =	vadd.s32 s12, v1;
	v29 =	vadd.s32 s15, v1;
	s12 =	sadd.s32 $0x4E0, s15;
	s16 =	sadd.s32 $0x4E0, s0;
	v31 =	vadd.s32 s26, v1;
	[tilespmem:s28+$0x60] =	vst v27  }
0x77: {  	s8 =	sadd.s32 $0x1A0, s15;
	s31 =	sadd.s32 $0xB60, s15;
	s26 =	sadd.s32 $0x680, s15;
	v21 =	vadd.s32 s12, v1;
	v27 =	vld.idx.msk [tilespmem:v22+s3+$0x0], $0xffff;
	[tilespmem:s10+$0xFFFFFF90] =	vst v30;
	v30 =	vadd.s32 s16, v1  }
0x78: {  	s7 =	simm.s32 $0x8;
	s24 =	sadd.s32 $0x820, s15;
	v24 =	vadd.s32 s26, v1;
	v22 =	vadd.s32 s8, v1;
	s8 =	sadd.s32 $0x9C0, s15;
	v32 =	vld.idx.msk [tilespmem:v32+s3+$0x0], $0xffff;
	[tilespmem:s1+$0x40] =	vst v33  }
.LBB2_2:
0x79: {  	s12 =	smul.u32 $0x4F, s7;
	v33 =	vadd.s32 s24, v1;
	v34 =	vadd.s32 s8, v1;
	s8 =	sadd.s32 $0x1A0, s5;
	v28 =	vld.idx.msk [tilespmem:v28+s3+$0x0], $0xffff;
	[tilespmem:s28+$0xFFFFFFD0] =	vst v23  }
0x7a: {  	v35 =	vadd.s32 s31, v1;
	v23 =	vadd.s32 s8, v1;
	v36 =	vld.idx.msk [tilespmem:v20+s3+$0x0], $0xffff;
	s8 =	sadd.s32 $0x9C0, s29;
	[tilespmem:s30+$0xFFFFFFF0] =	vst v25;
	v20 =	vmov v31;
	s30 =	smov.u32 s28;
	s28 =	smov.u32 s1  }
0x7b: {  	s1 =	smov.u32 s10;
	s15 =	sadd.s32 $0xED, s12;
	v25 =	vld.idx.msk [tilespmem:v29+s3+$0x0], $0xffff;
	[tilespmem:s10+$0x20] =	vst v26;
	v26 =	vadd.s32 s8, v1  }
0x7c: {  	s8 =	sshrl.u32 s15, $0xB;
	v29 =	vld.idx.msk [tilespmem:v30+s3+$0x0], $0xffff;
	[tilespmem:s30+$0x70] =	vst v27  }
0x7d: {  	s10 =	sadd.s32 $0x100, s10;
	s15 =	sadd.s32 $0x680, s0;
	s8 =	sand.u32 $0x1F, s8;
	v27 =	vld.idx.msk [tilespmem:v16+s3+$0x0], $0xffff;
	v16 =	vmov v18;
	v18 =	vmov v24  }
0x7e: {  	s12 =	sadd.s32 $0x9E, s12;
	v24 =	vadd.s32 s15, v1;
	s8 =	smul.u32 $0x1A, s8;
	[tilespmem:s10+$0x0] =	vst v32;
	v30 =	vld.idx.msk [tilespmem:v14+s3+$0x0], $0xffff;
	v14 =	vmovc v11;
	v11 =	vmov v15;
	v15 =	vmov v34  }
0x7f: {  	s12 =	sshrl.u32 s12, $0xB;
	v31 =	vld.idx.msk [tilespmem:v23+s3+$0x0], $0xffff;
	[tilespmem:s28+$0x50] =	vst v28  }
0x80: {  	s12 =	sand.u32 $0x1F, s12;
	s15 =	sadd.s32 $0x340, s5;
	s8 =	ssub.s32 s7, s8;
	[tilespmem:s1+$0xFFFFFFA0] =	vst v36;
	v32 =	vld.idx.msk [tilespmem:v26+s3+$0x0], $0xffff  }
0x81: {  	s16 =	smul.u32 $0xD00, s12;
	v26 =	vadd.s32 s15, v1;
	s15 =	sadd.s32 $0xB60, s29;
	s8 =	sadd.s32 $0x3, s8;
	[tilespmem:s10+$0xFFFFFF80] =	vst v25;
	v34 =	vld.idx.msk [tilespmem:v19+s3+$0x0], $0xffff;
	v19 =	vmov v21  }
0x82: {  	s12 =	smul.u32 $0x1A, s12;
	s29 =	smov.u32 s0;
	s8 =	sand.u32 $0xFF, s8;
	v21 =	vld.idx.msk [tilespmem:v22+s3+$0x0], $0xffff;
	[tilespmem:s1+$0x30] =	vst v29;
	v22 =	vadd.s32 s15, v1  }
0x83: {  	s7 =	sadd.s32 $0x2, s7;
	s0 =	smov.u32 s5;
	v36 =	vld.idx.msk [tilespmem:v24+s3+$0x0], $0xffff;
	[tilespmem:s28+$0xFFFFFFC0] =	vst v27;
	s5 =	sor.u32 s8, s16  }
0x84: {  	p0 =	slt.u32 s7, $0x66;
	s8 =	ssub.s32 s7, s12;
	s12 =	sadd.s32 $0x820, s29;
	v37 =	vadd.s32 s5, v1;
	v23 =	vld.idx.msk [tilespmem:v13+s3+$0x0], $0xffff;
	[tilespmem:s30+$0xFFFFFFE0] =	vst v30;
	v13 =	vmov v17;
	v17 =	vmov v33  }
.Ltmp2:
0x85: {  	s8 =	sand.u32 $0xFF, s8;
	v28 =	vadd.s32 s12, v1;
	[tilespmem:s10+$0x10] =	vst v31;
	v25 =	vld.idx.msk [tilespmem:v9+s3+$0x0], $0xffff;
	v9 =	vmovc v10;
	v10 =	vmov v12;
	v12 =	vmov v35;
	(pc) =	sbr.rel @p0 .LBB2_2-.Ltmp2, $4  }
0x86: {  	s12 =	sor.u32 s8, s16;
	v26 =	vld.idx.msk [tilespmem:v26+s3+$0x0], $0xffff;
	[tilespmem:s28+$0x60] =	vst v32  }
0x87: {  	s16 =	sadd.s32 $0x4E0, s0;
	v29 =	vadd.s32 s12, v1;
	s8 =	sadd.s32 $0x1A0, s12;
	s15 =	sadd.s32 $0x340, s12;
	[tilespmem:s1+$0xFFFFFFB0] =	vst v34;
	v27 =	vld.idx.msk [tilespmem:v22+s3+$0x0], $0xffff  }
0x88: {  	s24 =	sadd.s32 $0x820, s12;
	v30 =	vadd.s32 s16, v1;
	v22 =	vadd.s32 s8, v1;
	v31 =	vadd.s32 s15, v1;
	s8 =	sadd.s32 $0x4E0, s12;
	s15 =	sadd.s32 $0x680, s12;
	[tilespmem:s10+$0xFFFFFF90] =	vst v21  }
0x89: {  	s31 =	sadd.s32 $0xB60, s12;
	v21 =	vadd.s32 s8, v1;
	v24 =	vadd.s32 s15, v1;
	s8 =	sadd.s32 $0x9C0, s12;
	v32 =	vld.idx.msk [tilespmem:v37+s3+$0x0], $0xffff;
	[tilespmem:s1+$0x40] =	vst v36  }
0x8a: {  	_ =	sdelay $0x2  }
0x8b: {  	s7 =	sadd.s32 $0x1A0, s5  }
0x8c: {  	v29 =	vld.idx.msk [tilespmem:v29+s3+$0x0], $0xffff;
	v33 =	vadd.s32 s7, v1;
	_ =	sdelay $0x2  }
0x8d: {  	s7 =	sadd.s32 $0x100, s10  }
0x8e: {  	[tilespmem:s7+$0x0] =	vst v32  }
0x8f: {  	s12 =	sadd.s32 $0x340, s5;
	[tilespmem:s7+$0xFFFFFF80] =	vst v29;
	v32 =	vld.idx.msk [tilespmem:v33+s3+$0x0], $0xffff  }
0x90: {  	v41 =	vadd.s32 s12, v1;
	v22 =	vld.idx.msk [tilespmem:v22+s3+$0x0], $0xffff;
	_ =	sdelay $0x3  }
0x91: {  	v20 =	vld.idx.msk [tilespmem:v20+s3+$0x0], $0xffff;
	[tilespmem:s7+$0x10] =	vst v32  }
0x92: {  	s26 =	sadd.s32 $0x4E0, s5;
	[tilespmem:s7+$0xFFFFFF90] =	vst v22;
	v29 =	vld.idx.msk [tilespmem:v41+s3+$0x0], $0xffff  }
0x93: {  	[tilespmem:s28+$0xFFFFFFD0] =	vst v23;
	v42 =	vadd.s32 s26, v1;
	v43 =	vld.idx.msk [tilespmem:v31+s3+$0x0], $0xffff  }
0x94: {  	[tilespmem:s30+$0xFFFFFFF0] =	vst v25  }
0x95: {  	v44 =	vld.idx.msk [tilespmem:v28+s3+$0x0], $0xffff;
	[tilespmem:s10+$0x20] =	vst v26  }
0x96: {  	s30 =	sadd.s32 $0x680, s0;
	v26 =	vld.idx.msk [tilespmem:v30+s3+$0x0], $0xffff;
	[tilespmem:s10+$0xFFFFFFA0] =	vst v20  }
0x97: {  	v45 =	vadd.s32 s30, v1;
	v19 =	vld.idx.msk [tilespmem:v19+s3+$0x0], $0xffff;
	[tilespmem:s7+$0x20] =	vst v29  }
0x98: {  	s15 =	sadd.s32 $0x680, s5;
	[tilespmem:s7+$0xFFFFFFA0] =	vst v43;
	v22 =	vld.idx.msk [tilespmem:v42+s3+$0x0], $0xffff  }
0x99: {  	v46 =	vadd.s32 s15, v1;
	[tilespmem:s28+$0x70] =	vst v27;
	v21 =	vld.idx.msk [tilespmem:v21+s3+$0x0], $0xffff  }
0x9a: {  	s16 =	sadd.s32 $0x9C0, s29;
	v16 =	vld.idx.msk [tilespmem:v16+s3+$0x0], $0xffff;
	[tilespmem:s1+$0x50] =	vst v44  }
0x9b: {  	v47 =	vadd.s32 s16, v1;
	v14 =	vld.idx.msk [tilespmem:v14+s3+$0x0], $0xffff;
	[tilespmem:s10+$0x30] =	vst v26  }
0x9c: {  	s26 =	sadd.s32 $0x820, s0;
	v20 =	vld.idx.msk [tilespmem:v45+s3+$0x0], $0xffff;
	[tilespmem:s10+$0xFFFFFFB0] =	vst v19  }
0x9d: {  	v48 =	vadd.s32 s26, v1;
	v18 =	vld.idx.msk [tilespmem:v18+s3+$0x0], $0xffff;
	[tilespmem:s7+$0x30] =	vst v22  }
0x9e: {  	s30 =	sadd.s32 $0x820, s5;
	[tilespmem:s7+$0xFFFFFFB0] =	vst v21;
	v22 =	vld.idx.msk [tilespmem:v46+s3+$0x0], $0xffff  }
0x9f: {  	v49 =	vadd.s32 s30, v1;
	[tilespmem:s1+$0xFFFFFFC0] =	vst v16;
	v50 =	vld.idx.msk [tilespmem:v24+s3+$0x0], $0xffff  }
0xa0: {  	v51 =	vadd.s32 s24, v1;
	v52 =	vld.idx.msk [tilespmem:v47+s3+$0x0], $0xffff;
	[tilespmem:s28+$0xFFFFFFE0] =	vst v14  }
0xa1: {  	v13 =	vld.idx.msk [tilespmem:v13+s3+$0x0], $0xffff;
	[tilespmem:s10+$0x40] =	vst v20  }
0xa2: {  	s15 =	sadd.s32 $0x9C0, s0;
	v53 =	vld.idx.msk [tilespmem:v48+s3+$0x0], $0xffff;
	[tilespmem:s10+$0xFFFFFFC0] =	vst v18  }
0xa3: {  	v54 =	vadd.s32 s15, v1;
	v17 =	vld.idx.msk [tilespmem:v17+s3+$0x0], $0xffff;
	[tilespmem:s7+$0x40] =	vst v22  }
0xa4: {  	s16 =	sadd.s32 $0x9C0, s5;
	[tilespmem:s7+$0xFFFFFFC0] =	vst v50;
	v55 =	vld.idx.msk [tilespmem:v49+s3+$0x0], $0xffff  }
0xa5: {  	v56 =	vadd.s32 s16, v1;
	[tilespmem:s1+$0x60] =	vst v52;
	v57 =	vld.idx.msk [tilespmem:v51+s3+$0x0], $0xffff  }
0xa6: {  	v58 =	vadd.s32 s8, v1;
	s24 =	sadd.s32 $0xB60, s29;
	v9 =	vld.idx.msk [tilespmem:v9+s3+$0x0], $0xffff;
	[tilespmem:s1+$0xFFFFFFD0] =	vst v13  }
0xa7: {  	v59 =	vadd.s32 s24, v1;
	v11 =	vld.idx.msk [tilespmem:v11+s3+$0x0], $0xffff;
	[tilespmem:s10+$0x50] =	vst v53  }
0xa8: {  	s26 =	sadd.s32 $0xB60, s0;
	v14 =	vld.idx.msk [tilespmem:v54+s3+$0x0], $0xffff;
	[tilespmem:s10+$0xFFFFFFD0] =	vst v17  }
0xa9: {  	v60 =	vadd.s32 s26, v1;
	v15 =	vld.idx.msk [tilespmem:v15+s3+$0x0], $0xffff;
	[tilespmem:s7+$0x50] =	vst v55  }
0xaa: {  	s30 =	sadd.s32 $0xB60, s5;
	[tilespmem:s7+$0xFFFFFFD0] =	vst v57;
	v16 =	vld.idx.msk [tilespmem:v56+s3+$0x0], $0xffff  }
0xab: {  	[tilespmem:s28+$0xFFFFFFF0] =	vst v9;
	v9 =	vadd.s32 s30, v1;
	v61 =	vld.idx.msk [tilespmem:v58+s3+$0x0], $0xffff  }
0xac: {  	v62 =	vadd.s32 s31, v1;
	v13 =	vld.idx.msk [tilespmem:v59+s3+$0x0], $0xffff;
	[tilespmem:s1+$0xFFFFFFE0] =	vst v11  }
0xad: {  	v10 =	vld.idx.msk [tilespmem:v10+s3+$0x0], $0xffff;
	[tilespmem:s10+$0x60] =	vst v14  }
0xae: {  	v11 =	vld.idx.msk [tilespmem:v60+s3+$0x0], $0xffff;
	[tilespmem:s10+$0xFFFFFFE0] =	vst v15  }
0xaf: {  	v12 =	vld.idx.msk [tilespmem:v12+s3+$0x0], $0xffff;
	[tilespmem:s7+$0x60] =	vst v16  }
0xb0: {  	[tilespmem:s7+$0xFFFFFFE0] =	vst v61;
	v9 =	vld.idx.msk [tilespmem:v9+s3+$0x0], $0xffff  }
0xb1: {  	[tilespmem:s1+$0x70] =	vst v13;
	v63 =	vld.idx.msk [tilespmem:v62+s3+$0x0], $0xffff  }
0xb2: {  	[tilespmem:s1+$0xFFFFFFF0] =	vst v10  }
0xb3: {  	[tilespmem:s10+$0x70] =	vst v11  }
0xb4: {  	[tilespmem:s10+$0xFFFFFFF0] =	vst v12  }
0xb5: {  	[tilespmem:s7+$0x70] =	vst v9  }
0xb6: {  	s31 =	simm.s32 $0x3400;
	s29 =	simm.s32 $0x0;
	s12 =	simm.s32 $0x8800;
	[tilespmem:s7+$0xFFFFFFF0] =	vst v63  }
0xb7: {  	[tilespmem:s11], [sflag:$0x1] =	stream.indirect.gather [hbm4b:s4+s9], $0x20, s31, s9, $0xb8;
	[tilespmem:$0xA800] =	vst v63  }
0xb8: {  	s15 =	simm.s32 $0x8C00;
	s16 =	simm.s32 $0x9000;
	s28 =	simm.s32 $0x0  }
0xb9: {  	[tilespmem:s13], [sflag:$0x2] =	stream.indirect.gather [hbm4b:s4+s9], $0x20, s17, s9, $0xb8;
	[tilespmem:$0xA800] =	vst v63  }
.LBB2_4:
0xba: {  	p0 =	seq.s32 s29, $0x0  }
0xbb: {  	s0 =	simm.s32 @!p0 $0x3  }
0xbc: {  	_ =	swait.ge @!p0 [sflag:s0], $0x400  }
0xbd: {  	[sflag:s0] =	ssyncset.done @!p0 $0x0  }
0xbe: {  	[sflag:s0] =	ssyncadd.s32 @!p0 $0xFFFFFC00  }
0xbf: {  	_ =	swait.ge @!p0 [sflag:s0], $0x400  }
0xc0: {  	[sflag:s0] =	ssyncset.done @!p0 $0x0  }
0xc1: {  	s1 =	simm.s32 $0x3;
	[sflag:s0] =	ssyncadd.s32 @!p0 $0xFFFFFC00  }
0xc2: {  	s5 =	simm.s32 $0x1;
	v9 =	vmov s1;
	_ =	swait.ge @!p0 [sflag:s0], $0x400  }
0xc3: {  	s24 =	simm.s32 $0x2;
	v10 =	vmov s5;
	v9 =	vand.u32 $0x1F, v9;
	[sflag:s0] =	ssyncset.done @!p0 $0x0  }
0xc4: {  	v11 =	vmov s24;
	v10 =	vand.u32 $0x1D, v10;
	v15 =	vbroadcast v9, $0x0;
	[sflag:s0] =	ssyncadd.s32 @!p0 $0xFFFFFC00  }
0xc5: {  	v18 =	vbroadcast v10, $0x0;
	v9 =	vand.u32 $0x1E, v11;
	v10 =	vmov s28;
	_ =	swait.ge @!p0 [sflag:s0], $0x400  }
0xc6: {  	v17 =	vbroadcast v9, $0x0;
	v10 =	vand.u32 $0x1C, v10;
	v9 =	vor.u32 v0, v15;
	[sflag:s0] =	ssyncset.done @!p0 $0x0  }
0xc7: {  	v11 =	vor.u32 v0, v18;
	v13 =	vbroadcast v10, $0x0;
	[sflag:s0] =	ssyncadd.s32 @!p0 $0xFFFFFC00  }
0xc8: {  	v10 =	vor.u32 v0, v17;
	_ =	swait.ge [sflag:s14], $0x1000  }
0xc9: {  	v12 =	vor.u32 v0, v13;
	[sflag:s14] =	ssyncset.done $0x0  }
0xca: {  	[sflag:s14] =	ssyncadd.s32 $0xFFFFF000  }
0xcb: {  	v9 =	vld.idx.msk [tilespmem:v9+s11+$0x0], $0xffff  }
0xcc: {  	v14 =	vor.u32 v2, v15;
	v11 =	vld.idx.msk [tilespmem:v11+s11+$0x0], $0xffff  }
0xcd: {  	v16 =	vor.u32 v2, v18;
	v10 =	vld.idx.msk [tilespmem:v10+s11+$0x0], $0xffff  }
0xce: {  	v19 =	vor.u32 v2, v17;
	v12 =	vld.idx.msk [tilespmem:v12+s11+$0x0], $0xffff  }
0xcf: {  	s1 =	simm.s32 $0x8900;
	v20 =	vor.u32 v2, v13  }
0xd0: {  	[tilespmem:s1+$0x80] =	vst v9  }
0xd1: {  	[tilespmem:s1+$0xFFFFFF80] =	vst v11;
	v9 =	vld.idx.msk [tilespmem:v14+s11+$0x0], $0xffff  }
0xd2: {  	[tilespmem:s1+$0x0] =	vst v10;
	v10 =	vor.u32 v3, v15;
	v11 =	vld.idx.msk [tilespmem:v16+s11+$0x0], $0xffff  }
0xd3: {  	[tilespmem:s1+$0xFFFFFF00] =	vst v12;
	v14 =	vld.idx.msk [tilespmem:v19+s11+$0x0], $0xffff;
	v16 =	vor.u32 v3, v18  }
0xd4: {  	v12 =	vor.u32 v3, v17;
	v19 =	vld.idx.msk [tilespmem:v20+s11+$0x0], $0xffff  }
0xd5: {  	v20 =	vor.u32 v3, v13  }
0xd6: {  	[tilespmem:s1+$0x90] =	vst v9  }
0xd7: {  	s26 =	simm.s32 $0x4;
	[tilespmem:s1+$0xFFFFFF90] =	vst v11;
	v11 =	vld.idx.msk [tilespmem:v10+s11+$0x0], $0xffff  }
0xd8: {  	s5 =	simm.s32 $0x5;
	v9 =	vmov s26;
	[tilespmem:s1+$0x10] =	vst v14;
	v14 =	vor.u32 v4, v15;
	v16 =	vld.idx.msk [tilespmem:v16+s11+$0x0], $0xffff  }
0xd9: {  	v21 =	vor.u32 v4, v18;
	[tilespmem:s1+$0xFFFFFF10] =	vst v19;
	v9 =	vand.u32 $0x1C, v9;
	v10 =	vmov s5;
	v12 =	vld.idx.msk [tilespmem:v12+s11+$0x0], $0xffff  }
0xda: {  	v19 =	vor.u32 v4, v17;
	v20 =	vld.idx.msk [tilespmem:v20+s11+$0x0], $0xffff;
	v9 =	vbroadcast v9, $0x0;
	v10 =	vand.u32 $0x1D, v10  }
0xdb: {  	v23 =	vor.u32 v4, v13;
	v10 =	vbroadcast v10, $0x0  }
0xdc: {  	s7 =	simm.s32 $0x7;
	v22 =	vor.u32 v0, v9;
	[tilespmem:s1+$0xA0] =	vst v11  }
0xdd: {  	s8 =	simm.s32 $0x6;
	v24 =	vor.u32 v0, v10;
	[tilespmem:s1+$0xFFFFFFA0] =	vst v16;
	v11 =	vmov s7;
	v16 =	vld.idx.msk [tilespmem:v14+s11+$0x0], $0xffff  }
0xde: {  	v26 =	vmov s8;
	[tilespmem:s1+$0x20] =	vst v12;
	v12 =	vor.u32 v5, v15;
	v21 =	vld.idx.msk [tilespmem:v21+s11+$0x0], $0xffff;
	v11 =	vand.u32 $0x1F, v11  }
0xdf: {  	v25 =	vor.u32 v5, v18;
	[tilespmem:s1+$0xFFFFFF20] =	vst v20;
	v19 =	vld.idx.msk [tilespmem:v19+s11+$0x0], $0xffff;
	v14 =	vbroadcast v11, $0x0;
	v11 =	vand.u32 $0x1E, v26  }
0xe0: {  	v20 =	vor.u32 v5, v17;
	v23 =	vld.idx.msk [tilespmem:v23+s11+$0x0], $0xffff;
	v11 =	vbroadcast v11, $0x0  }
0xe1: {  	v22 =	vld.idx.msk [tilespmem:v22+s11+$0x0], $0xffff;
	v26 =	vor.u32 v0, v14  }
0xe2: {  	v24 =	vld.idx.msk [tilespmem:v24+s11+$0x0], $0xffff;
	v27 =	vor.u32 v0, v11;
	[tilespmem:s1+$0xB0] =	vst v16  }
0xe3: {  	s5 =	simm.s32 $0x8;
	v16 =	vor.u32 v5, v13;
	[tilespmem:s1+$0xFFFFFFB0] =	vst v21;
	v21 =	vld.idx.msk [tilespmem:v12+s11+$0x0], $0xffff  }
0xe4: {  	[tilespmem:s1+$0x30] =	vst v19;
	v19 =	vor.u32 v6, v15;
	v12 =	vmov s5;
	v25 =	vld.idx.msk [tilespmem:v25+s11+$0x0], $0xffff  }
0xe5: {  	v28 =	vor.u32 v6, v18;
	v20 =	vld.idx.msk [tilespmem:v20+s11+$0x0], $0xffff;
	v12 =	vand.u32 $0x1C, v12  }
0xe6: {  	[tilespmem:s1+$0xFFFFFF30] =	vst v23;
	v12 =	vbroadcast v12, $0x0;
	v23 =	vld.idx.msk [tilespmem:v26+s11+$0x0], $0xffff;
	v26 =	vor.u32 v6, v17  }
0xe7: {  	v31 =	vor.u32 v2, v14;
	v27 =	vld.idx.msk [tilespmem:v27+s11+$0x0], $0xffff  }
0xe8: {  	v29 =	vor.u32 v0, v12;
	v30 =	vld.idx.msk [tilespmem:v16+s11+$0x0], $0xffff;
	[tilespmem:s1+$0xC0] =	vst v21  }
0xe9: {  	v21 =	vor.u32 v2, v10;
	[tilespmem:s1+$0xFFFFFFC0] =	vst v25;
	v19 =	vld.idx.msk [tilespmem:v19+s11+$0x0], $0xffff  }
0xea: {  	s30 =	simm.s32 $0x8B00;
	v25 =	vor.u32 v2, v11;
	[tilespmem:s1+$0x40] =	vst v20;
	v28 =	vld.idx.msk [tilespmem:v28+s11+$0x0], $0xffff  }
0xeb: {  	v20 =	vld.idx.msk [tilespmem:v26+s11+$0x0], $0xffff;
	v26 =	vor.u32 v7, v15;
	[tilespmem:s30+$0x80] =	vst v23  }
0xec: {  	[tilespmem:s30+$0xFFFFFF80] =	vst v24;
	v24 =	vor.u32 v6, v13;
	v23 =	vld.idx.msk [tilespmem:v31+s11+$0x0], $0xffff  }
0xed: {  	[tilespmem:s30+$0xFFFFFF00] =	vst v22;
	v16 =	vld.idx.msk [tilespmem:v29+s11+$0x0], $0xffff;
	v29 =	vor.u32 v2, v9  }
0xee: {  	[tilespmem:s30+$0x0] =	vst v27;
	v27 =	vor.u32 v7, v18;
	v21 =	vld.idx.msk [tilespmem:v21+s11+$0x0], $0xffff  }
0xef: {  	v22 =	vor.u32 v3, v10;
	v25 =	vld.idx.msk [tilespmem:v25+s11+$0x0], $0xffff;
	[tilespmem:s1+$0xD0] =	vst v19  }
0xf0: {  	v31 =	vor.u32 v3, v14;
	[tilespmem:s1+$0xFFFFFF40] =	vst v30;
	v26 =	vld.idx.msk [tilespmem:v26+s11+$0x0], $0xffff  }
0xf1: {  	v15 =	vor.u32 v8, v15;
	v30 =	vld.idx.msk [tilespmem:v24+s11+$0x0], $0xffff  }
0xf2: {  	v32 =	vor.u32 v3, v11;
	[tilespmem:s1+$0xFFFFFFD0] =	vst v28;
	v29 =	vld.idx.msk [tilespmem:v29+s11+$0x0], $0xffff  }
0xf3: {  	v24 =	vor.u32 v3, v9;
	v19 =	vld.idx.msk [tilespmem:v27+s11+$0x0], $0xffff;
	[tilespmem:s30+$0xFFFFFF90] =	vst v21  }
0xf4: {  	s7 =	simm.s32 $0x9;
	[tilespmem:s30+$0x90] =	vst v23;
	v28 =	vld.idx.msk [tilespmem:v22+s11+$0x0], $0xffff;
	v22 =	vor.u32 v7, v13  }
0xf5: {  	s10 =	smul.u32 $0x9E, s29;
	v23 =	vld.idx.msk [tilespmem:v31+s11+$0x0], $0xffff;
	v21 =	vor.u32 v7, v17;
	[tilespmem:s1+$0xE0] =	vst v26;
	v26 =	vmov s7  }
0xf6: {  	v63 =	vor.u32 v4, v14;
	[tilespmem:s30+$0x10] =	vst v25;
	v25 =	vld.idx.msk [tilespmem:v15+s11+$0x0], $0xffff;
	v15 =	vand.u32 $0x1D, v26  }
0xf7: {  	s0 =	sshrl.u32 s10, $0xB;
	v31 =	vld.idx.msk [tilespmem:v32+s11+$0x0], $0xffff;
	[tilespmem:s30+$0xFFFFFF10] =	vst v29;
	v29 =	vor.u32 v4, v10;
	v15 =	vbroadcast v15, $0x0  }
0xf8: {  	s24 =	smul.u32 $0x4F, s29;
	s0 =	sand.u32 $0x1F, s0;
	[tilespmem:s1+$0xFFFFFF50] =	vst v30;
	v30 =	vor.u32 v4, v11;
	v24 =	vld.idx.msk [tilespmem:v24+s11+$0x0], $0xffff  }
0xf9: {  	s8 =	smul.u32 $0x1A, s0;
	[tilespmem:s1+$0x50] =	vst v20;
	v20 =	vld.idx.msk [tilespmem:v22+s11+$0x0], $0xffff;
	v22 =	vor.u32 v0, v15  }
0xfa: {  	s0 =	sshll.u32 s29, $0x1;
	v27 =	vor.u32 v4, v9;
	[tilespmem:s30+$0xA0] =	vst v23;
	v21 =	vld.idx.msk [tilespmem:v21+s11+$0x0], $0xffff  }
0xfb: {  	s26 =	ssub.s32 s0, s8;
	s8 =	simm.s32 $0xB;
	s7 =	sshrl.u32 s24, $0xA;
	v23 =	vld.idx.msk [tilespmem:v63+s11+$0x0], $0xffff;
	[tilespmem:s30+$0xFFFFFFA0] =	vst v28;
	v28 =	vor.u32 v8, v18  }
0xfc: {  	s10 =	sand.u32 $0xFE, s26;
	s31 =	sand.u32 $0x3F, s7;
	s7 =	simm.s32 $0xC;
	[tilespmem:s30+$0x20] =	vst v31;
	v26 =	vld.idx.msk [tilespmem:v29+s11+$0x0], $0xffff;
	v29 =	vor.u32 v8, v17  }
.LBB2_5:
0xfd: {  	p0 =	slt.u32 s7, $0x1C;
	v17 =	vmov s8;
	v18 =	vld.idx.msk [tilespmem:v30+s11+$0x0], $0xffff;
	v30 =	vor.u32 v5, v14;
	[tilespmem:s1+$0xF0] =	vst v25  }
0xfe: {  	s8 =	sadd.s32 $0x2, s5;
	s5 =	smov.u32 s7;
	v22 =	vld.idx.msk [tilespmem:v22+s11+$0x0], $0xffff;
	v17 =	vand.u32 $0x1F, v17;
	[tilespmem:s30+$0xFFFFFF20] =	vst v24;
	v24 =	vor.u32 v5, v10  }
0xff: {  	v31 =	vor.u32 v5, v11;
	v25 =	vmov s8;
	v17 =	vbroadcast v17, $0x0;
	v27 =	vld.idx.msk [tilespmem:v27+s11+$0x0], $0xffff;
	[tilespmem:s1+$0xFFFFFFE0] =	vst v19  }
0x100: {  	v19 =	vand.u32 $0x1E, v25;
	v25 =	vor.u32 v8, v13;
	v13 =	vmovc v9;
	v9 =	vmov v12;
	v28 =	vld.idx.msk [tilespmem:v28+s11+$0x0], $0xffff;
	[tilespmem:s1+$0x60] =	vst v21  }
0x101: {  	v32 =	vbroadcast v19, $0x0;
	v19 =	vor.u32 v0, v17;
	[tilespmem:s30+$0xB0] =	vst v23;
	v21 =	vld.idx.msk [tilespmem:v29+s11+$0x0], $0xffff  }
0x102: {  	v23 =	vor.u32 v5, v13;
	[tilespmem:s30+$0xFFFFFFB0] =	vst v26;
	v26 =	vld.idx.msk [tilespmem:v30+s11+$0x0], $0xffff  }
0x103: {  	v12 =	vmov s7;
	v29 =	vor.u32 v0, v32;
	v24 =	vld.idx.msk [tilespmem:v24+s11+$0x0], $0xffff;
	[tilespmem:s30+$0x30] =	vst v18  }
0x104: {  	v12 =	vand.u32 $0x1C, v12;
	v30 =	vor.u32 v6, v14;
	v18 =	vld.idx.msk [tilespmem:v31+s11+$0x0], $0xffff;
	[tilespmem:s1+$0xFFFFFF60] =	vst v20  }
0x105: {  	v12 =	vbroadcast v12, $0x0;
	v20 =	vor.u32 v6, v10;
	[tilespmem:s30+$0xFFFFFF30] =	vst v27;
	v25 =	vld.idx.msk [tilespmem:v25+s11+$0x0], $0xffff  }
0x106: {  	v27 =	vor.u32 v6, v11;
	v19 =	vld.idx.msk [tilespmem:v19+s11+$0x0], $0xffff;
	[tilespmem:s1+$0xFFFFFFF0] =	vst v28  }
0x107: {  	v28 =	vor.u32 v0, v12;
	v23 =	vld.idx.msk [tilespmem:v23+s11+$0x0], $0xffff;
	[tilespmem:s1+$0x70] =	vst v21  }
0x108: {  	v21 =	vld.idx.msk [tilespmem:v29+s11+$0x0], $0xffff;
	v29 =	vor.u32 v2, v17;
	[tilespmem:s30+$0xC0] =	vst v26  }
0x109: {  	v26 =	vor.u32 v2, v15;
	[tilespmem:s30+$0xFFFFFFC0] =	vst v24;
	v24 =	vld.idx.msk [tilespmem:v30+s11+$0x0], $0xffff  }
0x10a: {  	v30 =	vor.u32 v2, v32;
	v20 =	vld.idx.msk [tilespmem:v20+s11+$0x0], $0xffff;
	[tilespmem:s30+$0x40] =	vst v18  }
0x10b: {  	v18 =	vld.idx.msk [tilespmem:v27+s11+$0x0], $0xffff;
	v27 =	vor.u32 v7, v14;
	[tilespmem:s1+$0xFFFFFF70] =	vst v25;
	s1 =	smov.u32 s30;
	s30 =	sadd.s32 $0x200, s30  }
0x10c: {  	v25 =	vld.idx.msk [tilespmem:v28+s11+$0x0], $0xffff;
	v28 =	vor.u32 v2, v9;
	[tilespmem:s30+$0x80] =	vst v19  }
0x10d: {  	[tilespmem:s30+$0xFFFFFF80] =	vst v22;
	v19 =	vld.idx.msk [tilespmem:v29+s11+$0x0], $0xffff;
	v22 =	vor.u32 v6, v13  }
0x10e: {  	v26 =	vld.idx.msk [tilespmem:v26+s11+$0x0], $0xffff;
	[tilespmem:s30+$0x0] =	vst v21;
	v21 =	vor.u32 v7, v10  }
0x10f: {  	v29 =	vld.idx.msk [tilespmem:v30+s11+$0x0], $0xffff;
	v30 =	vor.u32 v3, v17;
	[tilespmem:s1+$0xD0] =	vst v24  }
0x110: {  	v24 =	vor.u32 v3, v15;
	[tilespmem:s30+$0xFFFFFF00] =	vst v16;
	v27 =	vld.idx.msk [tilespmem:v27+s11+$0x0], $0xffff  }
0x111: {  	v31 =	vor.u32 v3, v32;
	v28 =	vld.idx.msk [tilespmem:v28+s11+$0x0], $0xffff;
	[tilespmem:s1+$0xFFFFFF40] =	vst v23  }
0x112: {  	v16 =	vmov v25;
	v23 =	vld.idx.msk [tilespmem:v22+s11+$0x0], $0xffff;
	[tilespmem:s1+$0xFFFFFFD0] =	vst v20;
	v20 =	vor.u32 v8, v14;
	v14 =	vmov v17  }
0x113: {  	v17 =	vor.u32 v3, v9;
	[tilespmem:s30+$0x90] =	vst v19;
	v19 =	vld.idx.msk [tilespmem:v21+s11+$0x0], $0xffff  }
0x114: {  	s8 =	sadd.s32 $0x1, s7;
	v21 =	vor.u32 v7, v11;
	[tilespmem:s30+$0xFFFFFF90] =	vst v26;
	v26 =	vld.idx.msk [tilespmem:v30+s11+$0x0], $0xffff  }
0x115: {  	v22 =	vmov s8;
	v33 =	vld.idx.msk [tilespmem:v24+s11+$0x0], $0xffff;
	[tilespmem:s30+$0x10] =	vst v29;
	v29 =	vor.u32 v7, v13  }
0x116: {  	v22 =	vand.u32 $0x1D, v22;
	v34 =	vor.u32 v4, v14;
	v31 =	vld.idx.msk [tilespmem:v31+s11+$0x0], $0xffff;
	[tilespmem:s1+$0xE0] =	vst v27  }
0x117: {  	v36 =	vor.u32 v4, v15;
	v35 =	vbroadcast v22, $0x0;
	[tilespmem:s30+$0xFFFFFF10] =	vst v28;
	v25 =	vld.idx.msk [tilespmem:v20+s11+$0x0], $0xffff  }
.Ltmp3:
0x118: {  	v30 =	vor.u32 v4, v32;
	v24 =	vld.idx.msk [tilespmem:v17+s11+$0x0], $0xffff;
	[tilespmem:s1+$0x50] =	vst v18;
	(pc) =	sbr.rel @p0 .LBB2_5-.Ltmp3, $4  }
0x119: {  	v22 =	vor.u32 v0, v35;
	[tilespmem:s1+$0xFFFFFF50] =	vst v23;
	v21 =	vld.idx.msk [tilespmem:v21+s11+$0x0], $0xffff  }
0x11a: {  	v27 =	vor.u32 v4, v9;
	[tilespmem:s30+$0xA0] =	vst v26;
	v20 =	vld.idx.msk [tilespmem:v29+s11+$0x0], $0xffff  }
0x11b: {  	v28 =	vor.u32 v8, v10;
	v10 =	vmov v15;
	v15 =	vmov v35;
	[tilespmem:s30+$0xFFFFFFA0] =	vst v33;
	v23 =	vld.idx.msk [tilespmem:v34+s11+$0x0], $0xffff  }
0x11c: {  	s7 =	sadd.s32 $0x4, s7;
	s8 =	sadd.s32 $0x3, s5;
	v29 =	vor.u32 v8, v11;
	v11 =	vmov v32;
	v26 =	vld.idx.msk [tilespmem:v36+s11+$0x0], $0xffff;
	[tilespmem:s30+$0x20] =	vst v31  }
0x11d: {  	_ = 	snop  }
0x11e: {  	[tilespmem:s1+$0xF0] =	vst v25  }
0x11f: {  	[tilespmem:s30+$0xFFFFFF20] =	vst v24  }
0x120: {  	[tilespmem:s1+$0xFFFFFFE0] =	vst v19  }
0x121: {  	v17 =	vmov s8;
	v33 =	vld.idx.msk [tilespmem:v30+s11+$0x0], $0xffff;
	v34 =	vor.u32 v5, v14;
	s5 =	sadd.s32 $0x2, s5;
	s8 =	sadd.s32 $0x200, s30;
	[tilespmem:s1+$0x60] =	vst v21  }
0x122: {  	v35 =	vor.u32 v5, v10;
	v47 =	vld.idx.msk [tilespmem:v22+s11+$0x0], $0xffff;
	v17 =	vand.u32 $0x1F, v17;
	v31 =	vmov s5;
	[tilespmem:s8+$0xFFFFFF00] =	vst v16  }
0x123: {  	v13 =	vor.u32 v8, v13;
	v36 =	vld.idx.msk [tilespmem:v27+s11+$0x0], $0xffff;
	v18 =	vbroadcast v17, $0x0;
	v38 =	vand.u32 $0x1E, v31;
	[tilespmem:s1+$0xFFFFFF60] =	vst v20  }
0x124: {  	v52 =	vor.u32 v2, v12;
	v39 =	vld.idx.msk [tilespmem:v28+s11+$0x0], $0xffff;
	v17 =	vbroadcast v38, $0x0;
	[tilespmem:s30+$0xB0] =	vst v23  }
0x125: {  	v41 =	vld.idx.msk [tilespmem:v29+s11+$0x0], $0xffff;
	v40 =	vor.u32 v0, v18;
	[tilespmem:s30+$0xFFFFFFB0] =	vst v26  }
0x126: {  	v42 =	vld.idx.msk [tilespmem:v34+s11+$0x0], $0xffff;
	v43 =	vor.u32 v0, v17;
	[tilespmem:s30+$0x30] =	vst v33  }
0x127: {  	v37 =	vor.u32 v5, v11;
	v24 =	vld.idx.msk [tilespmem:v35+s11+$0x0], $0xffff;
	[tilespmem:s8+$0xFFFFFF80] =	vst v47  }
0x128: {  	v50 =	vor.u32 v2, v15;
	v13 =	vld.idx.msk [tilespmem:v13+s11+$0x0], $0xffff;
	[tilespmem:s30+$0xFFFFFF30] =	vst v36  }
0x129: {  	v53 =	vor.u32 v5, v9;
	v59 =	vld.idx.msk [tilespmem:v52+s11+$0x0], $0xffff;
	[tilespmem:s1+$0xFFFFFFF0] =	vst v39  }
0x12a: {  	v45 =	vor.u32 v6, v14;
	[tilespmem:s1+$0x70] =	vst v41;
	v46 =	vld.idx.msk [tilespmem:v40+s11+$0x0], $0xffff  }
0x12b: {  	v48 =	vor.u32 v2, v18;
	v49 =	vld.idx.msk [tilespmem:v43+s11+$0x0], $0xffff;
	[tilespmem:s30+$0xC0] =	vst v42  }
0x12c: {  	v51 =	vor.u32 v2, v17;
	v44 =	vld.idx.msk [tilespmem:v37+s11+$0x0], $0xffff;
	[tilespmem:s30+$0xFFFFFFC0] =	vst v24  }
0x12d: {  	v54 =	vor.u32 v6, v10;
	v56 =	vld.idx.msk [tilespmem:v50+s11+$0x0], $0xffff;
	[tilespmem:s1+$0xFFFFFF70] =	vst v13  }
0x12e: {  	v58 =	vor.u32 v3, v15;
	v61 =	vld.idx.msk [tilespmem:v53+s11+$0x0], $0xffff;
	[tilespmem:s8+$0xFFFFFF10] =	vst v59  }
0x12f: {  	v29 =	vor.u32 v6, v11;
	v19 =	vld.idx.msk [tilespmem:v45+s11+$0x0], $0xffff;
	[tilespmem:s8+$0x80] =	vst v46  }
0x130: {  	v62 =	vor.u32 v3, v12;
	v55 =	vld.idx.msk [tilespmem:v48+s11+$0x0], $0xffff;
	[tilespmem:s8+$0x0] =	vst v49  }
0x131: {  	v57 =	vor.u32 v3, v18;
	[tilespmem:s30+$0x40] =	vst v44;
	v24 =	vld.idx.msk [tilespmem:v51+s11+$0x0], $0xffff  }
0x132: {  	v60 =	vor.u32 v3, v17;
	v25 =	vld.idx.msk [tilespmem:v54+s11+$0x0], $0xffff;
	[tilespmem:s8+$0xFFFFFF90] =	vst v56  }
0x133: {  	v36 =	vor.u32 v6, v9;
	v16 =	vld.idx.msk [tilespmem:v58+s11+$0x0], $0xffff;
	[tilespmem:s30+$0xFFFFFF40] =	vst v61  }
0x134: {  	v63 =	vor.u32 v7, v14;
	v21 =	vld.idx.msk [tilespmem:v29+s11+$0x0], $0xffff;
	[tilespmem:s30+$0xD0] =	vst v19  }
0x135: {  	v32 =	vor.u32 v4, v15;
	v19 =	vld.idx.msk [tilespmem:v62+s11+$0x0], $0xffff;
	[tilespmem:s8+$0x90] =	vst v55  }
0x136: {  	v35 =	vor.u32 v4, v12;
	v30 =	vld.idx.msk [tilespmem:v57+s11+$0x0], $0xffff;
	[tilespmem:s8+$0x10] =	vst v24  }
0x137: {  	v31 =	vor.u32 v4, v18;
	[tilespmem:s30+$0xFFFFFFD0] =	vst v25;
	v20 =	vld.idx.msk [tilespmem:v60+s11+$0x0], $0xffff  }
0x138: {  	v33 =	vor.u32 v4, v17;
	v44 =	vld.idx.msk [tilespmem:v36+s11+$0x0], $0xffff;
	[tilespmem:s8+$0xFFFFFFA0] =	vst v16  }
0x139: {  	v46 =	vor.u32 v7, v10;
	v34 =	vld.idx.msk [tilespmem:v63+s11+$0x0], $0xffff;
	[tilespmem:s30+$0x50] =	vst v21  }
0x13a: {  	v37 =	vor.u32 v8, v14;
	v13 =	vld.idx.msk [tilespmem:v32+s11+$0x0], $0xffff;
	[tilespmem:s8+$0xFFFFFF20] =	vst v19  }
0x13b: {  	v41 =	vor.u32 v5, v15;
	v42 =	vld.idx.msk [tilespmem:v35+s11+$0x0], $0xffff;
	[tilespmem:s8+$0xA0] =	vst v30  }
0x13c: {  	v45 =	vor.u32 v5, v12;
	v38 =	vld.idx.msk [tilespmem:v31+s11+$0x0], $0xffff;
	[tilespmem:s8+$0x20] =	vst v20  }
0x13d: {  	v39 =	vor.u32 v5, v18;
	[tilespmem:s30+$0xFFFFFF50] =	vst v44;
	v40 =	vld.idx.msk [tilespmem:v33+s11+$0x0], $0xffff  }
0x13e: {  	v43 =	vor.u32 v5, v17;
	v52 =	vld.idx.msk [tilespmem:v46+s11+$0x0], $0xffff;
	[tilespmem:s30+$0xE0] =	vst v34  }
0x13f: {  	v47 =	vor.u32 v7, v11;
	v14 =	vld.idx.msk [tilespmem:v37+s11+$0x0], $0xffff;
	[tilespmem:s8+$0xFFFFFFB0] =	vst v13  }
0x140: {  	v10 =	vor.u32 v8, v10;
	v19 =	vld.idx.msk [tilespmem:v41+s11+$0x0], $0xffff;
	[tilespmem:s8+$0xFFFFFF30] =	vst v42  }
0x141: {  	v50 =	vor.u32 v6, v15;
	v21 =	vld.idx.msk [tilespmem:v45+s11+$0x0], $0xffff;
	[tilespmem:s8+$0xB0] =	vst v38  }
0x142: {  	v53 =	vor.u32 v6, v12;
	v48 =	vld.idx.msk [tilespmem:v39+s11+$0x0], $0xffff;
	[tilespmem:s8+$0x30] =	vst v40  }
0x143: {  	v49 =	vor.u32 v6, v18;
	[tilespmem:s30+$0xFFFFFFE0] =	vst v52;
	v22 =	vld.idx.msk [tilespmem:v43+s11+$0x0], $0xffff  }
0x144: {  	v51 =	vor.u32 v6, v17;
	v16 =	vld.idx.msk [tilespmem:v47+s11+$0x0], $0xffff;
	[tilespmem:s30+$0xF0] =	vst v14  }
0x145: {  	v10 =	vld.idx.msk [tilespmem:v10+s11+$0x0], $0xffff;
	[tilespmem:s8+$0xFFFFFFC0] =	vst v19  }
0x146: {  	v54 =	vor.u32 v7, v9;
	v19 =	vld.idx.msk [tilespmem:v50+s11+$0x0], $0xffff;
	[tilespmem:s8+$0xFFFFFF40] =	vst v21  }
0x147: {  	v56 =	vor.u32 v7, v15;
	v14 =	vld.idx.msk [tilespmem:v53+s11+$0x0], $0xffff;
	[tilespmem:s8+$0xC0] =	vst v48  }
0x148: {  	v59 =	vor.u32 v7, v12;
	v13 =	vld.idx.msk [tilespmem:v49+s11+$0x0], $0xffff;
	[tilespmem:s8+$0x40] =	vst v22  }
0x149: {  	v55 =	vor.u32 v7, v18;
	[tilespmem:s30+$0x60] =	vst v16;
	v22 =	vld.idx.msk [tilespmem:v51+s11+$0x0], $0xffff  }
0x14a: {  	v57 =	vor.u32 v7, v17;
	[tilespmem:s30+$0xFFFFFFF0] =	vst v10  }
0x14b: {  	v11 =	vor.u32 v8, v11;
	v58 =	vld.idx.msk [tilespmem:v54+s11+$0x0], $0xffff;
	[tilespmem:s8+$0xFFFFFFD0] =	vst v19  }
0x14c: {  	v9 =	vor.u32 v8, v9;
	v19 =	vld.idx.msk [tilespmem:v56+s11+$0x0], $0xffff;
	[tilespmem:s8+$0xFFFFFF50] =	vst v14  }
0x14d: {  	v61 =	vor.u32 v8, v15;
	v16 =	vld.idx.msk [tilespmem:v59+s11+$0x0], $0xffff;
	[tilespmem:s8+$0xD0] =	vst v13  }
0x14e: {  	v10 =	vor.u32 v8, v12;
	v13 =	vld.idx.msk [tilespmem:v55+s11+$0x0], $0xffff;
	[tilespmem:s8+$0x50] =	vst v22  }
0x14f: {  	v18 =	vor.u32 v8, v18;
	v60 =	vld.idx.msk [tilespmem:v57+s11+$0x0], $0xffff  }
0x150: {  	v17 =	vor.u32 v8, v17;
	[tilespmem:s30+$0xFFFFFF60] =	vst v58;
	v11 =	vld.idx.msk [tilespmem:v11+s11+$0x0], $0xffff  }
0x151: {  	v9 =	vld.idx.msk [tilespmem:v9+s11+$0x0], $0xffff;
	[tilespmem:s8+$0xFFFFFFE0] =	vst v19  }
0x152: {  	v63 =	vld.idx.msk [tilespmem:v61+s11+$0x0], $0xffff;
	[tilespmem:s8+$0xFFFFFF60] =	vst v16  }
0x153: {  	v10 =	vld.idx.msk [tilespmem:v10+s11+$0x0], $0xffff;
	[tilespmem:s8+$0xE0] =	vst v13  }
0x154: {  	v62 =	vld.idx.msk [tilespmem:v18+s11+$0x0], $0xffff;
	[tilespmem:s8+$0x60] =	vst v60  }
0x155: {  	[tilespmem:s30+$0x70] =	vst v11;
	v14 =	vld.idx.msk [tilespmem:v17+s11+$0x0], $0xffff  }
0x156: {  	[tilespmem:s30+$0xFFFFFF70] =	vst v9  }
0x157: {  	[tilespmem:s8+$0xFFFFFFF0] =	vst v63  }
0x158: {  	s10 =	sshll.u32 s10, $0x10;
	s7 =	sshll.u32 s31, $0x7;
	[tilespmem:s8+$0xFFFFFF70] =	vst v10  }
0x159: {  	s1 =	sadd.s32 s2, s10;
	s30 =	sadd.s32 s6, s7;
	[tilespmem:s8+$0xF0] =	vst v62  }
0x15a: {  	s1 =	sadd.s32 s30, s1;
	[tilespmem:s8+$0x70] =	vst v14  }
0x15b: {  	[hbm4b:s1+s3] =	stream.linear.scatter [tilespmem:s12], [sflag:$0x3], $0x400, $0x38;
	[tilespmem:$0xA800] =	vst v63  }
0x15c: {  	s24 =	sadd.s32 $0x4000, s1  }
0x15d: {  	[hbm4b:s24+s3] =	stream.linear.scatter [tilespmem:s15], [sflag:$0x3], $0x400, $0x38;
	[tilespmem:$0xA800] =	vst v63  }
0x15e: {  	s26 =	sadd.s32 $0x8000, s1  }
0x15f: {  	[hbm4b:s26+s3] =	stream.linear.scatter [tilespmem:s16], [sflag:$0x3], $0x400, $0x38;
	[tilespmem:$0xA800] =	vst v63  }
0x160: {  	p0 =	seq.s32 s29, $0x33;
	s1 =	sadd.s32 $0xC000, s1  }
0x161: {  	[hbm4b:s1+s3] =	stream.linear.scatter [tilespmem:s18], [sflag:$0x3], $0x400, $0x38;
	[tilespmem:$0xA800] =	vst v63  }
0x162: {  	s0 =	sor.u32 @!p0 $0x1, s0;
	p1 =	seq.s32 @!p0 s29, $0x0;
	s1 =	sshll.u32 @!p0 s29, $0x8  }
0x163: {  	s5 =	simm.s32 @!p0 $0x80;
	p1 =	por p0, !p1;
	s1 =	sand.u32 @!p0 $0x3FFFFF00, s1  }
0x164: {  	s7 =	simm.s32 @!p0 $0x6800;
	s8 =	smulhi.u32 @!p0 $0x4EC4EC4F, s0;
	s1 =	sadd.s32 @!p0 $0x3500, s1  }
0x165: {  	[tilespmem:s7], [sflag:$0x1] =	stream.indirect.gather @!p0 [hbm4b:s4+s5], $0x20, s1, s5, $0xb8;
	[tilespmem:$0xA800] =	vst v63  }
.Ltmp4:
0x166: {  	_ = 	snop;
	(pc) =	sbr.rel @!p1 .LBB2_8-.Ltmp4, $3  }
0x167: {  	s1 =	sshrl.u32 @!p0 s8, $0x3  }
0x168: {  	s1 =	smul.u32 @!p0 $0x1A, s1;
	_ =	sdelay $0x1  }
0x169: {  	s31 =	ssub.s32 @!p0 s0, s1  }
0x16a: {  	_ =	swait.ge [sflag:s25], $0x400  }
0x16b: {  	[sflag:s25] =	ssyncset.done $0x0  }
0x16c: {  	[sflag:s25] =	ssyncadd.s32 $0xFFFFFC00  }
0x16d: {  	_ =	swait.ge [sflag:s25], $0x400  }
0x16e: {  	[sflag:s25] =	ssyncset.done $0x0  }
0x16f: {  	[sflag:s25] =	ssyncadd.s32 $0xFFFFFC00  }
0x170: {  	_ =	swait.ge [sflag:s25], $0x400  }
0x171: {  	[sflag:s25] =	ssyncset.done $0x0  }
0x172: {  	[sflag:s25] =	ssyncadd.s32 $0xFFFFFC00  }
0x173: {  	_ =	swait.ge [sflag:s25], $0x400  }
0x174: {  	[sflag:s25] =	ssyncset.done $0x0  }
0x175: {  	s31 =	simm.s32 @p0 $0x19;
	[sflag:s25] =	ssyncadd.s32 $0xFFFFFC00  }
.LBB2_8:
0x176: {  	s0 =	simm.s32 $0x3  }
0x177: {  	s1 =	simm.s32 $0x1;
	v9 =	vmov s0  }
0x178: {  	s5 =	simm.s32 $0x2;
	v10 =	vmov s1;
	v9 =	vand.u32 $0x1F, v9  }
0x179: {  	v11 =	vmov s5;
	v10 =	vand.u32 $0x1D, v10;
	v15 =	vbroadcast v9, $0x0  }
0x17a: {  	s7 =	simm.s32 $0x0;
	v18 =	vbroadcast v10, $0x0;
	v9 =	vand.u32 $0x1E, v11  }
0x17b: {  	v10 =	vmov s7;
	v17 =	vbroadcast v9, $0x0;
	v9 =	vor.u32 v0, v15  }
0x17c: {  	v10 =	vand.u32 $0x1C, v10;
	v11 =	vor.u32 v0, v18  }
0x17d: {  	_ =	swait.ge [sflag:s19], $0x1000;
	v13 =	vbroadcast v10, $0x0;
	v10 =	vor.u32 v0, v17  }
0x17e: {  	[sflag:s19] =	ssyncset.done $0x0  }
0x17f: {  	[sflag:s19] =	ssyncadd.s32 $0xFFFFF000;
	v12 =	vor.u32 v0, v13  }
0x180: {  	v9 =	vld.idx.msk [tilespmem:v9+s13+$0x0], $0xffff  }
0x181: {  	v14 =	vor.u32 v2, v15;
	v11 =	vld.idx.msk [tilespmem:v11+s13+$0x0], $0xffff  }
0x182: {  	v16 =	vor.u32 v2, v18;
	v10 =	vld.idx.msk [tilespmem:v10+s13+$0x0], $0xffff  }
0x183: {  	v19 =	vor.u32 v2, v17  }
0x184: {  	s0 =	simm.s32 $0x99F0;
	v12 =	vld.idx.msk [tilespmem:v12+s13+$0x0], $0xffff  }
0x185: {  	v20 =	vor.u32 v2, v13;
	[tilespmem:s0+$0xFFFFFF90] =	vst v9  }
0x186: {  	[tilespmem:s0+$0xFFFFFE90] =	vst v11;
	v9 =	vld.idx.msk [tilespmem:v14+s13+$0x0], $0xffff  }
0x187: {  	v11 =	vld.idx.msk [tilespmem:v16+s13+$0x0], $0xffff;
	[tilespmem:s0+$0xFFFFFF10] =	vst v10;
	v10 =	vor.u32 v3, v15  }
0x188: {  	v16 =	vor.u32 v3, v18;
	v14 =	vld.idx.msk [tilespmem:v19+s13+$0x0], $0xffff  }
0x189: {  	[tilespmem:s0+$0xFFFFFE10] =	vst v12;
	v12 =	vor.u32 v3, v17  }
0x18a: {  	v19 =	vld.idx.msk [tilespmem:v20+s13+$0x0], $0xffff  }
0x18b: {  	s8 =	simm.s32 $0x4;
	v20 =	vor.u32 v3, v13;
	[tilespmem:s0+$0xFFFFFFA0] =	vst v9  }
0x18c: {  	v9 =	vmov s8;
	[tilespmem:s0+$0xFFFFFEA0] =	vst v11;
	v11 =	vld.idx.msk [tilespmem:v10+s13+$0x0], $0xffff  }
0x18d: {  	s10 =	simm.s32 $0x5;
	v9 =	vand.u32 $0x1C, v9;
	v16 =	vld.idx.msk [tilespmem:v16+s13+$0x0], $0xffff;
	[tilespmem:s0+$0xFFFFFF20] =	vst v14;
	v14 =	vor.u32 v4, v15  }
0x18e: {  	v21 =	vor.u32 v4, v18;
	v10 =	vmov s10;
	v9 =	vbroadcast v9, $0x0;
	v12 =	vld.idx.msk [tilespmem:v12+s13+$0x0], $0xffff  }
0x18f: {  	v10 =	vand.u32 $0x1D, v10;
	[tilespmem:s0+$0xFFFFFE20] =	vst v19;
	v19 =	vor.u32 v4, v17  }
0x190: {  	v10 =	vbroadcast v10, $0x0;
	v20 =	vld.idx.msk [tilespmem:v20+s13+$0x0], $0xffff;
	v22 =	vor.u32 v0, v9  }
0x191: {  	s24 =	simm.s32 $0x7;
	v23 =	vor.u32 v4, v13;
	[tilespmem:s0+$0xFFFFFFB0] =	vst v11  }
0x192: {  	s26 =	simm.s32 $0x6;
	v24 =	vor.u32 v0, v10;
	[tilespmem:s0+$0xFFFFFEB0] =	vst v16;
	v11 =	vmov s24;
	v16 =	vld.idx.msk [tilespmem:v14+s13+$0x0], $0xffff  }
0x193: {  	v26 =	vmov s26;
	v21 =	vld.idx.msk [tilespmem:v21+s13+$0x0], $0xffff;
	[tilespmem:s0+$0xFFFFFF30] =	vst v12;
	v12 =	vor.u32 v5, v15;
	v11 =	vand.u32 $0x1F, v11  }
0x194: {  	v25 =	vor.u32 v5, v18;
	v19 =	vld.idx.msk [tilespmem:v19+s13+$0x0], $0xffff;
	v14 =	vbroadcast v11, $0x0;
	v11 =	vand.u32 $0x1E, v26  }
0x195: {  	[tilespmem:s0+$0xFFFFFE30] =	vst v20;
	v20 =	vor.u32 v5, v17;
	v22 =	vld.idx.msk [tilespmem:v22+s13+$0x0], $0xffff;
	v11 =	vbroadcast v11, $0x0  }
0x196: {  	v23 =	vld.idx.msk [tilespmem:v23+s13+$0x0], $0xffff;
	v26 =	vor.u32 v0, v14  }
0x197: {  	v24 =	vld.idx.msk [tilespmem:v24+s13+$0x0], $0xffff;
	v27 =	vor.u32 v0, v11;
	[tilespmem:s0+$0xFFFFFFC0] =	vst v16  }
0x198: {  	s5 =	simm.s32 $0x8;
	v16 =	vor.u32 v5, v13;
	[tilespmem:s0+$0xFFFFFEC0] =	vst v21;
	v21 =	vld.idx.msk [tilespmem:v12+s13+$0x0], $0xffff  }
0x199: {  	v12 =	vmov s5;
	v25 =	vld.idx.msk [tilespmem:v25+s13+$0x0], $0xffff;
	[tilespmem:s0+$0xFFFFFF40] =	vst v19;
	v19 =	vor.u32 v6, v15  }
0x19a: {  	v28 =	vor.u32 v6, v18;
	v12 =	vand.u32 $0x1C, v12;
	v20 =	vld.idx.msk [tilespmem:v20+s13+$0x0], $0xffff  }
0x19b: {  	[tilespmem:s0+$0xFFFFFE40] =	vst v23;
	v12 =	vbroadcast v12, $0x0;
	v23 =	vld.idx.msk [tilespmem:v26+s13+$0x0], $0xffff;
	v26 =	vor.u32 v6, v17  }
0x19c: {  	v31 =	vor.u32 v2, v14;
	v27 =	vld.idx.msk [tilespmem:v27+s13+$0x0], $0xffff  }
0x19d: {  	v29 =	vor.u32 v0, v12;
	v30 =	vld.idx.msk [tilespmem:v16+s13+$0x0], $0xffff;
	[tilespmem:s0+$0xFFFFFFD0] =	vst v21  }
0x19e: {  	v21 =	vor.u32 v2, v10;
	[tilespmem:s0+$0xFFFFFED0] =	vst v25;
	v19 =	vld.idx.msk [tilespmem:v19+s13+$0x0], $0xffff  }
0x19f: {  	s1 =	simm.s32 $0x9BF0;
	v25 =	vor.u32 v2, v11;
	v28 =	vld.idx.msk [tilespmem:v28+s13+$0x0], $0xffff;
	[tilespmem:s0+$0xFFFFFF50] =	vst v20  }
0x1a0: {  	v20 =	vld.idx.msk [tilespmem:v26+s13+$0x0], $0xffff;
	v26 =	vor.u32 v7, v15;
	[tilespmem:s1+$0xFFFFFF90] =	vst v23  }
0x1a1: {  	[tilespmem:s1+$0xFFFFFE90] =	vst v24;
	v24 =	vor.u32 v6, v13;
	v23 =	vld.idx.msk [tilespmem:v31+s13+$0x0], $0xffff  }
0x1a2: {  	[tilespmem:s1+$0xFFFFFE10] =	vst v22;
	v16 =	vld.idx.msk [tilespmem:v29+s13+$0x0], $0xffff;
	v29 =	vor.u32 v2, v9  }
0x1a3: {  	[tilespmem:s1+$0xFFFFFF10] =	vst v27;
	v27 =	vor.u32 v7, v18;
	v21 =	vld.idx.msk [tilespmem:v21+s13+$0x0], $0xffff  }
0x1a4: {  	v31 =	vor.u32 v3, v14;
	v25 =	vld.idx.msk [tilespmem:v25+s13+$0x0], $0xffff;
	[tilespmem:s0+$0xFFFFFFE0] =	vst v19  }
0x1a5: {  	v22 =	vor.u32 v3, v10;
	[tilespmem:s0+$0xFFFFFE50] =	vst v30;
	v26 =	vld.idx.msk [tilespmem:v26+s13+$0x0], $0xffff  }
0x1a6: {  	v15 =	vor.u32 v8, v15;
	v24 =	vld.idx.msk [tilespmem:v24+s13+$0x0], $0xffff;
	[tilespmem:s0+$0xFFFFFEE0] =	vst v28  }
0x1a7: {  	v32 =	vor.u32 v3, v11;
	[tilespmem:s1+$0xFFFFFFA0] =	vst v23;
	v29 =	vld.idx.msk [tilespmem:v29+s13+$0x0], $0xffff  }
0x1a8: {  	v33 =	vor.u32 v7, v13;
	v19 =	vld.idx.msk [tilespmem:v27+s13+$0x0], $0xffff;
	[tilespmem:s1+$0xFFFFFEA0] =	vst v21  }
0x1a9: {  	s7 =	simm.s32 $0x9;
	v28 =	vor.u32 v3, v9;
	v21 =	vld.idx.msk [tilespmem:v31+s13+$0x0], $0xffff;
	[tilespmem:s1+$0xFFFFFF20] =	vst v25  }
0x1aa: {  	v23 =	vor.u32 v7, v17;
	v31 =	vld.idx.msk [tilespmem:v22+s13+$0x0], $0xffff;
	v22 =	vmov s7;
	[tilespmem:s0+$0xFFFFFFF0] =	vst v26  }
0x1ab: {  	v34 =	vor.u32 v4, v14;
	[tilespmem:s0+$0xFFFFFE60] =	vst v24;
	v27 =	vld.idx.msk [tilespmem:v15+s13+$0x0], $0xffff;
	v15 =	vand.u32 $0x1D, v22  }
0x1ac: {  	v32 =	vld.idx.msk [tilespmem:v32+s13+$0x0], $0xffff;
	[tilespmem:s1+$0xFFFFFE20] =	vst v29;
	v29 =	vor.u32 v4, v10;
	v15 =	vbroadcast v15, $0x0  }
0x1ad: {  	v30 =	vor.u32 v4, v11;
	[tilespmem:s0+$0xFFFFFF60] =	vst v20;
	v20 =	vld.idx.msk [tilespmem:v33+s13+$0x0], $0xffff  }
0x1ae: {  	v25 =	vld.idx.msk [tilespmem:v28+s13+$0x0], $0xffff;
	[tilespmem:s1+$0xFFFFFFB0] =	vst v21;
	v21 =	vor.u32 v0, v15  }
0x1af: {  	v22 =	vld.idx.msk [tilespmem:v23+s13+$0x0], $0xffff;
	v28 =	vor.u32 v4, v9  }
0x1b0: {  	v26 =	vor.u32 v8, v18;
	[tilespmem:s1+$0xFFFFFEB0] =	vst v31;
	v23 =	vld.idx.msk [tilespmem:v34+s13+$0x0], $0xffff  }
0x1b1: {  	s8 =	simm.s32 $0xB;
	s7 =	simm.s32 $0xC;
	[tilespmem:s1+$0xFFFFFF30] =	vst v32;
	v24 =	vld.idx.msk [tilespmem:v29+s13+$0x0], $0xffff;
	v29 =	vor.u32 v8, v17  }
.LBB2_9:
0x1b2: {  	p1 =	slt.u32 s7, $0x1C;
	v17 =	vmov s8;
	v18 =	vld.idx.msk [tilespmem:v30+s13+$0x0], $0xffff;
	v30 =	vor.u32 v5, v14;
	[tilespmem:s0+$0x0] =	vst v27  }
0x1b3: {  	s8 =	sadd.s32 $0x2, s5;
	s5 =	smov.u32 s7;
	v21 =	vld.idx.msk [tilespmem:v21+s13+$0x0], $0xffff;
	v17 =	vand.u32 $0x1F, v17;
	[tilespmem:s1+$0xFFFFFE30] =	vst v25;
	v25 =	vor.u32 v5, v10  }
0x1b4: {  	v31 =	vor.u32 v5, v11;
	v27 =	vmov s8;
	v17 =	vbroadcast v17, $0x0;
	v28 =	vld.idx.msk [tilespmem:v28+s13+$0x0], $0xffff;
	[tilespmem:s0+$0xFFFFFEF0] =	vst v19  }
0x1b5: {  	v19 =	vand.u32 $0x1E, v27;
	v27 =	vor.u32 v8, v13;
	v13 =	vmovc v9;
	v9 =	vmov v12;
	v26 =	vld.idx.msk [tilespmem:v26+s13+$0x0], $0xffff;
	[tilespmem:s0+$0xFFFFFF70] =	vst v22  }
0x1b6: {  	v32 =	vbroadcast v19, $0x0;
	v19 =	vor.u32 v0, v17;
	[tilespmem:s1+$0xFFFFFFC0] =	vst v23;
	v22 =	vld.idx.msk [tilespmem:v29+s13+$0x0], $0xffff  }
0x1b7: {  	v23 =	vor.u32 v5, v13;
	[tilespmem:s1+$0xFFFFFEC0] =	vst v24;
	v24 =	vld.idx.msk [tilespmem:v30+s13+$0x0], $0xffff  }
0x1b8: {  	v12 =	vmov s7;
	v29 =	vor.u32 v0, v32;
	v25 =	vld.idx.msk [tilespmem:v25+s13+$0x0], $0xffff;
	[tilespmem:s1+$0xFFFFFF40] =	vst v18  }
0x1b9: {  	v12 =	vand.u32 $0x1C, v12;
	v30 =	vor.u32 v6, v14;
	v18 =	vld.idx.msk [tilespmem:v31+s13+$0x0], $0xffff;
	[tilespmem:s0+$0xFFFFFE70] =	vst v20  }
0x1ba: {  	v12 =	vbroadcast v12, $0x0;
	v20 =	vor.u32 v6, v10;
	[tilespmem:s1+$0xFFFFFE40] =	vst v28;
	v27 =	vld.idx.msk [tilespmem:v27+s13+$0x0], $0xffff  }
0x1bb: {  	v28 =	vor.u32 v6, v11;
	v19 =	vld.idx.msk [tilespmem:v19+s13+$0x0], $0xffff;
	[tilespmem:s0+$0xFFFFFF00] =	vst v26  }
0x1bc: {  	v26 =	vor.u32 v0, v12;
	v23 =	vld.idx.msk [tilespmem:v23+s13+$0x0], $0xffff;
	[tilespmem:s0+$0xFFFFFF80] =	vst v22  }
0x1bd: {  	v22 =	vld.idx.msk [tilespmem:v29+s13+$0x0], $0xffff;
	v29 =	vor.u32 v2, v17;
	[tilespmem:s1+$0xFFFFFFD0] =	vst v24  }
0x1be: {  	v24 =	vor.u32 v2, v15;
	[tilespmem:s1+$0xFFFFFED0] =	vst v25;
	v25 =	vld.idx.msk [tilespmem:v30+s13+$0x0], $0xffff  }
0x1bf: {  	v30 =	vor.u32 v2, v32;
	v20 =	vld.idx.msk [tilespmem:v20+s13+$0x0], $0xffff;
	[tilespmem:s1+$0xFFFFFF50] =	vst v18  }
0x1c0: {  	v18 =	vld.idx.msk [tilespmem:v28+s13+$0x0], $0xffff;
	v28 =	vor.u32 v7, v14;
	[tilespmem:s0+$0xFFFFFE80] =	vst v27;
	s0 =	smov.u32 s1;
	s1 =	sadd.s32 $0x200, s1  }
0x1c1: {  	v27 =	vor.u32 v2, v9;
	v26 =	vld.idx.msk [tilespmem:v26+s13+$0x0], $0xffff;
	[tilespmem:s1+$0xFFFFFF90] =	vst v19  }
0x1c2: {  	[tilespmem:s1+$0xFFFFFE90] =	vst v21;
	v19 =	vld.idx.msk [tilespmem:v29+s13+$0x0], $0xffff;
	v21 =	vor.u32 v6, v13  }
0x1c3: {  	v24 =	vld.idx.msk [tilespmem:v24+s13+$0x0], $0xffff;
	[tilespmem:s1+$0xFFFFFF10] =	vst v22;
	v22 =	vor.u32 v7, v10  }
0x1c4: {  	v29 =	vld.idx.msk [tilespmem:v30+s13+$0x0], $0xffff;
	v30 =	vor.u32 v3, v17;
	[tilespmem:s0+$0xFFFFFFE0] =	vst v25  }
0x1c5: {  	v25 =	vor.u32 v3, v15;
	[tilespmem:s1+$0xFFFFFE10] =	vst v16;
	v28 =	vld.idx.msk [tilespmem:v28+s13+$0x0], $0xffff  }
0x1c6: {  	v31 =	vor.u32 v3, v32;
	v27 =	vld.idx.msk [tilespmem:v27+s13+$0x0], $0xffff;
	[tilespmem:s0+$0xFFFFFE50] =	vst v23  }
0x1c7: {  	v16 =	vmov v26;
	v23 =	vld.idx.msk [tilespmem:v21+s13+$0x0], $0xffff;
	[tilespmem:s0+$0xFFFFFEE0] =	vst v20;
	v20 =	vor.u32 v8, v14;
	v14 =	vmov v17  }
0x1c8: {  	v17 =	vor.u32 v3, v9;
	[tilespmem:s1+$0xFFFFFFA0] =	vst v19;
	v19 =	vld.idx.msk [tilespmem:v22+s13+$0x0], $0xffff  }
0x1c9: {  	s8 =	sadd.s32 $0x1, s7;
	v22 =	vor.u32 v7, v11;
	[tilespmem:s1+$0xFFFFFEA0] =	vst v24;
	v24 =	vld.idx.msk [tilespmem:v30+s13+$0x0], $0xffff  }
0x1ca: {  	v21 =	vmov s8;
	v26 =	vld.idx.msk [tilespmem:v25+s13+$0x0], $0xffff;
	[tilespmem:s1+$0xFFFFFF20] =	vst v29;
	v29 =	vor.u32 v7, v13  }
0x1cb: {  	v21 =	vand.u32 $0x1D, v21;
	v33 =	vor.u32 v4, v14;
	v31 =	vld.idx.msk [tilespmem:v31+s13+$0x0], $0xffff;
	[tilespmem:s0+$0xFFFFFFF0] =	vst v28  }
0x1cc: {  	v35 =	vor.u32 v4, v15;
	v34 =	vbroadcast v21, $0x0;
	[tilespmem:s1+$0xFFFFFE20] =	vst v27;
	v27 =	vld.idx.msk [tilespmem:v20+s13+$0x0], $0xffff  }
.Ltmp5:
0x1cd: {  	v30 =	vor.u32 v4, v32;
	v25 =	vld.idx.msk [tilespmem:v17+s13+$0x0], $0xffff;
	[tilespmem:s0+$0xFFFFFF60] =	vst v18;
	(pc) =	sbr.rel @p1 .LBB2_9-.Ltmp5, $4  }
0x1ce: {  	v21 =	vor.u32 v0, v34;
	[tilespmem:s0+$0xFFFFFE60] =	vst v23;
	v22 =	vld.idx.msk [tilespmem:v22+s13+$0x0], $0xffff  }
0x1cf: {  	v28 =	vor.u32 v4, v9;
	[tilespmem:s1+$0xFFFFFFB0] =	vst v24;
	v20 =	vld.idx.msk [tilespmem:v29+s13+$0x0], $0xffff  }
0x1d0: {  	[tilespmem:s1+$0xFFFFFEB0] =	vst v26;
	v23 =	vld.idx.msk [tilespmem:v33+s13+$0x0], $0xffff;
	v26 =	vor.u32 v8, v10;
	v10 =	vmov v15;
	v15 =	vmov v34  }
0x1d1: {  	s7 =	sadd.s32 $0x4, s7;
	s8 =	sadd.s32 $0x3, s5;
	v29 =	vor.u32 v8, v11;
	v11 =	vmov v32;
	v24 =	vld.idx.msk [tilespmem:v35+s13+$0x0], $0xffff;
	[tilespmem:s1+$0xFFFFFF30] =	vst v31  }
0x1d2: {  	_ =	sdelay $0x1  }
0x1d3: {  	[tilespmem:s1+$0xFFFFFE30] =	vst v25  }
0x1d4: {  	[tilespmem:s0+$0xFFFFFEF0] =	vst v19  }
0x1d5: {  	v17 =	vmov s8;
	v34 =	vld.idx.msk [tilespmem:v30+s13+$0x0], $0xffff;
	v35 =	vor.u32 v5, v14;
	s5 =	sadd.s32 $0x2, s5;
	s24 =	sadd.s32 $0x200, s1;
	[tilespmem:s0+$0xFFFFFF70] =	vst v22  }
0x1d6: {  	v36 =	vor.u32 v5, v10;
	v21 =	vld.idx.msk [tilespmem:v21+s13+$0x0], $0xffff;
	v17 =	vand.u32 $0x1F, v17;
	v31 =	vmov s5;
	[tilespmem:s24+$0xFFFFFE10] =	vst v16  }
0x1d7: {  	v13 =	vor.u32 v8, v13;
	v37 =	vld.idx.msk [tilespmem:v28+s13+$0x0], $0xffff;
	v18 =	vbroadcast v17, $0x0;
	v39 =	vand.u32 $0x1E, v31;
	[tilespmem:s0+$0xFFFFFE70] =	vst v20  }
0x1d8: {  	v51 =	vor.u32 v2, v12;
	v40 =	vld.idx.msk [tilespmem:v26+s13+$0x0], $0xffff;
	v17 =	vbroadcast v39, $0x0;
	[tilespmem:s1+$0xFFFFFFC0] =	vst v23  }
0x1d9: {  	v42 =	vld.idx.msk [tilespmem:v29+s13+$0x0], $0xffff;
	v41 =	vor.u32 v0, v18;
	[tilespmem:s1+$0xFFFFFEC0] =	vst v24  }
0x1da: {  	v43 =	vld.idx.msk [tilespmem:v35+s13+$0x0], $0xffff;
	v44 =	vor.u32 v0, v17;
	[tilespmem:s1+$0xFFFFFF40] =	vst v34  }
0x1db: {  	v49 =	vor.u32 v2, v15;
	v25 =	vld.idx.msk [tilespmem:v36+s13+$0x0], $0xffff;
	[tilespmem:s24+$0xFFFFFE90] =	vst v21  }
0x1dc: {  	v38 =	vor.u32 v5, v11;
	v13 =	vld.idx.msk [tilespmem:v13+s13+$0x0], $0xffff;
	[tilespmem:s1+$0xFFFFFE40] =	vst v37  }
0x1dd: {  	v52 =	vor.u32 v5, v9;
	v59 =	vld.idx.msk [tilespmem:v51+s13+$0x0], $0xffff;
	[tilespmem:s0+$0xFFFFFF00] =	vst v40  }
0x1de: {  	v46 =	vor.u32 v6, v14;
	[tilespmem:s0+$0xFFFFFF80] =	vst v42;
	v26 =	vld.idx.msk [tilespmem:v41+s13+$0x0], $0xffff  }
0x1df: {  	v47 =	vor.u32 v2, v18;
	v48 =	vld.idx.msk [tilespmem:v44+s13+$0x0], $0xffff;
	[tilespmem:s1+$0xFFFFFFD0] =	vst v43  }
0x1e0: {  	v50 =	vor.u32 v2, v17;
	v55 =	vld.idx.msk [tilespmem:v49+s13+$0x0], $0xffff;
	[tilespmem:s1+$0xFFFFFED0] =	vst v25  }
0x1e1: {  	v58 =	vor.u32 v3, v15;
	v45 =	vld.idx.msk [tilespmem:v38+s13+$0x0], $0xffff;
	[tilespmem:s0+$0xFFFFFE80] =	vst v13  }
0x1e2: {  	v29 =	vor.u32 v6, v11;
	v61 =	vld.idx.msk [tilespmem:v52+s13+$0x0], $0xffff;
	[tilespmem:s24+$0xFFFFFE20] =	vst v59  }
0x1e3: {  	v36 =	vor.u32 v6, v9;
	v19 =	vld.idx.msk [tilespmem:v46+s13+$0x0], $0xffff;
	[tilespmem:s24+$0xFFFFFF90] =	vst v26  }
0x1e4: {  	v62 =	vor.u32 v3, v12;
	v54 =	vld.idx.msk [tilespmem:v47+s13+$0x0], $0xffff;
	[tilespmem:s24+$0xFFFFFF10] =	vst v48  }
0x1e5: {  	v56 =	vor.u32 v3, v18;
	[tilespmem:s24+$0xFFFFFEA0] =	vst v55;
	v57 =	vld.idx.msk [tilespmem:v50+s13+$0x0], $0xffff  }
0x1e6: {  	v60 =	vor.u32 v3, v17;
	[tilespmem:s1+$0xFFFFFF50] =	vst v45;
	v16 =	vld.idx.msk [tilespmem:v58+s13+$0x0], $0xffff  }
0x1e7: {  	v53 =	vor.u32 v6, v10;
	[tilespmem:s1+$0xFFFFFE50] =	vst v61;
	v21 =	vld.idx.msk [tilespmem:v29+s13+$0x0], $0xffff  }
0x1e8: {  	v63 =	vor.u32 v7, v14;
	v44 =	vld.idx.msk [tilespmem:v36+s13+$0x0], $0xffff;
	[tilespmem:s1+$0xFFFFFFE0] =	vst v19  }
0x1e9: {  	v32 =	vor.u32 v4, v15;
	v19 =	vld.idx.msk [tilespmem:v62+s13+$0x0], $0xffff;
	[tilespmem:s24+$0xFFFFFFA0] =	vst v54  }
0x1ea: {  	v35 =	vor.u32 v4, v12;
	v30 =	vld.idx.msk [tilespmem:v56+s13+$0x0], $0xffff;
	[tilespmem:s24+$0xFFFFFF20] =	vst v57  }
0x1eb: {  	v31 =	vor.u32 v4, v18;
	[tilespmem:s24+$0xFFFFFEB0] =	vst v16;
	v20 =	vld.idx.msk [tilespmem:v60+s13+$0x0], $0xffff  }
0x1ec: {  	v33 =	vor.u32 v4, v17;
	v26 =	vld.idx.msk [tilespmem:v53+s13+$0x0], $0xffff;
	[tilespmem:s1+$0xFFFFFF60] =	vst v21  }
0x1ed: {  	v46 =	vor.u32 v7, v10;
	v34 =	vld.idx.msk [tilespmem:v63+s13+$0x0], $0xffff;
	[tilespmem:s1+$0xFFFFFE60] =	vst v44  }
0x1ee: {  	v37 =	vor.u32 v8, v14;
	v13 =	vld.idx.msk [tilespmem:v32+s13+$0x0], $0xffff;
	[tilespmem:s24+$0xFFFFFE30] =	vst v19  }
0x1ef: {  	v41 =	vor.u32 v5, v15;
	v42 =	vld.idx.msk [tilespmem:v35+s13+$0x0], $0xffff;
	[tilespmem:s24+$0xFFFFFFB0] =	vst v30  }
0x1f0: {  	v45 =	vor.u32 v5, v12;
	v38 =	vld.idx.msk [tilespmem:v31+s13+$0x0], $0xffff;
	[tilespmem:s24+$0xFFFFFF30] =	vst v20  }
0x1f1: {  	v39 =	vor.u32 v5, v18;
	[tilespmem:s1+$0xFFFFFEE0] =	vst v26;
	v40 =	vld.idx.msk [tilespmem:v33+s13+$0x0], $0xffff  }
0x1f2: {  	v43 =	vor.u32 v5, v17;
	v52 =	vld.idx.msk [tilespmem:v46+s13+$0x0], $0xffff;
	[tilespmem:s1+$0xFFFFFFF0] =	vst v34  }
0x1f3: {  	v47 =	vor.u32 v7, v11;
	v14 =	vld.idx.msk [tilespmem:v37+s13+$0x0], $0xffff;
	[tilespmem:s24+$0xFFFFFEC0] =	vst v13  }
0x1f4: {  	v10 =	vor.u32 v8, v10;
	v19 =	vld.idx.msk [tilespmem:v41+s13+$0x0], $0xffff;
	[tilespmem:s24+$0xFFFFFE40] =	vst v42  }
0x1f5: {  	v50 =	vor.u32 v6, v15;
	v21 =	vld.idx.msk [tilespmem:v45+s13+$0x0], $0xffff;
	[tilespmem:s24+$0xFFFFFFC0] =	vst v38  }
0x1f6: {  	v53 =	vor.u32 v6, v12;
	v48 =	vld.idx.msk [tilespmem:v39+s13+$0x0], $0xffff;
	[tilespmem:s24+$0xFFFFFF40] =	vst v40  }
0x1f7: {  	v49 =	vor.u32 v6, v18;
	[tilespmem:s1+$0xFFFFFEF0] =	vst v52;
	v22 =	vld.idx.msk [tilespmem:v43+s13+$0x0], $0xffff  }
0x1f8: {  	v51 =	vor.u32 v6, v17;
	v16 =	vld.idx.msk [tilespmem:v47+s13+$0x0], $0xffff;
	[tilespmem:s1+$0x0] =	vst v14  }
0x1f9: {  	v10 =	vld.idx.msk [tilespmem:v10+s13+$0x0], $0xffff;
	[tilespmem:s24+$0xFFFFFED0] =	vst v19  }
0x1fa: {  	v54 =	vor.u32 v7, v9;
	v19 =	vld.idx.msk [tilespmem:v50+s13+$0x0], $0xffff;
	[tilespmem:s24+$0xFFFFFE50] =	vst v21  }
0x1fb: {  	v56 =	vor.u32 v7, v15;
	v14 =	vld.idx.msk [tilespmem:v53+s13+$0x0], $0xffff;
	[tilespmem:s24+$0xFFFFFFD0] =	vst v48  }
0x1fc: {  	v59 =	vor.u32 v7, v12;
	v13 =	vld.idx.msk [tilespmem:v49+s13+$0x0], $0xffff;
	[tilespmem:s24+$0xFFFFFF50] =	vst v22  }
0x1fd: {  	v55 =	vor.u32 v7, v18;
	[tilespmem:s1+$0xFFFFFF70] =	vst v16;
	v22 =	vld.idx.msk [tilespmem:v51+s13+$0x0], $0xffff  }
0x1fe: {  	v57 =	vor.u32 v7, v17;
	[tilespmem:s1+$0xFFFFFF00] =	vst v10  }
0x1ff: {  	v11 =	vor.u32 v8, v11;
	v58 =	vld.idx.msk [tilespmem:v54+s13+$0x0], $0xffff;
	[tilespmem:s24+$0xFFFFFEE0] =	vst v19  }
0x200: {  	v9 =	vor.u32 v8, v9;
	v19 =	vld.idx.msk [tilespmem:v56+s13+$0x0], $0xffff;
	[tilespmem:s24+$0xFFFFFE60] =	vst v14  }
0x201: {  	v61 =	vor.u32 v8, v15;
	v16 =	vld.idx.msk [tilespmem:v59+s13+$0x0], $0xffff;
	[tilespmem:s24+$0xFFFFFFE0] =	vst v13  }
0x202: {  	v10 =	vor.u32 v8, v12;
	v13 =	vld.idx.msk [tilespmem:v55+s13+$0x0], $0xffff;
	[tilespmem:s24+$0xFFFFFF60] =	vst v22  }
0x203: {  	[tilespmem:s0+$0x0] =	vst v27;
	v18 =	vor.u32 v8, v18;
	v60 =	vld.idx.msk [tilespmem:v57+s13+$0x0], $0xffff  }
0x204: {  	v17 =	vor.u32 v8, v17;
	v11 =	vld.idx.msk [tilespmem:v11+s13+$0x0], $0xffff;
	[tilespmem:s1+$0xFFFFFE70] =	vst v58  }
0x205: {  	v9 =	vld.idx.msk [tilespmem:v9+s13+$0x0], $0xffff;
	[tilespmem:s24+$0xFFFFFEF0] =	vst v19  }
0x206: {  	v63 =	vld.idx.msk [tilespmem:v61+s13+$0x0], $0xffff;
	[tilespmem:s24+$0xFFFFFE70] =	vst v16  }
0x207: {  	v10 =	vld.idx.msk [tilespmem:v10+s13+$0x0], $0xffff;
	[tilespmem:s24+$0xFFFFFFF0] =	vst v13  }
0x208: {  	v62 =	vld.idx.msk [tilespmem:v18+s13+$0x0], $0xffff;
	[tilespmem:s24+$0xFFFFFF70] =	vst v60  }
0x209: {  	[tilespmem:s1+$0xFFFFFF80] =	vst v11;
	v14 =	vld.idx.msk [tilespmem:v17+s13+$0x0], $0xffff  }
0x20a: {  	[tilespmem:s1+$0xFFFFFE80] =	vst v9  }
0x20b: {  	[tilespmem:s24+$0xFFFFFF00] =	vst v63  }
0x20c: {  	s26 =	sshll.u32 s31, $0x10;
	[tilespmem:s24+$0xFFFFFE80] =	vst v10  }
0x20d: {  	s0 =	sadd.s32 s2, s26;
	[tilespmem:s24+$0x0] =	vst v62  }
0x20e: {  	s0 =	sadd.s32 s30, s0;
	[tilespmem:s24+$0xFFFFFF80] =	vst v14  }
0x20f: {  	[hbm4b:s0+s3] =	stream.linear.scatter [tilespmem:s20], [sflag:$0x4], $0x400, $0x38;
	[tilespmem:$0xA800] =	vst v63  }
0x210: {  	s30 =	sadd.s32 $0x4000, s0  }
0x211: {  	[hbm4b:s30+s3] =	stream.linear.scatter [tilespmem:s21], [sflag:$0x4], $0x400, $0x38;
	[tilespmem:$0xA800] =	vst v63  }
.Ltmp6:
0x212: {  	_ = 	snop;
	(pc) =	sbr.rel @p0 .LBB2_12-.Ltmp6, $4  }
0x213: {  	s31 =	sadd.s32 $0x8000, s0  }
0x214: {  	[hbm4b:s31+s3] =	stream.linear.scatter [tilespmem:s22], [sflag:$0x4], $0x400, $0x38;
	[tilespmem:$0xA800] =	vst v63  }
0x215: {  	s0 =	sadd.s32 $0xC000, s0  }
0x216: {  	[hbm4b:s0+s3] =	stream.linear.scatter [tilespmem:s23], [sflag:$0x4], $0x400, $0x38;
	[tilespmem:$0xA800] =	vst v63  }
.Ltmp7:
0x217: {  	(pc) =	sbr.rel .LBB2_4-.Ltmp7, $4  }
0x218: {  	s0 =	sshll.u32 s29, $0x8  }
0x219: {  	s0 =	sand.u32 $0x3FFFFF00, s0  }
0x21a: {  	s29 =	sadd.s32 $0x1, s29;
	s0 =	sadd.s32 $0x3580, s0  }
0x21b: {  	[tilespmem:s13], [sflag:$0x2] =	stream.indirect.gather [hbm4b:s4+s9], $0x20, s0, s9, $0xb8;
	[tilespmem:$0xA800] =	vst v63  }
.LBB2_13:
0x21c: {  	_ =	sfence.sel $0x180000  }
0x21d: {  	[bflag:$0x0] =	sbarrier.arrive $0xFFFF  }
0x21e: {  	_ =	strace $0x90000047  }
0x21f: {  	s0 =	stileid.u32;
	[bflag:$0x2] =	sbarrier.arrive $0xFFFF  }
0x220: {  	p0 =	sne.s32 s0, $0x0;
	s0 =	rddreg [dreg:$0x2]  }
0x221: {  	s0 =	sadd.s32 @!p0 $0x100000, s0  }
0x222: {  	[sflag:s0] =	ssyncadd.tile.s32 @!p0 $0x1;
	_ =	shalt  }
.Lfunc_end2:
_tile_overlayer_lowered:
.L_overlay_start_2:
0x223: {  	(tag) =	ssettag $0x2  }
0x224: {  	s0 =	rddreg [dreg:$0x0];
	s2 =	stileid.u32  }
0x225: {  	s1 =	rddreg [dreg:$0x1];
	p0 =	sne.s32 s2, $0x0  }
0x226: {  	s3 =	rddreg [dreg:$0x2];
	[bflag:$0x3] =	sbarrier.arrive $0xFFFF;
	s2 =	simm.s32 @!p0 $0x1C05  }
0x227: {  	[timem:s3], [sflag:s2] =	dma.local @!p0 [hbm:s0], s1  }
0x228: {  	s0 =	simm.s32 @!p0 $0x5  }
0x229: {  	_ =	swait.ge @!p0 [sflag:s0], s1  }
0x22a: {  	s1 =	ssub.s32 @!p0 $0x0, s1;
	[sflag:s0] =	ssyncset.done @!p0 $0x0  }
0x22b: {  	[sflag:s0] =	ssyncadd.s32 @!p0 s1  }
0x22c: {  	[bflag:$0x3] =	sbarrier.arrive $0xFFFF  }
0x22d: {  	_ =	shalt  }

</sc_bundles>
